<compile_context>
chip_gen: v7x
topology: tpu7x:2x2x1
jax: 0.10.2.dev20260603
libtpu: 0.0.44.dev20260713+nightly
codegen_flags: <defaults>
</compile_context>

<pallas_src>
import functools

import jax
import jax.numpy as jnp
from jax import lax
from jax.experimental import pallas as pl
from jax.experimental.pallas import tpu as pltpu
from jax.experimental.pallas import tpu_sc as plsc

N = 10000
E = 320000
DH = 64
H = 128
P = 64
NG = 256
ANN0 = 64

NC = 2
NS = 16
NW = NC * NS
EPW = E // NW
CH = 128
NFULL = EPW // CH
EREM = EPW - NFULL * CH
RPT = N // NS

f32 = jnp.float32
i32 = jnp.int32

_mesh = plsc.VectorSubcoreMesh(core_axis_name="c", subcore_axis_name="s")
_sc_params = pltpu.CompilerParams(use_tc_tiling_on_sc=False)


@functools.partial(
    pl.kernel,
    mesh=_mesh,
    out_type=jax.ShapeDtypeStruct((N, DH), f32),
    compiler_params=_sc_params,
    scratch_types=[
        pltpu.VMEM((CH,), i32),
        pltpu.VMEM((CH, DH), f32),
        pltpu.SemaphoreType.DMA,
    ],
)
def _sc_gather_xf(ft_hbm, idx_hbm, out_hbm, idxb, rows, sem):
    c = lax.axis_index("c")
    s = lax.axis_index("s")
    wid = s * NC + c

    def run(off, cnt):
        pltpu.sync_copy(idx_hbm.at[pl.ds(off, cnt)], idxb.at[pl.ds(0, cnt)])
        cp = pltpu.make_async_copy(
            ft_hbm.at[idxb.at[pl.ds(0, cnt)]], rows.at[pl.ds(0, cnt)], sem)
        cp.start()
        cp.wait()
        pltpu.sync_copy(rows.at[pl.ds(0, cnt)], out_hbm.at[pl.ds(off, cnt)])

    base = wid * 320

    @pl.when(wid < NW - 1)
    def _():
        run(base, 128)
        run(base + 128, 128)
        run(base + 256, 64)

    @pl.when(wid == NW - 1)
    def _():
        run(base, 64)
        run(base + 64, 16)


@functools.partial(
    pl.kernel,
    mesh=_mesh,
    out_type=(jax.ShapeDtypeStruct((NC * N, DH), f32),
              jax.ShapeDtypeStruct((NC * N, DH), f32)),
    compiler_params=_sc_params,
    scratch_types=[
        pltpu.VMEM((CH,), i32),
        pltpu.VMEM((CH,), i32),
        pltpu.VMEM((CH,), i32),
        pltpu.VMEM((CH,), i32),
        pltpu.VMEM((CH, DH), f32),
        pltpu.VMEM((CH, DH), f32),
        pltpu.VMEM((CH, DH), f32),
        pltpu.VMEM((CH, DH), f32),
        pltpu.VMEM((EREM,), i32),
        pltpu.VMEM((EREM,), i32),
        pltpu.VMEM((EREM, DH), f32),
        pltpu.VMEM((EREM, DH), f32),
        pltpu.VMEM((CH, DH), f32),
        pltpu.VMEM_SHARED((N, DH), f32),
        pltpu.VMEM_SHARED((N, DH), f32),
        pltpu.SemaphoreType.DMA,
        pltpu.SemaphoreType.DMA,
        pltpu.SemaphoreType.DMA,
        pltpu.SemaphoreType.DMA,
    ],
)
def _sc_spmm(tA, tB, src_hbm, dst_hbm, outA, outB,
             srcb0, srcb1, dstb0, dstb1,
             stgA0, stgA1, stgB0, stgB1,
             srcr, dstr, stgAr, stgBr,
             zbuf, accA, accB, semA0, semA1, semB0, semB1):
    c = lax.axis_index("c")
    s = lax.axis_index("s")
    wid = s * NC + c

    zv = jnp.zeros((16,), f32)

    def zrow(i, carry):
        for j in range(DH // 16):
            zbuf[i, pl.ds(j * 16, 16)] = zv
        return carry

    lax.fori_loop(0, CH, zrow, 0)

    rbase = s * RPT
    for j in range(RPT // CH):
        pltpu.sync_copy(zbuf, accA.at[pl.ds(rbase + j * CH, CH)])
        pltpu.sync_copy(zbuf, accB.at[pl.ds(rbase + j * CH, CH)])
    rrem = RPT - (RPT // CH) * CH
    if rrem:
        off = rbase + (RPT // CH) * CH
        pltpu.sync_copy(zbuf.at[pl.ds(0, rrem)], accA.at[pl.ds(off, rrem)])
        pltpu.sync_copy(zbuf.at[pl.ds(0, rrem)], accB.at[pl.ds(off, rrem)])
    plsc.subcore_barrier()

    ebase = wid * EPW
    srcb = (srcb0, srcb1)
    dstb = (dstb0, dstb1)
    stgA = (stgA0, stgA1)
    stgB = (stgB0, stgB1)
    semA = (semA0, semA1)
    semB = (semB0, semB1)

    def load_and_fire(k, p):
        off = ebase + k * CH
        pltpu.sync_copy(src_hbm.at[pl.ds(off, CH)], srcb[p])
        pltpu.sync_copy(dst_hbm.at[pl.ds(off, CH)], dstb[p])
        pltpu.make_async_copy(tA.at[srcb[p]], stgA[p], semA[p]).start()
        pltpu.make_async_copy(tB.at[srcb[p]], stgB[p], semB[p]).start()

    def drain_and_scatter(p):
        pltpu.make_async_copy(tA.at[srcb[p]], stgA[p], semA[p]).wait()
        pltpu.make_async_copy(tB.at[srcb[p]], stgB[p], semB[p]).wait()
        pltpu.sync_copy(stgA[p], accA.at[dstb[p]], add=True)
        pltpu.sync_copy(stgB[p], accB.at[dstb[p]], add=True)

    load_and_fire(0, 0)
    load_and_fire(1, 1)

    def body(i, carry):
        for p in range(2):
            k = 2 * i + p
            drain_and_scatter(p)

            @pl.when(k + 2 < NFULL)
            def _():
                load_and_fire(k + 2, p)
        return carry

    lax.fori_loop(0, NFULL // 2, body, 0)

    roff = ebase + NFULL * CH
    pltpu.sync_copy(src_hbm.at[pl.ds(roff, EREM)], srcr)
    pltpu.sync_copy(dst_hbm.at[pl.ds(roff, EREM)], dstr)
    pltpu.make_async_copy(tA.at[srcr], stgAr, semA0).start()
    pltpu.make_async_copy(tB.at[srcr], stgBr, semB0).start()
    pltpu.make_async_copy(tA.at[srcr], stgAr, semA0).wait()
    pltpu.make_async_copy(tB.at[srcr], stgBr, semB0).wait()
    pltpu.sync_copy(stgAr, accA.at[dstr], add=True)
    pltpu.sync_copy(stgBr, accB.at[dstr], add=True)

    plsc.subcore_barrier()
    pltpu.sync_copy(accA.at[pl.ds(rbase, RPT)],
                    outA.at[pl.ds(c * N + rbase, RPT)])
    pltpu.sync_copy(accB.at[pl.ds(rbase, RPT)],
                    outB.at[pl.ds(c * N + rbase, RPT)])


BN = 1000


def _tc_layer_body(aggA_ref, aggB_ref, inA_ref, inB_ref,
                   wlA_ref, wlB_ref, wsA_ref, wsB_ref, b_ref,
                   outA_ref, outB_ref):
    aggA = aggA_ref[0] + aggA_ref[1]
    aggB = aggB_ref[0] + aggB_ref[1]
    acc = jnp.dot(aggA, wlA_ref[...], preferred_element_type=f32)
    acc += jnp.dot(aggB, wlB_ref[...], preferred_element_type=f32)
    acc += jnp.dot(inA_ref[...], wsA_ref[...], preferred_element_type=f32)
    acc += jnp.dot(inB_ref[...], wsB_ref[...], preferred_element_type=f32)
    acc += b_ref[...]
    acc = jnp.where(acc > 0, acc, 0.1 * acc)
    outA_ref[...] = acc[:, :DH]
    outB_ref[...] = acc[:, DH:]


_layer_call = pl.pallas_call(
    _tc_layer_body,
    grid=(N // BN,),
    in_specs=[
        pl.BlockSpec((2, BN, DH), lambda i: (0, i, 0)),
        pl.BlockSpec((2, BN, DH), lambda i: (0, i, 0)),
        pl.BlockSpec((BN, DH), lambda i: (i, 0)),
        pl.BlockSpec((BN, DH), lambda i: (i, 0)),
        pl.BlockSpec((DH, H), lambda i: (0, 0)),
        pl.BlockSpec((DH, H), lambda i: (0, 0)),
        pl.BlockSpec((DH, H), lambda i: (0, 0)),
        pl.BlockSpec((DH, H), lambda i: (0, 0)),
        pl.BlockSpec((1, H), lambda i: (0, 0)),
    ],
    out_specs=[
        pl.BlockSpec((BN, DH), lambda i: (i, 0)),
        pl.BlockSpec((BN, DH), lambda i: (i, 0)),
    ],
    out_shape=[
        jax.ShapeDtypeStruct((N, DH), f32),
        jax.ShapeDtypeStruct((N, DH), f32),
    ],
)


def _tc_final_body(hA_ref, hB_ref, wpA_ref, wpB_ref, batch_ref,
                   l1w_ref, l1b_ref, l2w_ref, l2b_ref, out_ref, acc_ref):
    i = pl.program_id(0)
    p = jnp.dot(hA_ref[...], wpA_ref[...], preferred_element_type=f32)
    p += jnp.dot(hB_ref[...], wpB_ref[...], preferred_element_type=f32)
    gids = lax.broadcasted_iota(i32, (BN, NG), 1)
    oh = (gids == batch_ref[...]).astype(f32)
    contrib = lax.dot_general(oh, p, (((0,), (0,)), ((), ())),
                              preferred_element_type=f32)

    @pl.when(i == 0)
    def _():
        acc_ref[...] = jnp.zeros((NG, P), f32)

    acc_ref[...] += contrib

    @pl.when(i == N // BN - 1)
    def _():
        g = acc_ref[...]
        g = jnp.where(g > 0, g, 0.1 * g)
        a1 = jnp.dot(g, l1w_ref[...], preferred_element_type=f32) + l1b_ref[...]
        a1 = jnp.maximum(a1, 0.0)
        out_ref[...] = (jnp.dot(a1, l2w_ref[...], preferred_element_type=f32)
                        + l2b_ref[...])


_final_call = pl.pallas_call(
    _tc_final_body,
    grid=(N // BN,),
    in_specs=[
        pl.BlockSpec((BN, DH), lambda i: (i, 0)),
        pl.BlockSpec((BN, DH), lambda i: (i, 0)),
        pl.BlockSpec((DH, P), lambda i: (0, 0)),
        pl.BlockSpec((DH, P), lambda i: (0, 0)),
        pl.BlockSpec((BN, 1), lambda i: (i, 0)),
        pl.BlockSpec((P, ANN0), lambda i: (0, 0)),
        pl.BlockSpec((1, ANN0), lambda i: (0, 0)),
        pl.BlockSpec((ANN0, 1), lambda i: (0, 0)),
        pl.BlockSpec((1, 1), lambda i: (0, 0)),
    ],
    out_specs=pl.BlockSpec((NG, 1), lambda i: (0, 0)),
    out_shape=jax.ShapeDtypeStruct((NG, 1), f32),
    scratch_shapes=[pltpu.VMEM((NG, P), f32)],
)


def kernel(x, x_FT_index, edge_index, batch, FT_output,
           W1_l, W1_self, b1, W2_l, W2_self, b2,
           Wp, L1_W, L1_b, L2_W, L2_b):
    x = x.astype(f32)
    ei = edge_index.astype(i32)
    src = ei[0]
    dst = ei[1]
    ft_idx = x_FT_index.astype(i32)
    batch2 = batch.astype(i32).reshape(N, 1)

    w1lT = W1_l.T
    w1sT = W1_self.T
    w2lT = W2_l.T
    w2sT = W2_self.T
    wpT = Wp.T

    xf = _sc_gather_xf(FT_output.astype(f32), ft_idx)

    agg1A, agg1B = _sc_spmm(x, xf, src, dst)
    h1A, h1B = _layer_call(
        agg1A.reshape(NC, N, DH), agg1B.reshape(NC, N, DH), x, xf,
        w1lT[:DH], w1lT[DH:], w1sT[:DH], w1sT[DH:], b1.reshape(1, H))

    agg2A, agg2B = _sc_spmm(h1A, h1B, src, dst)
    h2A, h2B = _layer_call(
        agg2A.reshape(NC, N, DH), agg2B.reshape(NC, N, DH), h1A, h1B,
        w2lT[:DH], w2lT[DH:], w2sT[:DH], w2sT[DH:], b2.reshape(1, H))

    out = _final_call(
        h2A, h2B, wpT[:DH], wpT[DH:], batch2,
        L1_W.T, L1_b.reshape(1, ANN0), L2_W.T, L2_b.reshape(1, 1))
    return out

# --- scband reference (transcript-rebuilt; emitter-appended) ---
"""Pipeline reference for scband-gnn-2-l-int-no-edge-type-25125558682224 (READ-ONLY COPY).

The authoritative reference and input builder live on the scoring server;
editing this copy changes nothing except your own understanding.
"""

import jax, jax.numpy as jnp
import numpy as np

N = 10000
E = 320000
D_ATOM = 64
D_FT = 64
D_IN = D_ATOM + D_FT
H = 128
P = 64
NG = 256
NFT = 1000
ANN0 = 64
ANN1 = 1


def setup_inputs(seed: int = 0) -> dict:
    key = jax.random.key(seed)
    ks = jax.random.split(key, 16)
    scale = 0.05
    inp = {}
    inp['x'] = jax.random.normal(ks[0], (N, D_ATOM), dtype=jnp.float32)
    inp['x_FT_index'] = jax.random.randint(ks[1], (N,), 0, NFT, dtype=jnp.int64 if jax.config.jax_enable_x64 else jnp.int32)
    inp['edge_index'] = jax.random.randint(ks[2], (2, E), 0, N, dtype=jnp.int64 if jax.config.jax_enable_x64 else jnp.int32)
    inp['batch'] = jnp.sort(jax.random.randint(ks[3], (N,), 0, NG, dtype=jnp.int64 if jax.config.jax_enable_x64 else jnp.int32))
    inp['FT_output'] = jax.random.normal(ks[4], (NFT, D_FT), dtype=jnp.float32)
    # learned parameters
    inp['W1_l'] = jax.random.normal(ks[5], (H, D_IN), dtype=jnp.float32) * scale
    inp['W1_self'] = jax.random.normal(ks[6], (H, D_IN), dtype=jnp.float32) * scale
    inp['b1'] = jnp.zeros((H,), dtype=jnp.float32)
    inp['W2_l'] = jax.random.normal(ks[7], (H, H), dtype=jnp.float32) * scale
    inp['W2_self'] = jax.random.normal(ks[8], (H, H), dtype=jnp.float32) * scale
    inp['b2'] = jnp.zeros((H,), dtype=jnp.float32)
    inp['Wp'] = jax.random.normal(ks[9], (P, H), dtype=jnp.float32) * scale
    inp['L1_W'] = jax.random.normal(ks[10], (ANN0, P), dtype=jnp.float32) * scale
    inp['L1_b'] = jax.random.normal(ks[11], (ANN0,), dtype=jnp.float32) * scale
    inp['L2_W'] = jax.random.normal(ks[12], (ANN1, ANN0), dtype=jnp.float32) * scale
    inp['L2_b'] = jax.random.normal(ks[13], (ANN1,), dtype=jnp.float32) * scale
    return inp


def _leaky(v):
    return jnp.where(v > 0, v, 0.1 * v)


def reference(x, x_FT_index, edge_index, batch, FT_output,
              W1_l, W1_self, b1, W2_l, W2_self, b2,
              Wp, L1_W, L1_b, L2_W, L2_b):
    # concat node features with gathered fragment features
    h = jnp.concatenate([x, jnp.take(FT_output, x_FT_index, axis=0)], axis=1)
    src = edge_index[0]
    dst = edge_index[1]
    # conv layer 1: propagate (scatter-add of x_j into dst) then linear + self linear + bias
    agg = jax.ops.segment_sum(jnp.take(h, src, axis=0), dst, num_segments=N)
    h = agg @ W1_l.T + h @ W1_self.T + b1
    h = _leaky(h)
    # conv layer 2
    agg = jax.ops.segment_sum(jnp.take(h, src, axis=0), dst, num_segments=N)
    h = agg @ W2_l.T + h @ W2_self.T + b2
    h = _leaky(h)
    # project to p_channels
    h = h @ Wp.T
    # global add pool per graph
    g = jax.ops.segment_sum(h, batch, num_segments=NG)
    g = _leaky(g)
    # ANN head
    g = jax.nn.relu(g @ L1_W.T + L1_b)
    out = g @ L2_W.T + L2_b
    return out

if __name__ == "__main__":
    import jax
    _d = setup_inputs()
    print(jax.jit(kernel)(*tuple(_d.values())))

</pallas_src>

<mosaic_0001>
#map = affine_map<(d0, d1) -> (0, 0)>
#map1 = affine_map<(d0, d1) -> (0)>
module attributes {stable_mosaic.version = 14 : i64} {
  func.func @_sc_gather_xf(%arg0: i32, %arg1: i32, %arg2: memref<1000x64xf32, #tpu.memory_space<hbm>>, %arg3: memref<10000xi32, #tpu.memory_space<hbm>>, %arg4: memref<10000x64xf32, #tpu.memory_space<hbm>>, %arg5: memref<128xi32, #tpu.memory_space<vmem>>, %arg6: memref<128x64xf32, #tpu.memory_space<vmem>>, %arg7: memref<!tpu.dma_semaphore, #tpu.memory_space<semaphore_mem>>) attributes {dimension_semantics = [#tpu.dimension_semantics<core_parallel>, #tpu.dimension_semantics<subcore_parallel>], iteration_bounds = array<i64: 2, 16>, scalar_prefetch = 0 : i64, scratch_operands = 3 : i64, tpu.core_type = #tpu.core_type<sc_vector_subcore>, window_params = [{transform_indices = #map}, {transform_indices = #map1}, {transform_indices = #map}]} {
    %mul3A = arith.constant 2 : i32
    %mul3A_0 = arith.muli %arg1, %mul3A : i32
    %add3A = arith.addi %mul3A_0, %arg0 : i32
    %mul3A_1 = arith.constant 320 : i32
    %mul3A_2 = arith.muli %add3A, %mul3A_1 : i32
    %lt3A = arith.constant 31 : i32
    %lt3A_3 = arith.cmpi slt, %add3A, %lt3A : i32
    %convert_element_type3A = arith.extui %lt3A_3 : i1 to i32
    %cond3A = arith.constant 0 : i32
    %cond3A_4 = arith.cmpi ne, %convert_element_type3A, %cond3A : i32
    scf.if %cond3A_4 {
      "tpu.region"() ({
        %run_scoped3A = tpu.sem_alloc : memref<!tpu.dma_semaphore, #tpu.memory_space<semaphore_mem>>
        %dma_start3A_59 = arith.constant 0 : i32
        %dma_start3A_60 = tpu.memref_slice %arg5[%dma_start3A_59] : memref<128xi32, #tpu.memory_space<vmem>> -> memref<128xi32, #tpu.memory_space<vmem>>
        %dma_start3A_61 = tpu.memref_slice %arg3[%mul3A_2] : memref<10000xi32, #tpu.memory_space<hbm>> -> memref<128xi32, #tpu.memory_space<hbm>>
        %dma_start3A_62 = arith.constant 0 : i32
        %dma_start3A_63 = tpu.memref_slice %arg5[%dma_start3A_62] : memref<128xi32, #tpu.memory_space<vmem>> -> memref<128xi32, #tpu.memory_space<vmem>>
        %dma_start3A_64 = tpu.memref_slice %arg3[%mul3A_2] : memref<10000xi32, #tpu.memory_space<hbm>> -> memref<128xi32, #tpu.memory_space<hbm>>
        tpu.enqueue_dma source(%dma_start3A_64 : memref<128xi32, #tpu.memory_space<hbm>>) target(%dma_start3A_63 : memref<128xi32, #tpu.memory_space<vmem>>) target_semaphore(%run_scoped3A : memref<!tpu.dma_semaphore, #tpu.memory_space<semaphore_mem>>)
        %dma_wait3A_65 = arith.constant 0 : i32
        %dma_wait3A_66 = tpu.memref_slice %arg5[%dma_wait3A_65] : memref<128xi32, #tpu.memory_space<vmem>> -> memref<128xi32, #tpu.memory_space<vmem>>
        %dma_wait3A_67 = tpu.memref_slice %arg3[%mul3A_2] : memref<10000xi32, #tpu.memory_space<hbm>> -> memref<128xi32, #tpu.memory_space<hbm>>
        %dma_wait3A_68 = arith.constant 0 : i32
        %dma_wait3A_69 = tpu.memref_slice %arg5[%dma_wait3A_68] : memref<128xi32, #tpu.memory_space<vmem>> -> memref<128xi32, #tpu.memory_space<vmem>>
        %dma_wait3A_70 = tpu.memref_slice %arg3[%mul3A_2] : memref<10000xi32, #tpu.memory_space<hbm>> -> memref<128xi32, #tpu.memory_space<hbm>>
        tpu.wait_dma2 semaphore(%run_scoped3A : memref<!tpu.dma_semaphore, #tpu.memory_space<semaphore_mem>>) src(%dma_wait3A_70 : memref<128xi32, #tpu.memory_space<hbm>>) dst(%dma_wait3A_69 : memref<128xi32, #tpu.memory_space<vmem>>)
        tpu.yield
      }) : () -> ()
      %dma_start3A = arith.constant 0 : i32
      %dma_start3A_9 = arith.constant 0 : i32
      %dma_start3A_10 = tpu.memref_slice %arg6[%dma_start3A, %dma_start3A_9] : memref<128x64xf32, #tpu.memory_space<vmem>> -> memref<128x64xf32, #tpu.memory_space<vmem>>
      %dma_start3A_11 = arith.constant 0 : i32
      %dma_start3A_12 = tpu.memref_slice %arg5[%dma_start3A_11] : memref<128xi32, #tpu.memory_space<vmem>> -> memref<128xi32, #tpu.memory_space<vmem>>
      %dma_start3A_13 = arith.constant 0 : i32
      %dma_start3A_14 = arith.constant 0 : i32
      %dma_start3A_15 = tpu.memref_slice %arg2[%dma_start3A_13, %dma_start3A_14] : memref<1000x64xf32, #tpu.memory_space<hbm>> -> memref<1000x64xf32, #tpu.memory_space<hbm>>
      tpu.enqueue_indirect_dma source(%dma_start3A_15 : memref<1000x64xf32, #tpu.memory_space<hbm>>) target(%dma_start3A_10 : memref<128x64xf32, #tpu.memory_space<vmem>>) offsets(%dma_start3A_12 : memref<128xi32, #tpu.memory_space<vmem>>) semaphore(%arg7 : memref<!tpu.dma_semaphore, #tpu.memory_space<semaphore_mem>>)
      %dma_wait3A = arith.constant 0 : i32
      %dma_wait3A_16 = arith.constant 0 : i32
      %dma_wait3A_17 = tpu.memref_slice %arg6[%dma_wait3A, %dma_wait3A_16] : memref<128x64xf32, #tpu.memory_space<vmem>> -> memref<128x64xf32, #tpu.memory_space<vmem>>
      %dma_wait3A_18 = arith.constant 0 : i32
      %dma_wait3A_19 = tpu.memref_slice %arg5[%dma_wait3A_18] : memref<128xi32, #tpu.memory_space<vmem>> -> memref<128xi32, #tpu.memory_space<vmem>>
      %dma_wait3A_20 = arith.constant 0 : i32
      %dma_wait3A_21 = arith.constant 0 : i32
      %dma_wait3A_22 = tpu.memref_slice %arg2[%dma_wait3A_20, %dma_wait3A_21] : memref<1000x64xf32, #tpu.memory_space<hbm>> -> memref<1000x64xf32, #tpu.memory_space<hbm>>
      tpu.wait_indirect_dma semaphore(%arg7 : memref<!tpu.dma_semaphore, #tpu.memory_space<semaphore_mem>>) src(%dma_wait3A_22 : memref<1000x64xf32, #tpu.memory_space<hbm>>) dst(%dma_wait3A_17 : memref<128x64xf32, #tpu.memory_space<vmem>>)
      "tpu.region"() ({
        %run_scoped3A = tpu.sem_alloc : memref<!tpu.dma_semaphore, #tpu.memory_space<semaphore_mem>>
        %dma_start3A_59 = arith.constant 0 : i32
        %dma_start3A_60 = arith.constant 0 : i32
        %dma_start3A_61 = tpu.memref_slice %arg6[%dma_start3A_59, %dma_start3A_60] : memref<128x64xf32, #tpu.memory_space<vmem>> -> memref<128x64xf32, #tpu.memory_space<vmem>>
        %dma_start3A_62 = arith.constant 0 : i32
        %dma_start3A_63 = tpu.memref_slice %arg4[%mul3A_2, %dma_start3A_62] : memref<10000x64xf32, #tpu.memory_space<hbm>> -> memref<128x64xf32, #tpu.memory_space<hbm>>
        %dma_start3A_64 = arith.constant 0 : i32
        %dma_start3A_65 = tpu.memref_slice %arg4[%mul3A_2, %dma_start3A_64] : memref<10000x64xf32, #tpu.memory_space<hbm>> -> memref<128x64xf32, #tpu.memory_space<hbm>>
        %dma_start3A_66 = arith.constant 0 : i32
        %dma_start3A_67 = arith.constant 0 : i32
        %dma_start3A_68 = tpu.memref_slice %arg6[%dma_start3A_66, %dma_start3A_67] : memref<128x64xf32, #tpu.memory_space<vmem>> -> memref<128x64xf32, #tpu.memory_space<vmem>>
        tpu.enqueue_dma source(%dma_start3A_68 : memref<128x64xf32, #tpu.memory_space<vmem>>) target(%dma_start3A_65 : memref<128x64xf32, #tpu.memory_space<hbm>>) target_semaphore(%run_scoped3A : memref<!tpu.dma_semaphore, #tpu.memory_space<semaphore_mem>>)
        %dma_wait3A_69 = arith.constant 0 : i32
        %dma_wait3A_70 = arith.constant 0 : i32
        %dma_wait3A_71 = tpu.memref_slice %arg6[%dma_wait3A_69, %dma_wait3A_70] : memref<128x64xf32, #tpu.memory_space<vmem>> -> memref<128x64xf32, #tpu.memory_space<vmem>>
        %dma_wait3A_72 = arith.constant 0 : i32
        %dma_wait3A_73 = tpu.memref_slice %arg4[%mul3A_2, %dma_wait3A_72] : memref<10000x64xf32, #tpu.memory_space<hbm>> -> memref<128x64xf32, #tpu.memory_space<hbm>>
        %dma_wait3A_74 = arith.constant 0 : i32
        %dma_wait3A_75 = tpu.memref_slice %arg4[%mul3A_2, %dma_wait3A_74] : memref<10000x64xf32, #tpu.memory_space<hbm>> -> memref<128x64xf32, #tpu.memory_space<hbm>>
        %dma_wait3A_76 = arith.constant 0 : i32
        %dma_wait3A_77 = arith.constant 0 : i32
        %dma_wait3A_78 = tpu.memref_slice %arg6[%dma_wait3A_76, %dma_wait3A_77] : memref<128x64xf32, #tpu.memory_space<vmem>> -> memref<128x64xf32, #tpu.memory_space<vmem>>
        tpu.wait_dma2 semaphore(%run_scoped3A : memref<!tpu.dma_semaphore, #tpu.memory_space<semaphore_mem>>) src(%dma_wait3A_78 : memref<128x64xf32, #tpu.memory_space<vmem>>) dst(%dma_wait3A_75 : memref<128x64xf32, #tpu.memory_space<hbm>>)
        tpu.yield
      }) : () -> ()
      %add3A_23 = arith.constant 128 : i32
      %add3A_24 = arith.addi %mul3A_2, %add3A_23 : i32
      "tpu.region"() ({
        %run_scoped3A = tpu.sem_alloc : memref<!tpu.dma_semaphore, #tpu.memory_space<semaphore_mem>>
        %dma_start3A_59 = arith.constant 0 : i32
        %dma_start3A_60 = tpu.memref_slice %arg5[%dma_start3A_59] : memref<128xi32, #tpu.memory_space<vmem>> -> memref<128xi32, #tpu.memory_space<vmem>>
        %dma_start3A_61 = tpu.memref_slice %arg3[%add3A_24] : memref<10000xi32, #tpu.memory_space<hbm>> -> memref<128xi32, #tpu.memory_space<hbm>>
        %dma_start3A_62 = arith.constant 0 : i32
        %dma_start3A_63 = tpu.memref_slice %arg5[%dma_start3A_62] : memref<128xi32, #tpu.memory_space<vmem>> -> memref<128xi32, #tpu.memory_space<vmem>>
        %dma_start3A_64 = tpu.memref_slice %arg3[%add3A_24] : memref<10000xi32, #tpu.memory_space<hbm>> -> memref<128xi32, #tpu.memory_space<hbm>>
        tpu.enqueue_dma source(%dma_start3A_64 : memref<128xi32, #tpu.memory_space<hbm>>) target(%dma_start3A_63 : memref<128xi32, #tpu.memory_space<vmem>>) target_semaphore(%run_scoped3A : memref<!tpu.dma_semaphore, #tpu.memory_space<semaphore_mem>>)
        %dma_wait3A_65 = arith.constant 0 : i32
        %dma_wait3A_66 = tpu.memref_slice %arg5[%dma_wait3A_65] : memref<128xi32, #tpu.memory_space<vmem>> -> memref<128xi32, #tpu.memory_space<vmem>>
        %dma_wait3A_67 = tpu.memref_slice %arg3[%add3A_24] : memref<10000xi32, #tpu.memory_space<hbm>> -> memref<128xi32, #tpu.memory_space<hbm>>
        %dma_wait3A_68 = arith.constant 0 : i32
        %dma_wait3A_69 = tpu.memref_slice %arg5[%dma_wait3A_68] : memref<128xi32, #tpu.memory_space<vmem>> -> memref<128xi32, #tpu.memory_space<vmem>>
        %dma_wait3A_70 = tpu.memref_slice %arg3[%add3A_24] : memref<10000xi32, #tpu.memory_space<hbm>> -> memref<128xi32, #tpu.memory_space<hbm>>
        tpu.wait_dma2 semaphore(%run_scoped3A : memref<!tpu.dma_semaphore, #tpu.memory_space<semaphore_mem>>) src(%dma_wait3A_70 : memref<128xi32, #tpu.memory_space<hbm>>) dst(%dma_wait3A_69 : memref<128xi32, #tpu.memory_space<vmem>>)
        tpu.yield
      }) : () -> ()
      %dma_start3A_25 = arith.constant 0 : i32
      %dma_start3A_26 = arith.constant 0 : i32
      %dma_start3A_27 = tpu.memref_slice %arg6[%dma_start3A_25, %dma_start3A_26] : memref<128x64xf32, #tpu.memory_space<vmem>> -> memref<128x64xf32, #tpu.memory_space<vmem>>
      %dma_start3A_28 = arith.constant 0 : i32
      %dma_start3A_29 = tpu.memref_slice %arg5[%dma_start3A_28] : memref<128xi32, #tpu.memory_space<vmem>> -> memref<128xi32, #tpu.memory_space<vmem>>
      %dma_start3A_30 = arith.constant 0 : i32
      %dma_start3A_31 = arith.constant 0 : i32
      %dma_start3A_32 = tpu.memref_slice %arg2[%dma_start3A_30, %dma_start3A_31] : memref<1000x64xf32, #tpu.memory_space<hbm>> -> memref<1000x64xf32, #tpu.memory_space<hbm>>
      tpu.enqueue_indirect_dma source(%dma_start3A_32 : memref<1000x64xf32, #tpu.memory_space<hbm>>) target(%dma_start3A_27 : memref<128x64xf32, #tpu.memory_space<vmem>>) offsets(%dma_start3A_29 : memref<128xi32, #tpu.memory_space<vmem>>) semaphore(%arg7 : memref<!tpu.dma_semaphore, #tpu.memory_space<semaphore_mem>>)
      %dma_wait3A_33 = arith.constant 0 : i32
      %dma_wait3A_34 = arith.constant 0 : i32
      %dma_wait3A_35 = tpu.memref_slice %arg6[%dma_wait3A_33, %dma_wait3A_34] : memref<128x64xf32, #tpu.memory_space<vmem>> -> memref<128x64xf32, #tpu.memory_space<vmem>>
      %dma_wait3A_36 = arith.constant 0 : i32
      %dma_wait3A_37 = tpu.memref_slice %arg5[%dma_wait3A_36] : memref<128xi32, #tpu.memory_space<vmem>> -> memref<128xi32, #tpu.memory_space<vmem>>
      %dma_wait3A_38 = arith.constant 0 : i32
      %dma_wait3A_39 = arith.constant 0 : i32
      %dma_wait3A_40 = tpu.memref_slice %arg2[%dma_wait3A_38, %dma_wait3A_39] : memref<1000x64xf32, #tpu.memory_space<hbm>> -> memref<1000x64xf32, #tpu.memory_space<hbm>>
      tpu.wait_indirect_dma semaphore(%arg7 : memref<!tpu.dma_semaphore, #tpu.memory_space<semaphore_mem>>) src(%dma_wait3A_40 : memref<1000x64xf32, #tpu.memory_space<hbm>>) dst(%dma_wait3A_35 : memref<128x64xf32, #tpu.memory_space<vmem>>)
      "tpu.region"() ({
        %run_scoped3A = tpu.sem_alloc : memref<!tpu.dma_semaphore, #tpu.memory_space<semaphore_mem>>
        %dma_start3A_59 = arith.constant 0 : i32
        %dma_start3A_60 = arith.constant 0 : i32
        %dma_start3A_61 = tpu.memref_slice %arg6[%dma_start3A_59, %dma_start3A_60] : memref<128x64xf32, #tpu.memory_space<vmem>> -> memref<128x64xf32, #tpu.memory_space<vmem>>
        %dma_start3A_62 = arith.constant 0 : i32
        %dma_start3A_63 = tpu.memref_slice %arg4[%add3A_24, %dma_start3A_62] : memref<10000x64xf32, #tpu.memory_space<hbm>> -> memref<128x64xf32, #tpu.memory_space<hbm>>
        %dma_start3A_64 = arith.constant 0 : i32
        %dma_start3A_65 = tpu.memref_slice %arg4[%add3A_24, %dma_start3A_64] : memref<10000x64xf32, #tpu.memory_space<hbm>> -> memref<128x64xf32, #tpu.memory_space<hbm>>
        %dma_start3A_66 = arith.constant 0 : i32
        %dma_start3A_67 = arith.constant 0 : i32
        %dma_start3A_68 = tpu.memref_slice %arg6[%dma_start3A_66, %dma_start3A_67] : memref<128x64xf32, #tpu.memory_space<vmem>> -> memref<128x64xf32, #tpu.memory_space<vmem>>
        tpu.enqueue_dma source(%dma_start3A_68 : memref<128x64xf32, #tpu.memory_space<vmem>>) target(%dma_start3A_65 : memref<128x64xf32, #tpu.memory_space<hbm>>) target_semaphore(%run_scoped3A : memref<!tpu.dma_semaphore, #tpu.memory_space<semaphore_mem>>)
        %dma_wait3A_69 = arith.constant 0 : i32
        %dma_wait3A_70 = arith.constant 0 : i32
        %dma_wait3A_71 = tpu.memref_slice %arg6[%dma_wait3A_69, %dma_wait3A_70] : memref<128x64xf32, #tpu.memory_space<vmem>> -> memref<128x64xf32, #tpu.memory_space<vmem>>
        %dma_wait3A_72 = arith.constant 0 : i32
        %dma_wait3A_73 = tpu.memref_slice %arg4[%add3A_24, %dma_wait3A_72] : memref<10000x64xf32, #tpu.memory_space<hbm>> -> memref<128x64xf32, #tpu.memory_space<hbm>>
        %dma_wait3A_74 = arith.constant 0 : i32
        %dma_wait3A_75 = tpu.memref_slice %arg4[%add3A_24, %dma_wait3A_74] : memref<10000x64xf32, #tpu.memory_space<hbm>> -> memref<128x64xf32, #tpu.memory_space<hbm>>
        %dma_wait3A_76 = arith.constant 0 : i32
        %dma_wait3A_77 = arith.constant 0 : i32
        %dma_wait3A_78 = tpu.memref_slice %arg6[%dma_wait3A_76, %dma_wait3A_77] : memref<128x64xf32, #tpu.memory_space<vmem>> -> memref<128x64xf32, #tpu.memory_space<vmem>>
        tpu.wait_dma2 semaphore(%run_scoped3A : memref<!tpu.dma_semaphore, #tpu.memory_space<semaphore_mem>>) src(%dma_wait3A_78 : memref<128x64xf32, #tpu.memory_space<vmem>>) dst(%dma_wait3A_75 : memref<128x64xf32, #tpu.memory_space<hbm>>)
        tpu.yield
      }) : () -> ()
      %add3A_41 = arith.constant 256 : i32
      %add3A_42 = arith.addi %mul3A_2, %add3A_41 : i32
      "tpu.region"() ({
        %run_scoped3A = tpu.sem_alloc : memref<!tpu.dma_semaphore, #tpu.memory_space<semaphore_mem>>
        %dma_start3A_59 = arith.constant 0 : i32
        %dma_start3A_60 = tpu.memref_slice %arg5[%dma_start3A_59] : memref<128xi32, #tpu.memory_space<vmem>> -> memref<64xi32, #tpu.memory_space<vmem>>
        %dma_start3A_61 = tpu.memref_slice %arg3[%add3A_42] : memref<10000xi32, #tpu.memory_space<hbm>> -> memref<64xi32, #tpu.memory_space<hbm>>
        %dma_start3A_62 = arith.constant 0 : i32
        %dma_start3A_63 = tpu.memref_slice %arg5[%dma_start3A_62] : memref<128xi32, #tpu.memory_space<vmem>> -> memref<64xi32, #tpu.memory_space<vmem>>
        %dma_start3A_64 = tpu.memref_slice %arg3[%add3A_42] : memref<10000xi32, #tpu.memory_space<hbm>> -> memref<64xi32, #tpu.memory_space<hbm>>
        tpu.enqueue_dma source(%dma_start3A_64 : memref<64xi32, #tpu.memory_space<hbm>>) target(%dma_start3A_63 : memref<64xi32, #tpu.memory_space<vmem>>) target_semaphore(%run_scoped3A : memref<!tpu.dma_semaphore, #tpu.memory_space<semaphore_mem>>)
        %dma_wait3A_65 = arith.constant 0 : i32
        %dma_wait3A_66 = tpu.memref_slice %arg5[%dma_wait3A_65] : memref<128xi32, #tpu.memory_space<vmem>> -> memref<64xi32, #tpu.memory_space<vmem>>
        %dma_wait3A_67 = tpu.memref_slice %arg3[%add3A_42] : memref<10000xi32, #tpu.memory_space<hbm>> -> memref<64xi32, #tpu.memory_space<hbm>>
        %dma_wait3A_68 = arith.constant 0 : i32
        %dma_wait3A_69 = tpu.memref_slice %arg5[%dma_wait3A_68] : memref<128xi32, #tpu.memory_space<vmem>> -> memref<64xi32, #tpu.memory_space<vmem>>
        %dma_wait3A_70 = tpu.memref_slice %arg3[%add3A_42] : memref<10000xi32, #tpu.memory_space<hbm>> -> memref<64xi32, #tpu.memory_space<hbm>>
        tpu.wait_dma2 semaphore(%run_scoped3A : memref<!tpu.dma_semaphore, #tpu.memory_space<semaphore_mem>>) src(%dma_wait3A_70 : memref<64xi32, #tpu.memory_space<hbm>>) dst(%dma_wait3A_69 : memref<64xi32, #tpu.memory_space<vmem>>)
        tpu.yield
      }) : () -> ()
      %dma_start3A_43 = arith.constant 0 : i32
      %dma_start3A_44 = arith.constant 0 : i32
      %dma_start3A_45 = tpu.memref_slice %arg6[%dma_start3A_43, %dma_start3A_44] : memref<128x64xf32, #tpu.memory_space<vmem>> -> memref<64x64xf32, #tpu.memory_space<vmem>>
      %dma_start3A_46 = arith.constant 0 : i32
      %dma_start3A_47 = tpu.memref_slice %arg5[%dma_start3A_46] : memref<128xi32, #tpu.memory_space<vmem>> -> memref<64xi32, #tpu.memory_space<vmem>>
      %dma_start3A_48 = arith.constant 0 : i32
      %dma_start3A_49 = arith.constant 0 : i32
      %dma_start3A_50 = tpu.memref_slice %arg2[%dma_start3A_48, %dma_start3A_49] : memref<1000x64xf32, #tpu.memory_space<hbm>> -> memref<1000x64xf32, #tpu.memory_space<hbm>>
      tpu.enqueue_indirect_dma source(%dma_start3A_50 : memref<1000x64xf32, #tpu.memory_space<hbm>>) target(%dma_start3A_45 : memref<64x64xf32, #tpu.memory_space<vmem>>) offsets(%dma_start3A_47 : memref<64xi32, #tpu.memory_space<vmem>>) semaphore(%arg7 : memref<!tpu.dma_semaphore, #tpu.memory_space<semaphore_mem>>)
      %dma_wait3A_51 = arith.constant 0 : i32
      %dma_wait3A_52 = arith.constant 0 : i32
      %dma_wait3A_53 = tpu.memref_slice %arg6[%dma_wait3A_51, %dma_wait3A_52] : memref<128x64xf32, #tpu.memory_space<vmem>> -> memref<64x64xf32, #tpu.memory_space<vmem>>
      %dma_wait3A_54 = arith.constant 0 : i32
      %dma_wait3A_55 = tpu.memref_slice %arg5[%dma_wait3A_54] : memref<128xi32, #tpu.memory_space<vmem>> -> memref<64xi32, #tpu.memory_space<vmem>>
      %dma_wait3A_56 = arith.constant 0 : i32
      %dma_wait3A_57 = arith.constant 0 : i32
      %dma_wait3A_58 = tpu.memref_slice %arg2[%dma_wait3A_56, %dma_wait3A_57] : memref<1000x64xf32, #tpu.memory_space<hbm>> -> memref<1000x64xf32, #tpu.memory_space<hbm>>
      tpu.wait_indirect_dma semaphore(%arg7 : memref<!tpu.dma_semaphore, #tpu.memory_space<semaphore_mem>>) src(%dma_wait3A_58 : memref<1000x64xf32, #tpu.memory_space<hbm>>) dst(%dma_wait3A_53 : memref<64x64xf32, #tpu.memory_space<vmem>>)
      "tpu.region"() ({
        %run_scoped3A = tpu.sem_alloc : memref<!tpu.dma_semaphore, #tpu.memory_space<semaphore_mem>>
        %dma_start3A_59 = arith.constant 0 : i32
        %dma_start3A_60 = arith.constant 0 : i32
        %dma_start3A_61 = tpu.memref_slice %arg6[%dma_start3A_59, %dma_start3A_60] : memref<128x64xf32, #tpu.memory_space<vmem>> -> memref<64x64xf32, #tpu.memory_space<vmem>>
        %dma_start3A_62 = arith.constant 0 : i32
        %dma_start3A_63 = tpu.memref_slice %arg4[%add3A_42, %dma_start3A_62] : memref<10000x64xf32, #tpu.memory_space<hbm>> -> memref<64x64xf32, #tpu.memory_space<hbm>>
        %dma_start3A_64 = arith.constant 0 : i32
        %dma_start3A_65 = tpu.memref_slice %arg4[%add3A_42, %dma_start3A_64] : memref<10000x64xf32, #tpu.memory_space<hbm>> -> memref<64x64xf32, #tpu.memory_space<hbm>>
        %dma_start3A_66 = arith.constant 0 : i32
        %dma_start3A_67 = arith.constant 0 : i32
        %dma_start3A_68 = tpu.memref_slice %arg6[%dma_start3A_66, %dma_start3A_67] : memref<128x64xf32, #tpu.memory_space<vmem>> -> memref<64x64xf32, #tpu.memory_space<vmem>>
        tpu.enqueue_dma source(%dma_start3A_68 : memref<64x64xf32, #tpu.memory_space<vmem>>) target(%dma_start3A_65 : memref<64x64xf32, #tpu.memory_space<hbm>>) target_semaphore(%run_scoped3A : memref<!tpu.dma_semaphore, #tpu.memory_space<semaphore_mem>>)
        %dma_wait3A_69 = arith.constant 0 : i32
        %dma_wait3A_70 = arith.constant 0 : i32
        %dma_wait3A_71 = tpu.memref_slice %arg6[%dma_wait3A_69, %dma_wait3A_70] : memref<128x64xf32, #tpu.memory_space<vmem>> -> memref<64x64xf32, #tpu.memory_space<vmem>>
        %dma_wait3A_72 = arith.constant 0 : i32
        %dma_wait3A_73 = tpu.memref_slice %arg4[%add3A_42, %dma_wait3A_72] : memref<10000x64xf32, #tpu.memory_space<hbm>> -> memref<64x64xf32, #tpu.memory_space<hbm>>
        %dma_wait3A_74 = arith.constant 0 : i32
        %dma_wait3A_75 = tpu.memref_slice %arg4[%add3A_42, %dma_wait3A_74] : memref<10000x64xf32, #tpu.memory_space<hbm>> -> memref<64x64xf32, #tpu.memory_space<hbm>>
        %dma_wait3A_76 = arith.constant 0 : i32
        %dma_wait3A_77 = arith.constant 0 : i32
        %dma_wait3A_78 = tpu.memref_slice %arg6[%dma_wait3A_76, %dma_wait3A_77] : memref<128x64xf32, #tpu.memory_space<vmem>> -> memref<64x64xf32, #tpu.memory_space<vmem>>
        tpu.wait_dma2 semaphore(%run_scoped3A : memref<!tpu.dma_semaphore, #tpu.memory_space<semaphore_mem>>) src(%dma_wait3A_78 : memref<64x64xf32, #tpu.memory_space<vmem>>) dst(%dma_wait3A_75 : memref<64x64xf32, #tpu.memory_space<hbm>>)
        tpu.yield
      }) : () -> ()
    } else {
    }
    %eq3A = arith.constant 31 : i32
    %eq3A_5 = arith.cmpi eq, %add3A, %eq3A : i32
    %convert_element_type3A_6 = arith.extui %eq3A_5 : i1 to i32
    %cond3A_7 = arith.constant 0 : i32
    %cond3A_8 = arith.cmpi ne, %convert_element_type3A_6, %cond3A_7 : i32
    scf.if %cond3A_8 {
      "tpu.region"() ({
        %run_scoped3A = tpu.sem_alloc : memref<!tpu.dma_semaphore, #tpu.memory_space<semaphore_mem>>
        %dma_start3A_41 = arith.constant 0 : i32
        %dma_start3A_42 = tpu.memref_slice %arg5[%dma_start3A_41] : memref<128xi32, #tpu.memory_space<vmem>> -> memref<64xi32, #tpu.memory_space<vmem>>
        %dma_start3A_43 = tpu.memref_slice %arg3[%mul3A_2] : memref<10000xi32, #tpu.memory_space<hbm>> -> memref<64xi32, #tpu.memory_space<hbm>>
        %dma_start3A_44 = arith.constant 0 : i32
        %dma_start3A_45 = tpu.memref_slice %arg5[%dma_start3A_44] : memref<128xi32, #tpu.memory_space<vmem>> -> memref<64xi32, #tpu.memory_space<vmem>>
        %dma_start3A_46 = tpu.memref_slice %arg3[%mul3A_2] : memref<10000xi32, #tpu.memory_space<hbm>> -> memref<64xi32, #tpu.memory_space<hbm>>
        tpu.enqueue_dma source(%dma_start3A_46 : memref<64xi32, #tpu.memory_space<hbm>>) target(%dma_start3A_45 : memref<64xi32, #tpu.memory_space<vmem>>) target_semaphore(%run_scoped3A : memref<!tpu.dma_semaphore, #tpu.memory_space<semaphore_mem>>)
        %dma_wait3A_47 = arith.constant 0 : i32
        %dma_wait3A_48 = tpu.memref_slice %arg5[%dma_wait3A_47] : memref<128xi32, #tpu.memory_space<vmem>> -> memref<64xi32, #tpu.memory_space<vmem>>
        %dma_wait3A_49 = tpu.memref_slice %arg3[%mul3A_2] : memref<10000xi32, #tpu.memory_space<hbm>> -> memref<64xi32, #tpu.memory_space<hbm>>
        %dma_wait3A_50 = arith.constant 0 : i32
        %dma_wait3A_51 = tpu.memref_slice %arg5[%dma_wait3A_50] : memref<128xi32, #tpu.memory_space<vmem>> -> memref<64xi32, #tpu.memory_space<vmem>>
        %dma_wait3A_52 = tpu.memref_slice %arg3[%mul3A_2] : memref<10000xi32, #tpu.memory_space<hbm>> -> memref<64xi32, #tpu.memory_space<hbm>>
        tpu.wait_dma2 semaphore(%run_scoped3A : memref<!tpu.dma_semaphore, #tpu.memory_space<semaphore_mem>>) src(%dma_wait3A_52 : memref<64xi32, #tpu.memory_space<hbm>>) dst(%dma_wait3A_51 : memref<64xi32, #tpu.memory_space<vmem>>)
        tpu.yield
      }) : () -> ()
      %dma_start3A = arith.constant 0 : i32
      %dma_start3A_9 = arith.constant 0 : i32
      %dma_start3A_10 = tpu.memref_slice %arg6[%dma_start3A, %dma_start3A_9] : memref<128x64xf32, #tpu.memory_space<vmem>> -> memref<64x64xf32, #tpu.memory_space<vmem>>
      %dma_start3A_11 = arith.constant 0 : i32
      %dma_start3A_12 = tpu.memref_slice %arg5[%dma_start3A_11] : memref<128xi32, #tpu.memory_space<vmem>> -> memref<64xi32, #tpu.memory_space<vmem>>
      %dma_start3A_13 = arith.constant 0 : i32
      %dma_start3A_14 = arith.constant 0 : i32
      %dma_start3A_15 = tpu.memref_slice %arg2[%dma_start3A_13, %dma_start3A_14] : memref<1000x64xf32, #tpu.memory_space<hbm>> -> memref<1000x64xf32, #tpu.memory_space<hbm>>
      tpu.enqueue_indirect_dma source(%dma_start3A_15 : memref<1000x64xf32, #tpu.memory_space<hbm>>) target(%dma_start3A_10 : memref<64x64xf32, #tpu.memory_space<vmem>>) offsets(%dma_start3A_12 : memref<64xi32, #tpu.memory_space<vmem>>) semaphore(%arg7 : memref<!tpu.dma_semaphore, #tpu.memory_space<semaphore_mem>>)
      %dma_wait3A = arith.constant 0 : i32
      %dma_wait3A_16 = arith.constant 0 : i32
      %dma_wait3A_17 = tpu.memref_slice %arg6[%dma_wait3A, %dma_wait3A_16] : memref<128x64xf32, #tpu.memory_space<vmem>> -> memref<64x64xf32, #tpu.memory_space<vmem>>
      %dma_wait3A_18 = arith.constant 0 : i32
      %dma_wait3A_19 = tpu.memref_slice %arg5[%dma_wait3A_18] : memref<128xi32, #tpu.memory_space<vmem>> -> memref<64xi32, #tpu.memory_space<vmem>>
      %dma_wait3A_20 = arith.constant 0 : i32
      %dma_wait3A_21 = arith.constant 0 : i32
      %dma_wait3A_22 = tpu.memref_slice %arg2[%dma_wait3A_20, %dma_wait3A_21] : memref<1000x64xf32, #tpu.memory_space<hbm>> -> memref<1000x64xf32, #tpu.memory_space<hbm>>
      tpu.wait_indirect_dma semaphore(%arg7 : memref<!tpu.dma_semaphore, #tpu.memory_space<semaphore_mem>>) src(%dma_wait3A_22 : memref<1000x64xf32, #tpu.memory_space<hbm>>) dst(%dma_wait3A_17 : memref<64x64xf32, #tpu.memory_space<vmem>>)
      "tpu.region"() ({
        %run_scoped3A = tpu.sem_alloc : memref<!tpu.dma_semaphore, #tpu.memory_space<semaphore_mem>>
        %dma_start3A_41 = arith.constant 0 : i32
        %dma_start3A_42 = arith.constant 0 : i32
        %dma_start3A_43 = tpu.memref_slice %arg6[%dma_start3A_41, %dma_start3A_42] : memref<128x64xf32, #tpu.memory_space<vmem>> -> memref<64x64xf32, #tpu.memory_space<vmem>>
        %dma_start3A_44 = arith.constant 0 : i32
        %dma_start3A_45 = tpu.memref_slice %arg4[%mul3A_2, %dma_start3A_44] : memref<10000x64xf32, #tpu.memory_space<hbm>> -> memref<64x64xf32, #tpu.memory_space<hbm>>
        %dma_start3A_46 = arith.constant 0 : i32
        %dma_start3A_47 = tpu.memref_slice %arg4[%mul3A_2, %dma_start3A_46] : memref<10000x64xf32, #tpu.memory_space<hbm>> -> memref<64x64xf32, #tpu.memory_space<hbm>>
        %dma_start3A_48 = arith.constant 0 : i32
        %dma_start3A_49 = arith.constant 0 : i32
        %dma_start3A_50 = tpu.memref_slice %arg6[%dma_start3A_48, %dma_start3A_49] : memref<128x64xf32, #tpu.memory_space<vmem>> -> memref<64x64xf32, #tpu.memory_space<vmem>>
        tpu.enqueue_dma source(%dma_start3A_50 : memref<64x64xf32, #tpu.memory_space<vmem>>) target(%dma_start3A_47 : memref<64x64xf32, #tpu.memory_space<hbm>>) target_semaphore(%run_scoped3A : memref<!tpu.dma_semaphore, #tpu.memory_space<semaphore_mem>>)
        %dma_wait3A_51 = arith.constant 0 : i32
        %dma_wait3A_52 = arith.constant 0 : i32
        %dma_wait3A_53 = tpu.memref_slice %arg6[%dma_wait3A_51, %dma_wait3A_52] : memref<128x64xf32, #tpu.memory_space<vmem>> -> memref<64x64xf32, #tpu.memory_space<vmem>>
        %dma_wait3A_54 = arith.constant 0 : i32
        %dma_wait3A_55 = tpu.memref_slice %arg4[%mul3A_2, %dma_wait3A_54] : memref<10000x64xf32, #tpu.memory_space<hbm>> -> memref<64x64xf32, #tpu.memory_space<hbm>>
        %dma_wait3A_56 = arith.constant 0 : i32
        %dma_wait3A_57 = tpu.memref_slice %arg4[%mul3A_2, %dma_wait3A_56] : memref<10000x64xf32, #tpu.memory_space<hbm>> -> memref<64x64xf32, #tpu.memory_space<hbm>>
        %dma_wait3A_58 = arith.constant 0 : i32
        %dma_wait3A_59 = arith.constant 0 : i32
        %dma_wait3A_60 = tpu.memref_slice %arg6[%dma_wait3A_58, %dma_wait3A_59] : memref<128x64xf32, #tpu.memory_space<vmem>> -> memref<64x64xf32, #tpu.memory_space<vmem>>
        tpu.wait_dma2 semaphore(%run_scoped3A : memref<!tpu.dma_semaphore, #tpu.memory_space<semaphore_mem>>) src(%dma_wait3A_60 : memref<64x64xf32, #tpu.memory_space<vmem>>) dst(%dma_wait3A_57 : memref<64x64xf32, #tpu.memory_space<hbm>>)
        tpu.yield
      }) : () -> ()
      %add3A_23 = arith.constant 64 : i32
      %add3A_24 = arith.addi %mul3A_2, %add3A_23 : i32
      "tpu.region"() ({
        %run_scoped3A = tpu.sem_alloc : memref<!tpu.dma_semaphore, #tpu.memory_space<semaphore_mem>>
        %dma_start3A_41 = arith.constant 0 : i32
        %dma_start3A_42 = tpu.memref_slice %arg5[%dma_start3A_41] : memref<128xi32, #tpu.memory_space<vmem>> -> memref<16xi32, #tpu.memory_space<vmem>>
        %dma_start3A_43 = tpu.memref_slice %arg3[%add3A_24] : memref<10000xi32, #tpu.memory_space<hbm>> -> memref<16xi32, #tpu.memory_space<hbm>>
        %dma_start3A_44 = arith.constant 0 : i32
        %dma_start3A_45 = tpu.memref_slice %arg5[%dma_start3A_44] : memref<128xi32, #tpu.memory_space<vmem>> -> memref<16xi32, #tpu.memory_space<vmem>>
        %dma_start3A_46 = tpu.memref_slice %arg3[%add3A_24] : memref<10000xi32, #tpu.memory_space<hbm>> -> memref<16xi32, #tpu.memory_space<hbm>>
        tpu.enqueue_dma source(%dma_start3A_46 : memref<16xi32, #tpu.memory_space<hbm>>) target(%dma_start3A_45 : memref<16xi32, #tpu.memory_space<vmem>>) target_semaphore(%run_scoped3A : memref<!tpu.dma_semaphore, #tpu.memory_space<semaphore_mem>>)
        %dma_wait3A_47 = arith.constant 0 : i32
        %dma_wait3A_48 = tpu.memref_slice %arg5[%dma_wait3A_47] : memref<128xi32, #tpu.memory_space<vmem>> -> memref<16xi32, #tpu.memory_space<vmem>>
        %dma_wait3A_49 = tpu.memref_slice %arg3[%add3A_24] : memref<10000xi32, #tpu.memory_space<hbm>> -> memref<16xi32, #tpu.memory_space<hbm>>
        %dma_wait3A_50 = arith.constant 0 : i32
        %dma_wait3A_51 = tpu.memref_slice %arg5[%dma_wait3A_50] : memref<128xi32, #tpu.memory_space<vmem>> -> memref<16xi32, #tpu.memory_space<vmem>>
        %dma_wait3A_52 = tpu.memref_slice %arg3[%add3A_24] : memref<10000xi32, #tpu.memory_space<hbm>> -> memref<16xi32, #tpu.memory_space<hbm>>
        tpu.wait_dma2 semaphore(%run_scoped3A : memref<!tpu.dma_semaphore, #tpu.memory_space<semaphore_mem>>) src(%dma_wait3A_52 : memref<16xi32, #tpu.memory_space<hbm>>) dst(%dma_wait3A_51 : memref<16xi32, #tpu.memory_space<vmem>>)
        tpu.yield
      }) : () -> ()
      %dma_start3A_25 = arith.constant 0 : i32
      %dma_start3A_26 = arith.constant 0 : i32
      %dma_start3A_27 = tpu.memref_slice %arg6[%dma_start3A_25, %dma_start3A_26] : memref<128x64xf32, #tpu.memory_space<vmem>> -> memref<16x64xf32, #tpu.memory_space<vmem>>
      %dma_start3A_28 = arith.constant 0 : i32
      %dma_start3A_29 = tpu.memref_slice %arg5[%dma_start3A_28] : memref<128xi32, #tpu.memory_space<vmem>> -> memref<16xi32, #tpu.memory_space<vmem>>
      %dma_start3A_30 = arith.constant 0 : i32
      %dma_start3A_31 = arith.constant 0 : i32
      %dma_start3A_32 = tpu.memref_slice %arg2[%dma_start3A_30, %dma_start3A_31] : memref<1000x64xf32, #tpu.memory_space<hbm>> -> memref<1000x64xf32, #tpu.memory_space<hbm>>
      tpu.enqueue_indirect_dma source(%dma_start3A_32 : memref<1000x64xf32, #tpu.memory_space<hbm>>) target(%dma_start3A_27 : memref<16x64xf32, #tpu.memory_space<vmem>>) offsets(%dma_start3A_29 : memref<16xi32, #tpu.memory_space<vmem>>) semaphore(%arg7 : memref<!tpu.dma_semaphore, #tpu.memory_space<semaphore_mem>>)
      %dma_wait3A_33 = arith.constant 0 : i32
      %dma_wait3A_34 = arith.constant 0 : i32
      %dma_wait3A_35 = tpu.memref_slice %arg6[%dma_wait3A_33, %dma_wait3A_34] : memref<128x64xf32, #tpu.memory_space<vmem>> -> memref<16x64xf32, #tpu.memory_space<vmem>>
      %dma_wait3A_36 = arith.constant 0 : i32
      %dma_wait3A_37 = tpu.memref_slice %arg5[%dma_wait3A_36] : memref<128xi32, #tpu.memory_space<vmem>> -> memref<16xi32, #tpu.memory_space<vmem>>
      %dma_wait3A_38 = arith.constant 0 : i32
      %dma_wait3A_39 = arith.constant 0 : i32
      %dma_wait3A_40 = tpu.memref_slice %arg2[%dma_wait3A_38, %dma_wait3A_39] : memref<1000x64xf32, #tpu.memory_space<hbm>> -> memref<1000x64xf32, #tpu.memory_space<hbm>>
      tpu.wait_indirect_dma semaphore(%arg7 : memref<!tpu.dma_semaphore, #tpu.memory_space<semaphore_mem>>) src(%dma_wait3A_40 : memref<1000x64xf32, #tpu.memory_space<hbm>>) dst(%dma_wait3A_35 : memref<16x64xf32, #tpu.memory_space<vmem>>)
      "tpu.region"() ({
        %run_scoped3A = tpu.sem_alloc : memref<!tpu.dma_semaphore, #tpu.memory_space<semaphore_mem>>
        %dma_start3A_41 = arith.constant 0 : i32
        %dma_start3A_42 = arith.constant 0 : i32
        %dma_start3A_43 = tpu.memref_slice %arg6[%dma_start3A_41, %dma_start3A_42] : memref<128x64xf32, #tpu.memory_space<vmem>> -> memref<16x64xf32, #tpu.memory_space<vmem>>
        %dma_start3A_44 = arith.constant 0 : i32
        %dma_start3A_45 = tpu.memref_slice %arg4[%add3A_24, %dma_start3A_44] : memref<10000x64xf32, #tpu.memory_space<hbm>> -> memref<16x64xf32, #tpu.memory_space<hbm>>
        %dma_start3A_46 = arith.constant 0 : i32
        %dma_start3A_47 = tpu.memref_slice %arg4[%add3A_24, %dma_start3A_46] : memref<10000x64xf32, #tpu.memory_space<hbm>> -> memref<16x64xf32, #tpu.memory_space<hbm>>
        %dma_start3A_48 = arith.constant 0 : i32
        %dma_start3A_49 = arith.constant 0 : i32
        %dma_start3A_50 = tpu.memref_slice %arg6[%dma_start3A_48, %dma_start3A_49] : memref<128x64xf32, #tpu.memory_space<vmem>> -> memref<16x64xf32, #tpu.memory_space<vmem>>
        tpu.enqueue_dma source(%dma_start3A_50 : memref<16x64xf32, #tpu.memory_space<vmem>>) target(%dma_start3A_47 : memref<16x64xf32, #tpu.memory_space<hbm>>) target_semaphore(%run_scoped3A : memref<!tpu.dma_semaphore, #tpu.memory_space<semaphore_mem>>)
        %dma_wait3A_51 = arith.constant 0 : i32
        %dma_wait3A_52 = arith.constant 0 : i32
        %dma_wait3A_53 = tpu.memref_slice %arg6[%dma_wait3A_51, %dma_wait3A_52] : memref<128x64xf32, #tpu.memory_space<vmem>> -> memref<16x64xf32, #tpu.memory_space<vmem>>
        %dma_wait3A_54 = arith.constant 0 : i32
        %dma_wait3A_55 = tpu.memref_slice %arg4[%add3A_24, %dma_wait3A_54] : memref<10000x64xf32, #tpu.memory_space<hbm>> -> memref<16x64xf32, #tpu.memory_space<hbm>>
        %dma_wait3A_56 = arith.constant 0 : i32
        %dma_wait3A_57 = tpu.memref_slice %arg4[%add3A_24, %dma_wait3A_56] : memref<10000x64xf32, #tpu.memory_space<hbm>> -> memref<16x64xf32, #tpu.memory_space<hbm>>
        %dma_wait3A_58 = arith.constant 0 : i32
        %dma_wait3A_59 = arith.constant 0 : i32
        %dma_wait3A_60 = tpu.memref_slice %arg6[%dma_wait3A_58, %dma_wait3A_59] : memref<128x64xf32, #tpu.memory_space<vmem>> -> memref<16x64xf32, #tpu.memory_space<vmem>>
        tpu.wait_dma2 semaphore(%run_scoped3A : memref<!tpu.dma_semaphore, #tpu.memory_space<semaphore_mem>>) src(%dma_wait3A_60 : memref<16x64xf32, #tpu.memory_space<vmem>>) dst(%dma_wait3A_57 : memref<16x64xf32, #tpu.memory_space<hbm>>)
        tpu.yield
      }) : () -> ()
    } else {
    }
    return
  }
}

#map = affine_map<(d0, d1) -> (0, 0)>
#map1 = affine_map<(d0, d1) -> (0)>
module attributes {stable_mosaic.version = 14 : i64} {
  func.func @_sc_spmm(%arg0: i32, %arg1: i32, %arg2: memref<10000x64xf32, #tpu.memory_space<hbm>>, %arg3: memref<10000x64xf32, #tpu.memory_space<hbm>>, %arg4: memref<320000xi32, #tpu.memory_space<hbm>>, %arg5: memref<320000xi32, #tpu.memory_space<hbm>>, %arg6: memref<20000x64xf32, #tpu.memory_space<hbm>>, %arg7: memref<20000x64xf32, #tpu.memory_space<hbm>>, %arg8: memref<128xi32, #tpu.memory_space<vmem>>, %arg9: memref<128xi32, #tpu.memory_space<vmem>>, %arg10: memref<128xi32, #tpu.memory_space<vmem>>, %arg11: memref<128xi32, #tpu.memory_space<vmem>>, %arg12: memref<128x64xf32, #tpu.memory_space<vmem>>, %arg13: memref<128x64xf32, #tpu.memory_space<vmem>>, %arg14: memref<128x64xf32, #tpu.memory_space<vmem>>, %arg15: memref<128x64xf32, #tpu.memory_space<vmem>>, %arg16: memref<16xi32, #tpu.memory_space<vmem>>, %arg17: memref<16xi32, #tpu.memory_space<vmem>>, %arg18: memref<16x64xf32, #tpu.memory_space<vmem>>, %arg19: memref<16x64xf32, #tpu.memory_space<vmem>>, %arg20: memref<128x64xf32, #tpu.memory_space<vmem>>, %arg21: memref<10000x64xf32, #tpu.memory_space<vmem_shared>>, %arg22: memref<10000x64xf32, #tpu.memory_space<vmem_shared>>, %arg23: memref<!tpu.dma_semaphore, #tpu.memory_space<semaphore_mem>>, %arg24: memref<!tpu.dma_semaphore, #tpu.memory_space<semaphore_mem>>, %arg25: memref<!tpu.dma_semaphore, #tpu.memory_space<semaphore_mem>>, %arg26: memref<!tpu.dma_semaphore, #tpu.memory_space<semaphore_mem>>) attributes {dimension_semantics = [#tpu.dimension_semantics<core_parallel>, #tpu.dimension_semantics<subcore_parallel>], iteration_bounds = array<i64: 2, 16>, scalar_prefetch = 0 : i64, scratch_operands = 19 : i64, tpu.core_type = #tpu.core_type<sc_vector_subcore>, window_params = [{transform_indices = #map}, {transform_indices = #map}, {transform_indices = #map1}, {transform_indices = #map1}, {transform_indices = #map}, {transform_indices = #map}]} {
    %mul3A = arith.constant 2 : i32
    %mul3A_0 = arith.muli %arg1, %mul3A : i32
    %add3A = arith.addi %mul3A_0, %arg0 : i32
    %broadcast_in_dim3A = arith.constant 0.000000e+00 : f32
    %broadcast_in_dim3A_1 = vector.broadcast %broadcast_in_dim3A : f32 to vector<16xf32>
    %scan3A = arith.constant 0 : i32
    %scan3A_2 = arith.constant 0 : i32
    %scan3A_3 = arith.constant 128 : i32
    %scan3A_4 = arith.addi %scan3A_2, %scan3A_3 : i32
    %scan3A_5 = arith.constant 1 : i32
    scf.for %scan3A_70 = %scan3A_2 to %scan3A_4 step %scan3A_5  : i32 {
      %swap3A = arith.index_cast %scan3A_70 : i32 to index
      %swap3A_71 = arith.constant 0 : index
      %swap3A_72 = tpu.vector_load %arg20[%swap3A, %swap3A_71] {strides = array<i32>} : memref<128x64xf32, #tpu.memory_space<vmem>>, vector<1x16xf32>,
      %swap3A_73 = vector.shape_cast %swap3A_72 : vector<1x16xf32> to vector<16xf32>
      %swap3A_74 = vector.shape_cast %broadcast_in_dim3A_1 : vector<16xf32> to vector<1x16xf32>
      tpu.vector_store %arg20[%swap3A, %swap3A_71], %swap3A_74 {strides = array<i32>} : memref<128x64xf32, #tpu.memory_space<vmem>>, vector<1x16xf32>,
      %swap3A_75 = arith.index_cast %scan3A_70 : i32 to index
      %swap3A_76 = arith.constant 16 : index
      %swap3A_77 = tpu.vector_load %arg20[%swap3A_75, %swap3A_76] {strides = array<i32>} : memref<128x64xf32, #tpu.memory_space<vmem>>, vector<1x16xf32>,
      %swap3A_78 = vector.shape_cast %swap3A_77 : vector<1x16xf32> to vector<16xf32>
      %swap3A_79 = vector.shape_cast %broadcast_in_dim3A_1 : vector<16xf32> to vector<1x16xf32>
      tpu.vector_store %arg20[%swap3A_75, %swap3A_76], %swap3A_79 {strides = array<i32>} : memref<128x64xf32, #tpu.memory_space<vmem>>, vector<1x16xf32>,
      %swap3A_80 = arith.index_cast %scan3A_70 : i32 to index
      %swap3A_81 = arith.constant 32 : index
      %swap3A_82 = tpu.vector_load %arg20[%swap3A_80, %swap3A_81] {strides = array<i32>} : memref<128x64xf32, #tpu.memory_space<vmem>>, vector<1x16xf32>,
      %swap3A_83 = vector.shape_cast %swap3A_82 : vector<1x16xf32> to vector<16xf32>
      %swap3A_84 = vector.shape_cast %broadcast_in_dim3A_1 : vector<16xf32> to vector<1x16xf32>
      tpu.vector_store %arg20[%swap3A_80, %swap3A_81], %swap3A_84 {strides = array<i32>} : memref<128x64xf32, #tpu.memory_space<vmem>>, vector<1x16xf32>,
      %swap3A_85 = arith.index_cast %scan3A_70 : i32 to index
      %swap3A_86 = arith.constant 48 : index
      %swap3A_87 = tpu.vector_load %arg20[%swap3A_85, %swap3A_86] {strides = array<i32>} : memref<128x64xf32, #tpu.memory_space<vmem>>, vector<1x16xf32>,
      %swap3A_88 = vector.shape_cast %swap3A_87 : vector<1x16xf32> to vector<16xf32>
      %swap3A_89 = vector.shape_cast %broadcast_in_dim3A_1 : vector<16xf32> to vector<1x16xf32>
      tpu.vector_store %arg20[%swap3A_85, %swap3A_86], %swap3A_89 {strides = array<i32>} : memref<128x64xf32, #tpu.memory_space<vmem>>, vector<1x16xf32>,
    }
    %scan3A_6 = arith.constant 128 : i32
    %mul3A_7 = arith.constant 625 : i32
    %mul3A_8 = arith.muli %arg1, %mul3A_7 : i32
    %add3A_9 = arith.constant 0 : i32
    %add3A_10 = arith.addi %mul3A_8, %add3A_9 : i32
    "tpu.region"() ({
      %run_scoped3A = tpu.sem_alloc : memref<!tpu.dma_semaphore, #tpu.memory_space<semaphore_mem>>
      %dma_start3A_70 = arith.constant 0 : i32
      %dma_start3A_71 = tpu.memref_slice %arg21[%add3A_10, %dma_start3A_70] : memref<10000x64xf32, #tpu.memory_space<vmem_shared>> -> memref<128x64xf32, #tpu.memory_space<vmem_shared>>
      %dma_start3A_72 = arith.constant 0 : i32
      %dma_start3A_73 = tpu.memref_slice %arg21[%add3A_10, %dma_start3A_72] : memref<10000x64xf32, #tpu.memory_space<vmem_shared>> -> memref<128x64xf32, #tpu.memory_space<vmem_shared>>
      tpu.enqueue_dma source(%arg20 : memref<128x64xf32, #tpu.memory_space<vmem>>) target(%dma_start3A_73 : memref<128x64xf32, #tpu.memory_space<vmem_shared>>) target_semaphore(%run_scoped3A : memref<!tpu.dma_semaphore, #tpu.memory_space<semaphore_mem>>)
      %dma_wait3A_74 = arith.constant 0 : i32
      %dma_wait3A_75 = tpu.memref_slice %arg21[%add3A_10, %dma_wait3A_74] : memref<10000x64xf32, #tpu.memory_space<vmem_shared>> -> memref<128x64xf32, #tpu.memory_space<vmem_shared>>
      %dma_wait3A_76 = arith.constant 0 : i32
      %dma_wait3A_77 = tpu.memref_slice %arg21[%add3A_10, %dma_wait3A_76] : memref<10000x64xf32, #tpu.memory_space<vmem_shared>> -> memref<128x64xf32, #tpu.memory_space<vmem_shared>>
      tpu.wait_dma2 semaphore(%run_scoped3A : memref<!tpu.dma_semaphore, #tpu.memory_space<semaphore_mem>>) src(%arg20 : memref<128x64xf32, #tpu.memory_space<vmem>>) dst(%dma_wait3A_77 : memref<128x64xf32, #tpu.memory_space<vmem_shared>>)
      tpu.yield
    }) : () -> ()
    %add3A_11 = arith.constant 0 : i32
    %add3A_12 = arith.addi %mul3A_8, %add3A_11 : i32
    "tpu.region"() ({
      %run_scoped3A = tpu.sem_alloc : memref<!tpu.dma_semaphore, #tpu.memory_space<semaphore_mem>>
      %dma_start3A_70 = arith.constant 0 : i32
      %dma_start3A_71 = tpu.memref_slice %arg22[%add3A_12, %dma_start3A_70] : memref<10000x64xf32, #tpu.memory_space<vmem_shared>> -> memref<128x64xf32, #tpu.memory_space<vmem_shared>>
      %dma_start3A_72 = arith.constant 0 : i32
      %dma_start3A_73 = tpu.memref_slice %arg22[%add3A_12, %dma_start3A_72] : memref<10000x64xf32, #tpu.memory_space<vmem_shared>> -> memref<128x64xf32, #tpu.memory_space<vmem_shared>>
      tpu.enqueue_dma source(%arg20 : memref<128x64xf32, #tpu.memory_space<vmem>>) target(%dma_start3A_73 : memref<128x64xf32, #tpu.memory_space<vmem_shared>>) target_semaphore(%run_scoped3A : memref<!tpu.dma_semaphore, #tpu.memory_space<semaphore_mem>>)
      %dma_wait3A_74 = arith.constant 0 : i32
      %dma_wait3A_75 = tpu.memref_slice %arg22[%add3A_12, %dma_wait3A_74] : memref<10000x64xf32, #tpu.memory_space<vmem_shared>> -> memref<128x64xf32, #tpu.memory_space<vmem_shared>>
      %dma_wait3A_76 = arith.constant 0 : i32
      %dma_wait3A_77 = tpu.memref_slice %arg22[%add3A_12, %dma_wait3A_76] : memref<10000x64xf32, #tpu.memory_space<vmem_shared>> -> memref<128x64xf32, #tpu.memory_space<vmem_shared>>
      tpu.wait_dma2 semaphore(%run_scoped3A : memref<!tpu.dma_semaphore, #tpu.memory_space<semaphore_mem>>) src(%arg20 : memref<128x64xf32, #tpu.memory_space<vmem>>) dst(%dma_wait3A_77 : memref<128x64xf32, #tpu.memory_space<vmem_shared>>)
      tpu.yield
    }) : () -> ()
    %add3A_13 = arith.constant 128 : i32
    %add3A_14 = arith.addi %mul3A_8, %add3A_13 : i32
    "tpu.region"() ({
      %run_scoped3A = tpu.sem_alloc : memref<!tpu.dma_semaphore, #tpu.memory_space<semaphore_mem>>
      %dma_start3A_70 = arith.constant 0 : i32
      %dma_start3A_71 = tpu.memref_slice %arg21[%add3A_14, %dma_start3A_70] : memref<10000x64xf32, #tpu.memory_space<vmem_shared>> -> memref<128x64xf32, #tpu.memory_space<vmem_shared>>
      %dma_start3A_72 = arith.constant 0 : i32
      %dma_start3A_73 = tpu.memref_slice %arg21[%add3A_14, %dma_start3A_72] : memref<10000x64xf32, #tpu.memory_space<vmem_shared>> -> memref<128x64xf32, #tpu.memory_space<vmem_shared>>
      tpu.enqueue_dma source(%arg20 : memref<128x64xf32, #tpu.memory_space<vmem>>) target(%dma_start3A_73 : memref<128x64xf32, #tpu.memory_space<vmem_shared>>) target_semaphore(%run_scoped3A : memref<!tpu.dma_semaphore, #tpu.memory_space<semaphore_mem>>)
      %dma_wait3A_74 = arith.constant 0 : i32
      %dma_wait3A_75 = tpu.memref_slice %arg21[%add3A_14, %dma_wait3A_74] : memref<10000x64xf32, #tpu.memory_space<vmem_shared>> -> memref<128x64xf32, #tpu.memory_space<vmem_shared>>
      %dma_wait3A_76 = arith.constant 0 : i32
      %dma_wait3A_77 = tpu.memref_slice %arg21[%add3A_14, %dma_wait3A_76] : memref<10000x64xf32, #tpu.memory_space<vmem_shared>> -> memref<128x64xf32, #tpu.memory_space<vmem_shared>>
      tpu.wait_dma2 semaphore(%run_scoped3A : memref<!tpu.dma_semaphore, #tpu.memory_space<semaphore_mem>>) src(%arg20 : memref<128x64xf32, #tpu.memory_space<vmem>>) dst(%dma_wait3A_77 : memref<128x64xf32, #tpu.memory_space<vmem_shared>>)
      tpu.yield
    }) : () -> ()
    %add3A_15 = arith.constant 128 : i32
    %add3A_16 = arith.addi %mul3A_8, %add3A_15 : i32
    "tpu.region"() ({
      %run_scoped3A = tpu.sem_alloc : memref<!tpu.dma_semaphore, #tpu.memory_space<semaphore_mem>>
      %dma_start3A_70 = arith.constant 0 : i32
      %dma_start3A_71 = tpu.memref_slice %arg22[%add3A_16, %dma_start3A_70] : memref<10000x64xf32, #tpu.memory_space<vmem_shared>> -> memref<128x64xf32, #tpu.memory_space<vmem_shared>>
      %dma_start3A_72 = arith.constant 0 : i32
      %dma_start3A_73 = tpu.memref_slice %arg22[%add3A_16, %dma_start3A_72] : memref<10000x64xf32, #tpu.memory_space<vmem_shared>> -> memref<128x64xf32, #tpu.memory_space<vmem_shared>>
      tpu.enqueue_dma source(%arg20 : memref<128x64xf32, #tpu.memory_space<vmem>>) target(%dma_start3A_73 : memref<128x64xf32, #tpu.memory_space<vmem_shared>>) target_semaphore(%run_scoped3A : memref<!tpu.dma_semaphore, #tpu.memory_space<semaphore_mem>>)
      %dma_wait3A_74 = arith.constant 0 : i32
      %dma_wait3A_75 = tpu.memref_slice %arg22[%add3A_16, %dma_wait3A_74] : memref<10000x64xf32, #tpu.memory_space<vmem_shared>> -> memref<128x64xf32, #tpu.memory_space<vmem_shared>>
      %dma_wait3A_76 = arith.constant 0 : i32
      %dma_wait3A_77 = tpu.memref_slice %arg22[%add3A_16, %dma_wait3A_76] : memref<10000x64xf32, #tpu.memory_space<vmem_shared>> -> memref<128x64xf32, #tpu.memory_space<vmem_shared>>
      tpu.wait_dma2 semaphore(%run_scoped3A : memref<!tpu.dma_semaphore, #tpu.memory_space<semaphore_mem>>) src(%arg20 : memref<128x64xf32, #tpu.memory_space<vmem>>) dst(%dma_wait3A_77 : memref<128x64xf32, #tpu.memory_space<vmem_shared>>)
      tpu.yield
    }) : () -> ()
    %add3A_17 = arith.constant 256 : i32
    %add3A_18 = arith.addi %mul3A_8, %add3A_17 : i32
    "tpu.region"() ({
      %run_scoped3A = tpu.sem_alloc : memref<!tpu.dma_semaphore, #tpu.memory_space<semaphore_mem>>
      %dma_start3A_70 = arith.constant 0 : i32
      %dma_start3A_71 = tpu.memref_slice %arg21[%add3A_18, %dma_start3A_70] : memref<10000x64xf32, #tpu.memory_space<vmem_shared>> -> memref<128x64xf32, #tpu.memory_space<vmem_shared>>
      %dma_start3A_72 = arith.constant 0 : i32
      %dma_start3A_73 = tpu.memref_slice %arg21[%add3A_18, %dma_start3A_72] : memref<10000x64xf32, #tpu.memory_space<vmem_shared>> -> memref<128x64xf32, #tpu.memory_space<vmem_shared>>
      tpu.enqueue_dma source(%arg20 : memref<128x64xf32, #tpu.memory_space<vmem>>) target(%dma_start3A_73 : memref<128x64xf32, #tpu.memory_space<vmem_shared>>) target_semaphore(%run_scoped3A : memref<!tpu.dma_semaphore, #tpu.memory_space<semaphore_mem>>)
      %dma_wait3A_74 = arith.constant 0 : i32
      %dma_wait3A_75 = tpu.memref_slice %arg21[%add3A_18, %dma_wait3A_74] : memref<10000x64xf32, #tpu.memory_space<vmem_shared>> -> memref<128x64xf32, #tpu.memory_space<vmem_shared>>
      %dma_wait3A_76 = arith.constant 0 : i32
      %dma_wait3A_77 = tpu.memref_slice %arg21[%add3A_18, %dma_wait3A_76] : memref<10000x64xf32, #tpu.memory_space<vmem_shared>> -> memref<128x64xf32, #tpu.memory_space<vmem_shared>>
      tpu.wait_dma2 semaphore(%run_scoped3A : memref<!tpu.dma_semaphore, #tpu.memory_space<semaphore_mem>>) src(%arg20 : memref<128x64xf32, #tpu.memory_space<vmem>>) dst(%dma_wait3A_77 : memref<128x64xf32, #tpu.memory_space<vmem_shared>>)
      tpu.yield
    }) : () -> ()
    %add3A_19 = arith.constant 256 : i32
    %add3A_20 = arith.addi %mul3A_8, %add3A_19 : i32
    "tpu.region"() ({
      %run_scoped3A = tpu.sem_alloc : memref<!tpu.dma_semaphore, #tpu.memory_space<semaphore_mem>>
      %dma_start3A_70 = arith.constant 0 : i32
      %dma_start3A_71 = tpu.memref_slice %arg22[%add3A_20, %dma_start3A_70] : memref<10000x64xf32, #tpu.memory_space<vmem_shared>> -> memref<128x64xf32, #tpu.memory_space<vmem_shared>>
      %dma_start3A_72 = arith.constant 0 : i32
      %dma_start3A_73 = tpu.memref_slice %arg22[%add3A_20, %dma_start3A_72] : memref<10000x64xf32, #tpu.memory_space<vmem_shared>> -> memref<128x64xf32, #tpu.memory_space<vmem_shared>>
      tpu.enqueue_dma source(%arg20 : memref<128x64xf32, #tpu.memory_space<vmem>>) target(%dma_start3A_73 : memref<128x64xf32, #tpu.memory_space<vmem_shared>>) target_semaphore(%run_scoped3A : memref<!tpu.dma_semaphore, #tpu.memory_space<semaphore_mem>>)
      %dma_wait3A_74 = arith.constant 0 : i32
      %dma_wait3A_75 = tpu.memref_slice %arg22[%add3A_20, %dma_wait3A_74] : memref<10000x64xf32, #tpu.memory_space<vmem_shared>> -> memref<128x64xf32, #tpu.memory_space<vmem_shared>>
      %dma_wait3A_76 = arith.constant 0 : i32
      %dma_wait3A_77 = tpu.memref_slice %arg22[%add3A_20, %dma_wait3A_76] : memref<10000x64xf32, #tpu.memory_space<vmem_shared>> -> memref<128x64xf32, #tpu.memory_space<vmem_shared>>
      tpu.wait_dma2 semaphore(%run_scoped3A : memref<!tpu.dma_semaphore, #tpu.memory_space<semaphore_mem>>) src(%arg20 : memref<128x64xf32, #tpu.memory_space<vmem>>) dst(%dma_wait3A_77 : memref<128x64xf32, #tpu.memory_space<vmem_shared>>)
      tpu.yield
    }) : () -> ()
    %add3A_21 = arith.constant 384 : i32
    %add3A_22 = arith.addi %mul3A_8, %add3A_21 : i32
    "tpu.region"() ({
      %run_scoped3A = tpu.sem_alloc : memref<!tpu.dma_semaphore, #tpu.memory_space<semaphore_mem>>
      %dma_start3A_70 = arith.constant 0 : i32
      %dma_start3A_71 = tpu.memref_slice %arg21[%add3A_22, %dma_start3A_70] : memref<10000x64xf32, #tpu.memory_space<vmem_shared>> -> memref<128x64xf32, #tpu.memory_space<vmem_shared>>
      %dma_start3A_72 = arith.constant 0 : i32
      %dma_start3A_73 = tpu.memref_slice %arg21[%add3A_22, %dma_start3A_72] : memref<10000x64xf32, #tpu.memory_space<vmem_shared>> -> memref<128x64xf32, #tpu.memory_space<vmem_shared>>
      tpu.enqueue_dma source(%arg20 : memref<128x64xf32, #tpu.memory_space<vmem>>) target(%dma_start3A_73 : memref<128x64xf32, #tpu.memory_space<vmem_shared>>) target_semaphore(%run_scoped3A : memref<!tpu.dma_semaphore, #tpu.memory_space<semaphore_mem>>)
      %dma_wait3A_74 = arith.constant 0 : i32
      %dma_wait3A_75 = tpu.memref_slice %arg21[%add3A_22, %dma_wait3A_74] : memref<10000x64xf32, #tpu.memory_space<vmem_shared>> -> memref<128x64xf32, #tpu.memory_space<vmem_shared>>
      %dma_wait3A_76 = arith.constant 0 : i32
      %dma_wait3A_77 = tpu.memref_slice %arg21[%add3A_22, %dma_wait3A_76] : memref<10000x64xf32, #tpu.memory_space<vmem_shared>> -> memref<128x64xf32, #tpu.memory_space<vmem_shared>>
      tpu.wait_dma2 semaphore(%run_scoped3A : memref<!tpu.dma_semaphore, #tpu.memory_space<semaphore_mem>>) src(%arg20 : memref<128x64xf32, #tpu.memory_space<vmem>>) dst(%dma_wait3A_77 : memref<128x64xf32, #tpu.memory_space<vmem_shared>>)
      tpu.yield
    }) : () -> ()
    %add3A_23 = arith.constant 384 : i32
    %add3A_24 = arith.addi %mul3A_8, %add3A_23 : i32
    "tpu.region"() ({
      %run_scoped3A = tpu.sem_alloc : memref<!tpu.dma_semaphore, #tpu.memory_space<semaphore_mem>>
      %dma_start3A_70 = arith.constant 0 : i32
      %dma_start3A_71 = tpu.memref_slice %arg22[%add3A_24, %dma_start3A_70] : memref<10000x64xf32, #tpu.memory_space<vmem_shared>> -> memref<128x64xf32, #tpu.memory_space<vmem_shared>>
      %dma_start3A_72 = arith.constant 0 : i32
      %dma_start3A_73 = tpu.memref_slice %arg22[%add3A_24, %dma_start3A_72] : memref<10000x64xf32, #tpu.memory_space<vmem_shared>> -> memref<128x64xf32, #tpu.memory_space<vmem_shared>>
      tpu.enqueue_dma source(%arg20 : memref<128x64xf32, #tpu.memory_space<vmem>>) target(%dma_start3A_73 : memref<128x64xf32, #tpu.memory_space<vmem_shared>>) target_semaphore(%run_scoped3A : memref<!tpu.dma_semaphore, #tpu.memory_space<semaphore_mem>>)
      %dma_wait3A_74 = arith.constant 0 : i32
      %dma_wait3A_75 = tpu.memref_slice %arg22[%add3A_24, %dma_wait3A_74] : memref<10000x64xf32, #tpu.memory_space<vmem_shared>> -> memref<128x64xf32, #tpu.memory_space<vmem_shared>>
      %dma_wait3A_76 = arith.constant 0 : i32
      %dma_wait3A_77 = tpu.memref_slice %arg22[%add3A_24, %dma_wait3A_76] : memref<10000x64xf32, #tpu.memory_space<vmem_shared>> -> memref<128x64xf32, #tpu.memory_space<vmem_shared>>
      tpu.wait_dma2 semaphore(%run_scoped3A : memref<!tpu.dma_semaphore, #tpu.memory_space<semaphore_mem>>) src(%arg20 : memref<128x64xf32, #tpu.memory_space<vmem>>) dst(%dma_wait3A_77 : memref<128x64xf32, #tpu.memory_space<vmem_shared>>)
      tpu.yield
    }) : () -> ()
    %add3A_25 = arith.constant 512 : i32
    %add3A_26 = arith.addi %mul3A_8, %add3A_25 : i32
    "tpu.region"() ({
      %run_scoped3A = tpu.sem_alloc : memref<!tpu.dma_semaphore, #tpu.memory_space<semaphore_mem>>
      %dma_start3A_70 = arith.constant 0 : i32
      %dma_start3A_71 = arith.constant 0 : i32
      %dma_start3A_72 = tpu.memref_slice %arg20[%dma_start3A_70, %dma_start3A_71] : memref<128x64xf32, #tpu.memory_space<vmem>> -> memref<113x64xf32, #tpu.memory_space<vmem>>
      %dma_start3A_73 = arith.constant 0 : i32
      %dma_start3A_74 = tpu.memref_slice %arg21[%add3A_26, %dma_start3A_73] : memref<10000x64xf32, #tpu.memory_space<vmem_shared>> -> memref<113x64xf32, #tpu.memory_space<vmem_shared>>
      %dma_start3A_75 = arith.constant 0 : i32
      %dma_start3A_76 = tpu.memref_slice %arg21[%add3A_26, %dma_start3A_75] : memref<10000x64xf32, #tpu.memory_space<vmem_shared>> -> memref<113x64xf32, #tpu.memory_space<vmem_shared>>
      %dma_start3A_77 = arith.constant 0 : i32
      %dma_start3A_78 = arith.constant 0 : i32
      %dma_start3A_79 = tpu.memref_slice %arg20[%dma_start3A_77, %dma_start3A_78] : memref<128x64xf32, #tpu.memory_space<vmem>> -> memref<113x64xf32, #tpu.memory_space<vmem>>
      tpu.enqueue_dma source(%dma_start3A_79 : memref<113x64xf32, #tpu.memory_space<vmem>>) target(%dma_start3A_76 : memref<113x64xf32, #tpu.memory_space<vmem_shared>>) target_semaphore(%run_scoped3A : memref<!tpu.dma_semaphore, #tpu.memory_space<semaphore_mem>>)
      %dma_wait3A_80 = arith.constant 0 : i32
      %dma_wait3A_81 = arith.constant 0 : i32
      %dma_wait3A_82 = tpu.memref_slice %arg20[%dma_wait3A_80, %dma_wait3A_81] : memref<128x64xf32, #tpu.memory_space<vmem>> -> memref<113x64xf32, #tpu.memory_space<vmem>>
      %dma_wait3A_83 = arith.constant 0 : i32
      %dma_wait3A_84 = tpu.memref_slice %arg21[%add3A_26, %dma_wait3A_83] : memref<10000x64xf32, #tpu.memory_space<vmem_shared>> -> memref<113x64xf32, #tpu.memory_space<vmem_shared>>
      %dma_wait3A_85 = arith.constant 0 : i32
      %dma_wait3A_86 = tpu.memref_slice %arg21[%add3A_26, %dma_wait3A_85] : memref<10000x64xf32, #tpu.memory_space<vmem_shared>> -> memref<113x64xf32, #tpu.memory_space<vmem_shared>>
      %dma_wait3A_87 = arith.constant 0 : i32
      %dma_wait3A_88 = arith.constant 0 : i32
      %dma_wait3A_89 = tpu.memref_slice %arg20[%dma_wait3A_87, %dma_wait3A_88] : memref<128x64xf32, #tpu.memory_space<vmem>> -> memref<113x64xf32, #tpu.memory_space<vmem>>
      tpu.wait_dma2 semaphore(%run_scoped3A : memref<!tpu.dma_semaphore, #tpu.memory_space<semaphore_mem>>) src(%dma_wait3A_89 : memref<113x64xf32, #tpu.memory_space<vmem>>) dst(%dma_wait3A_86 : memref<113x64xf32, #tpu.memory_space<vmem_shared>>)
      tpu.yield
    }) : () -> ()
    "tpu.region"() ({
      %run_scoped3A = tpu.sem_alloc : memref<!tpu.dma_semaphore, #tpu.memory_space<semaphore_mem>>
      %dma_start3A_70 = arith.constant 0 : i32
      %dma_start3A_71 = arith.constant 0 : i32
      %dma_start3A_72 = tpu.memref_slice %arg20[%dma_start3A_70, %dma_start3A_71] : memref<128x64xf32, #tpu.memory_space<vmem>> -> memref<113x64xf32, #tpu.memory_space<vmem>>
      %dma_start3A_73 = arith.constant 0 : i32
      %dma_start3A_74 = tpu.memref_slice %arg22[%add3A_26, %dma_start3A_73] : memref<10000x64xf32, #tpu.memory_space<vmem_shared>> -> memref<113x64xf32, #tpu.memory_space<vmem_shared>>
      %dma_start3A_75 = arith.constant 0 : i32
      %dma_start3A_76 = tpu.memref_slice %arg22[%add3A_26, %dma_start3A_75] : memref<10000x64xf32, #tpu.memory_space<vmem_shared>> -> memref<113x64xf32, #tpu.memory_space<vmem_shared>>
      %dma_start3A_77 = arith.constant 0 : i32
      %dma_start3A_78 = arith.constant 0 : i32
      %dma_start3A_79 = tpu.memref_slice %arg20[%dma_start3A_77, %dma_start3A_78] : memref<128x64xf32, #tpu.memory_space<vmem>> -> memref<113x64xf32, #tpu.memory_space<vmem>>
      tpu.enqueue_dma source(%dma_start3A_79 : memref<113x64xf32, #tpu.memory_space<vmem>>) target(%dma_start3A_76 : memref<113x64xf32, #tpu.memory_space<vmem_shared>>) target_semaphore(%run_scoped3A : memref<!tpu.dma_semaphore, #tpu.memory_space<semaphore_mem>>)
      %dma_wait3A_80 = arith.constant 0 : i32
      %dma_wait3A_81 = arith.constant 0 : i32
      %dma_wait3A_82 = tpu.memref_slice %arg20[%dma_wait3A_80, %dma_wait3A_81] : memref<128x64xf32, #tpu.memory_space<vmem>> -> memref<113x64xf32, #tpu.memory_space<vmem>>
      %dma_wait3A_83 = arith.constant 0 : i32
      %dma_wait3A_84 = tpu.memref_slice %arg22[%add3A_26, %dma_wait3A_83] : memref<10000x64xf32, #tpu.memory_space<vmem_shared>> -> memref<113x64xf32, #tpu.memory_space<vmem_shared>>
      %dma_wait3A_85 = arith.constant 0 : i32
      %dma_wait3A_86 = tpu.memref_slice %arg22[%add3A_26, %dma_wait3A_85] : memref<10000x64xf32, #tpu.memory_space<vmem_shared>> -> memref<113x64xf32, #tpu.memory_space<vmem_shared>>
      %dma_wait3A_87 = arith.constant 0 : i32
      %dma_wait3A_88 = arith.constant 0 : i32
      %dma_wait3A_89 = tpu.memref_slice %arg20[%dma_wait3A_87, %dma_wait3A_88] : memref<128x64xf32, #tpu.memory_space<vmem>> -> memref<113x64xf32, #tpu.memory_space<vmem>>
      tpu.wait_dma2 semaphore(%run_scoped3A : memref<!tpu.dma_semaphore, #tpu.memory_space<semaphore_mem>>) src(%dma_wait3A_89 : memref<113x64xf32, #tpu.memory_space<vmem>>) dst(%dma_wait3A_86 : memref<113x64xf32, #tpu.memory_space<vmem_shared>>)
      tpu.yield
    }) : () -> ()
    %barrier3A = arith.constant 0 : index
    tpu.barrier barrier_id(%barrier3A)
    %mul3A_27 = arith.constant 10000 : i32
    %mul3A_28 = arith.muli %add3A, %mul3A_27 : i32
    %add3A_29 = arith.constant 0 : i32
    %add3A_30 = arith.addi %mul3A_28, %add3A_29 : i32
    "tpu.region"() ({
      %run_scoped3A = tpu.sem_alloc : memref<!tpu.dma_semaphore, #tpu.memory_space<semaphore_mem>>
      %dma_start3A_70 = tpu.memref_slice %arg4[%add3A_30] : memref<320000xi32, #tpu.memory_space<hbm>> -> memref<128xi32, #tpu.memory_space<hbm>>
      %dma_start3A_71 = tpu.memref_slice %arg4[%add3A_30] : memref<320000xi32, #tpu.memory_space<hbm>> -> memref<128xi32, #tpu.memory_space<hbm>>
      tpu.enqueue_dma source(%dma_start3A_71 : memref<128xi32, #tpu.memory_space<hbm>>) target(%arg8 : memref<128xi32, #tpu.memory_space<vmem>>) target_semaphore(%run_scoped3A : memref<!tpu.dma_semaphore, #tpu.memory_space<semaphore_mem>>)
      %dma_wait3A_72 = tpu.memref_slice %arg4[%add3A_30] : memref<320000xi32, #tpu.memory_space<hbm>> -> memref<128xi32, #tpu.memory_space<hbm>>
      %dma_wait3A_73 = tpu.memref_slice %arg4[%add3A_30] : memref<320000xi32, #tpu.memory_space<hbm>> -> memref<128xi32, #tpu.memory_space<hbm>>
      tpu.wait_dma2 semaphore(%run_scoped3A : memref<!tpu.dma_semaphore, #tpu.memory_space<semaphore_mem>>) src(%dma_wait3A_73 : memref<128xi32, #tpu.memory_space<hbm>>) dst(%arg8 : memref<128xi32, #tpu.memory_space<vmem>>)
      tpu.yield
    }) : () -> ()
    "tpu.region"() ({
      %run_scoped3A = tpu.sem_alloc : memref<!tpu.dma_semaphore, #tpu.memory_space<semaphore_mem>>
      %dma_start3A_70 = tpu.memref_slice %arg5[%add3A_30] : memref<320000xi32, #tpu.memory_space<hbm>> -> memref<128xi32, #tpu.memory_space<hbm>>
      %dma_start3A_71 = tpu.memref_slice %arg5[%add3A_30] : memref<320000xi32, #tpu.memory_space<hbm>> -> memref<128xi32, #tpu.memory_space<hbm>>
      tpu.enqueue_dma source(%dma_start3A_71 : memref<128xi32, #tpu.memory_space<hbm>>) target(%arg10 : memref<128xi32, #tpu.memory_space<vmem>>) target_semaphore(%run_scoped3A : memref<!tpu.dma_semaphore, #tpu.memory_space<semaphore_mem>>)
      %dma_wait3A_72 = tpu.memref_slice %arg5[%add3A_30] : memref<320000xi32, #tpu.memory_space<hbm>> -> memref<128xi32, #tpu.memory_space<hbm>>
      %dma_wait3A_73 = tpu.memref_slice %arg5[%add3A_30] : memref<320000xi32, #tpu.memory_space<hbm>> -> memref<128xi32, #tpu.memory_space<hbm>>
      tpu.wait_dma2 semaphore(%run_scoped3A : memref<!tpu.dma_semaphore, #tpu.memory_space<semaphore_mem>>) src(%dma_wait3A_73 : memref<128xi32, #tpu.memory_space<hbm>>) dst(%arg10 : memref<128xi32, #tpu.memory_space<vmem>>)
      tpu.yield
    }) : () -> ()
    %dma_start3A = arith.constant 0 : i32
    %dma_start3A_31 = arith.constant 0 : i32
    %dma_start3A_32 = tpu.memref_slice %arg2[%dma_start3A, %dma_start3A_31] : memref<10000x64xf32, #tpu.memory_space<hbm>> -> memref<10000x64xf32, #tpu.memory_space<hbm>>
    tpu.enqueue_indirect_dma source(%dma_start3A_32 : memref<10000x64xf32, #tpu.memory_space<hbm>>) target(%arg12 : memref<128x64xf32, #tpu.memory_space<vmem>>) offsets(%arg8 : memref<128xi32, #tpu.memory_space<vmem>>) semaphore(%arg23 : memref<!tpu.dma_semaphore, #tpu.memory_space<semaphore_mem>>)
    %dma_start3A_33 = arith.constant 0 : i32
    %dma_start3A_34 = arith.constant 0 : i32
    %dma_start3A_35 = tpu.memref_slice %arg3[%dma_start3A_33, %dma_start3A_34] : memref<10000x64xf32, #tpu.memory_space<hbm>> -> memref<10000x64xf32, #tpu.memory_space<hbm>>
    tpu.enqueue_indirect_dma source(%dma_start3A_35 : memref<10000x64xf32, #tpu.memory_space<hbm>>) target(%arg14 : memref<128x64xf32, #tpu.memory_space<vmem>>) offsets(%arg8 : memref<128xi32, #tpu.memory_space<vmem>>) semaphore(%arg25 : memref<!tpu.dma_semaphore, #tpu.memory_space<semaphore_mem>>)
    %add3A_36 = arith.constant 128 : i32
    %add3A_37 = arith.addi %mul3A_28, %add3A_36 : i32
    "tpu.region"() ({
      %run_scoped3A = tpu.sem_alloc : memref<!tpu.dma_semaphore, #tpu.memory_space<semaphore_mem>>
      %dma_start3A_70 = tpu.memref_slice %arg4[%add3A_37] : memref<320000xi32, #tpu.memory_space<hbm>> -> memref<128xi32, #tpu.memory_space<hbm>>
      %dma_start3A_71 = tpu.memref_slice %arg4[%add3A_37] : memref<320000xi32, #tpu.memory_space<hbm>> -> memref<128xi32, #tpu.memory_space<hbm>>
      tpu.enqueue_dma source(%dma_start3A_71 : memref<128xi32, #tpu.memory_space<hbm>>) target(%arg9 : memref<128xi32, #tpu.memory_space<vmem>>) target_semaphore(%run_scoped3A : memref<!tpu.dma_semaphore, #tpu.memory_space<semaphore_mem>>)
      %dma_wait3A_72 = tpu.memref_slice %arg4[%add3A_37] : memref<320000xi32, #tpu.memory_space<hbm>> -> memref<128xi32, #tpu.memory_space<hbm>>
      %dma_wait3A_73 = tpu.memref_slice %arg4[%add3A_37] : memref<320000xi32, #tpu.memory_space<hbm>> -> memref<128xi32, #tpu.memory_space<hbm>>
      tpu.wait_dma2 semaphore(%run_scoped3A : memref<!tpu.dma_semaphore, #tpu.memory_space<semaphore_mem>>) src(%dma_wait3A_73 : memref<128xi32, #tpu.memory_space<hbm>>) dst(%arg9 : memref<128xi32, #tpu.memory_space<vmem>>)
      tpu.yield
    }) : () -> ()
    "tpu.region"() ({
      %run_scoped3A = tpu.sem_alloc : memref<!tpu.dma_semaphore, #tpu.memory_space<semaphore_mem>>
      %dma_start3A_70 = tpu.memref_slice %arg5[%add3A_37] : memref<320000xi32, #tpu.memory_space<hbm>> -> memref<128xi32, #tpu.memory_space<hbm>>
      %dma_start3A_71 = tpu.memref_slice %arg5[%add3A_37] : memref<320000xi32, #tpu.memory_space<hbm>> -> memref<128xi32, #tpu.memory_space<hbm>>
      tpu.enqueue_dma source(%dma_start3A_71 : memref<128xi32, #tpu.memory_space<hbm>>) target(%arg11 : memref<128xi32, #tpu.memory_space<vmem>>) target_semaphore(%run_scoped3A : memref<!tpu.dma_semaphore, #tpu.memory_space<semaphore_mem>>)
      %dma_wait3A_72 = tpu.memref_slice %arg5[%add3A_37] : memref<320000xi32, #tpu.memory_space<hbm>> -> memref<128xi32, #tpu.memory_space<hbm>>
      %dma_wait3A_73 = tpu.memref_slice %arg5[%add3A_37] : memref<320000xi32, #tpu.memory_space<hbm>> -> memref<128xi32, #tpu.memory_space<hbm>>
      tpu.wait_dma2 semaphore(%run_scoped3A : memref<!tpu.dma_semaphore, #tpu.memory_space<semaphore_mem>>) src(%dma_wait3A_73 : memref<128xi32, #tpu.memory_space<hbm>>) dst(%arg11 : memref<128xi32, #tpu.memory_space<vmem>>)
      tpu.yield
    }) : () -> ()
    %dma_start3A_38 = arith.constant 0 : i32
    %dma_start3A_39 = arith.constant 0 : i32
    %dma_start3A_40 = tpu.memref_slice %arg2[%dma_start3A_38, %dma_start3A_39] : memref<10000x64xf32, #tpu.memory_space<hbm>> -> memref<10000x64xf32, #tpu.memory_space<hbm>>
    tpu.enqueue_indirect_dma source(%dma_start3A_40 : memref<10000x64xf32, #tpu.memory_space<hbm>>) target(%arg13 : memref<128x64xf32, #tpu.memory_space<vmem>>) offsets(%arg9 : memref<128xi32, #tpu.memory_space<vmem>>) semaphore(%arg24 : memref<!tpu.dma_semaphore, #tpu.memory_space<semaphore_mem>>)
    %dma_start3A_41 = arith.constant 0 : i32
    %dma_start3A_42 = arith.constant 0 : i32
    %dma_start3A_43 = tpu.memref_slice %arg3[%dma_start3A_41, %dma_start3A_42] : memref<10000x64xf32, #tpu.memory_space<hbm>> -> memref<10000x64xf32, #tpu.memory_space<hbm>>
    tpu.enqueue_indirect_dma source(%dma_start3A_43 : memref<10000x64xf32, #tpu.memory_space<hbm>>) target(%arg15 : memref<128x64xf32, #tpu.memory_space<vmem>>) offsets(%arg9 : memref<128xi32, #tpu.memory_space<vmem>>) semaphore(%arg26 : memref<!tpu.dma_semaphore, #tpu.memory_space<semaphore_mem>>)
    %scan3A_44 = arith.constant 0 : i32
    %scan3A_45 = arith.constant 0 : i32
    %scan3A_46 = arith.constant 39 : i32
    %scan3A_47 = arith.addi %scan3A_45, %scan3A_46 : i32
    %scan3A_48 = arith.constant 1 : i32
    scf.for %scan3A_70 = %scan3A_45 to %scan3A_47 step %scan3A_48  : i32 {
      %mul3A_71 = arith.constant 2 : i32
      %mul3A_72 = arith.muli %mul3A_71, %scan3A_70 : i32
      %add3A_73 = arith.constant 0 : i32
      %add3A_74 = arith.addi %mul3A_72, %add3A_73 : i32
      %dma_wait3A_75 = arith.constant 0 : i32
      %dma_wait3A_76 = arith.constant 0 : i32
      %dma_wait3A_77 = tpu.memref_slice %arg2[%dma_wait3A_75, %dma_wait3A_76] : memref<10000x64xf32, #tpu.memory_space<hbm>> -> memref<10000x64xf32, #tpu.memory_space<hbm>>
      tpu.wait_indirect_dma semaphore(%arg23 : memref<!tpu.dma_semaphore, #tpu.memory_space<semaphore_mem>>) src(%dma_wait3A_77 : memref<10000x64xf32, #tpu.memory_space<hbm>>) dst(%arg12 : memref<128x64xf32, #tpu.memory_space<vmem>>)
      %dma_wait3A_78 = arith.constant 0 : i32
      %dma_wait3A_79 = arith.constant 0 : i32
      %dma_wait3A_80 = tpu.memref_slice %arg3[%dma_wait3A_78, %dma_wait3A_79] : memref<10000x64xf32, #tpu.memory_space<hbm>> -> memref<10000x64xf32, #tpu.memory_space<hbm>>
      tpu.wait_indirect_dma semaphore(%arg25 : memref<!tpu.dma_semaphore, #tpu.memory_space<semaphore_mem>>) src(%dma_wait3A_80 : memref<10000x64xf32, #tpu.memory_space<hbm>>) dst(%arg14 : memref<128x64xf32, #tpu.memory_space<vmem>>)
      "tpu.region"() ({
        %run_scoped3A = tpu.sem_alloc : memref<!tpu.dma_semaphore, #tpu.memory_space<semaphore_mem>>
        %dma_start3A_102 = arith.constant 0 : i32
        %dma_start3A_103 = arith.constant 0 : i32
        %dma_start3A_104 = tpu.memref_slice %arg21[%dma_start3A_102, %dma_start3A_103] : memref<10000x64xf32, #tpu.memory_space<vmem_shared>> -> memref<10000x64xf32, #tpu.memory_space<vmem_shared>>
        tpu.enqueue_indirect_dma source(%arg12 : memref<128x64xf32, #tpu.memory_space<vmem>>) target(%dma_start3A_104 : memref<10000x64xf32, #tpu.memory_space<vmem_shared>>) offsets(%arg10 : memref<128xi32, #tpu.memory_space<vmem>>) semaphore(%run_scoped3A : memref<!tpu.dma_semaphore, #tpu.memory_space<semaphore_mem>>) {add = true}
        %dma_wait3A_105 = arith.constant 0 : i32
        %dma_wait3A_106 = arith.constant 0 : i32
        %dma_wait3A_107 = tpu.memref_slice %arg21[%dma_wait3A_105, %dma_wait3A_106] : memref<10000x64xf32, #tpu.memory_space<vmem_shared>> -> memref<10000x64xf32, #tpu.memory_space<vmem_shared>>
        tpu.wait_indirect_dma semaphore(%run_scoped3A : memref<!tpu.dma_semaphore, #tpu.memory_space<semaphore_mem>>) src(%arg12 : memref<128x64xf32, #tpu.memory_space<vmem>>) dst(%dma_wait3A_107 : memref<10000x64xf32, #tpu.memory_space<vmem_shared>>)
        tpu.yield
      }) : () -> ()
      "tpu.region"() ({
        %run_scoped3A = tpu.sem_alloc : memref<!tpu.dma_semaphore, #tpu.memory_space<semaphore_mem>>
        %dma_start3A_102 = arith.constant 0 : i32
        %dma_start3A_103 = arith.constant 0 : i32
        %dma_start3A_104 = tpu.memref_slice %arg22[%dma_start3A_102, %dma_start3A_103] : memref<10000x64xf32, #tpu.memory_space<vmem_shared>> -> memref<10000x64xf32, #tpu.memory_space<vmem_shared>>
        tpu.enqueue_indirect_dma source(%arg14 : memref<128x64xf32, #tpu.memory_space<vmem>>) target(%dma_start3A_104 : memref<10000x64xf32, #tpu.memory_space<vmem_shared>>) offsets(%arg10 : memref<128xi32, #tpu.memory_space<vmem>>) semaphore(%run_scoped3A : memref<!tpu.dma_semaphore, #tpu.memory_space<semaphore_mem>>) {add = true}
        %dma_wait3A_105 = arith.constant 0 : i32
        %dma_wait3A_106 = arith.constant 0 : i32
        %dma_wait3A_107 = tpu.memref_slice %arg22[%dma_wait3A_105, %dma_wait3A_106] : memref<10000x64xf32, #tpu.memory_space<vmem_shared>> -> memref<10000x64xf32, #tpu.memory_space<vmem_shared>>
        tpu.wait_indirect_dma semaphore(%run_scoped3A : memref<!tpu.dma_semaphore, #tpu.memory_space<semaphore_mem>>) src(%arg14 : memref<128x64xf32, #tpu.memory_space<vmem>>) dst(%dma_wait3A_107 : memref<10000x64xf32, #tpu.memory_space<vmem_shared>>)
        tpu.yield
      }) : () -> ()
      %add3A_81 = arith.constant 2 : i32
      %add3A_82 = arith.addi %add3A_74, %add3A_81 : i32
      %lt3A = arith.constant 78 : i32
      %lt3A_83 = arith.cmpi slt, %add3A_82, %lt3A : i32
      %convert_element_type3A = arith.extui %lt3A_83 : i1 to i32
      %cond3A = arith.constant 0 : i32
      %cond3A_84 = arith.cmpi ne, %convert_element_type3A, %cond3A : i32
      scf.if %cond3A_84 {
        %add3A_102 = arith.constant 2 : i32
        %add3A_103 = arith.addi %add3A_74, %add3A_102 : i32
        %mul3A_104 = arith.constant 128 : i32
        %mul3A_105 = arith.muli %add3A_103, %mul3A_104 : i32
        %add3A_106 = arith.addi %mul3A_28, %mul3A_105 : i32
        "tpu.region"() ({
          %run_scoped3A = tpu.sem_alloc : memref<!tpu.dma_semaphore, #tpu.memory_space<semaphore_mem>>
          %dma_start3A_113 = tpu.memref_slice %arg4[%add3A_106] : memref<320000xi32, #tpu.memory_space<hbm>> -> memref<128xi32, #tpu.memory_space<hbm>>
          %dma_start3A_114 = tpu.memref_slice %arg4[%add3A_106] : memref<320000xi32, #tpu.memory_space<hbm>> -> memref<128xi32, #tpu.memory_space<hbm>>
          tpu.enqueue_dma source(%dma_start3A_114 : memref<128xi32, #tpu.memory_space<hbm>>) target(%arg8 : memref<128xi32, #tpu.memory_space<vmem>>) target_semaphore(%run_scoped3A : memref<!tpu.dma_semaphore, #tpu.memory_space<semaphore_mem>>)
          %dma_wait3A_115 = tpu.memref_slice %arg4[%add3A_106] : memref<320000xi32, #tpu.memory_space<hbm>> -> memref<128xi32, #tpu.memory_space<hbm>>
          %dma_wait3A_116 = tpu.memref_slice %arg4[%add3A_106] : memref<320000xi32, #tpu.memory_space<hbm>> -> memref<128xi32, #tpu.memory_space<hbm>>
          tpu.wait_dma2 semaphore(%run_scoped3A : memref<!tpu.dma_semaphore, #tpu.memory_space<semaphore_mem>>) src(%dma_wait3A_116 : memref<128xi32, #tpu.memory_space<hbm>>) dst(%arg8 : memref<128xi32, #tpu.memory_space<vmem>>)
          tpu.yield
        }) : () -> ()
        "tpu.region"() ({
          %run_scoped3A = tpu.sem_alloc : memref<!tpu.dma_semaphore, #tpu.memory_space<semaphore_mem>>
          %dma_start3A_113 = tpu.memref_slice %arg5[%add3A_106] : memref<320000xi32, #tpu.memory_space<hbm>> -> memref<128xi32, #tpu.memory_space<hbm>>
          %dma_start3A_114 = tpu.memref_slice %arg5[%add3A_106] : memref<320000xi32, #tpu.memory_space<hbm>> -> memref<128xi32, #tpu.memory_space<hbm>>
          tpu.enqueue_dma source(%dma_start3A_114 : memref<128xi32, #tpu.memory_space<hbm>>) target(%arg10 : memref<128xi32, #tpu.memory_space<vmem>>) target_semaphore(%run_scoped3A : memref<!tpu.dma_semaphore, #tpu.memory_space<semaphore_mem>>)
          %dma_wait3A_115 = tpu.memref_slice %arg5[%add3A_106] : memref<320000xi32, #tpu.memory_space<hbm>> -> memref<128xi32, #tpu.memory_space<hbm>>
          %dma_wait3A_116 = tpu.memref_slice %arg5[%add3A_106] : memref<320000xi32, #tpu.memory_space<hbm>> -> memref<128xi32, #tpu.memory_space<hbm>>
          tpu.wait_dma2 semaphore(%run_scoped3A : memref<!tpu.dma_semaphore, #tpu.memory_space<semaphore_mem>>) src(%dma_wait3A_116 : memref<128xi32, #tpu.memory_space<hbm>>) dst(%arg10 : memref<128xi32, #tpu.memory_space<vmem>>)
          tpu.yield
        }) : () -> ()
        %dma_start3A_107 = arith.constant 0 : i32
        %dma_start3A_108 = arith.constant 0 : i32
        %dma_start3A_109 = tpu.memref_slice %arg2[%dma_start3A_107, %dma_start3A_108] : memref<10000x64xf32, #tpu.memory_space<hbm>> -> memref<10000x64xf32, #tpu.memory_space<hbm>>
        tpu.enqueue_indirect_dma source(%dma_start3A_109 : memref<10000x64xf32, #tpu.memory_space<hbm>>) target(%arg12 : memref<128x64xf32, #tpu.memory_space<vmem>>) offsets(%arg8 : memref<128xi32, #tpu.memory_space<vmem>>) semaphore(%arg23 : memref<!tpu.dma_semaphore, #tpu.memory_space<semaphore_mem>>)
        %dma_start3A_110 = arith.constant 0 : i32
        %dma_start3A_111 = arith.constant 0 : i32
        %dma_start3A_112 = tpu.memref_slice %arg3[%dma_start3A_110, %dma_start3A_111] : memref<10000x64xf32, #tpu.memory_space<hbm>> -> memref<10000x64xf32, #tpu.memory_space<hbm>>
        tpu.enqueue_indirect_dma source(%dma_start3A_112 : memref<10000x64xf32, #tpu.memory_space<hbm>>) target(%arg14 : memref<128x64xf32, #tpu.memory_space<vmem>>) offsets(%arg8 : memref<128xi32, #tpu.memory_space<vmem>>) semaphore(%arg25 : memref<!tpu.dma_semaphore, #tpu.memory_space<semaphore_mem>>)
      } else {
      }
      %mul3A_85 = arith.constant 2 : i32
      %mul3A_86 = arith.muli %mul3A_85, %scan3A_70 : i32
      %add3A_87 = arith.constant 1 : i32
      %add3A_88 = arith.addi %mul3A_86, %add3A_87 : i32
      %dma_wait3A_89 = arith.constant 0 : i32
      %dma_wait3A_90 = arith.constant 0 : i32
      %dma_wait3A_91 = tpu.memref_slice %arg2[%dma_wait3A_89, %dma_wait3A_90] : memref<10000x64xf32, #tpu.memory_space<hbm>> -> memref<10000x64xf32, #tpu.memory_space<hbm>>
      tpu.wait_indirect_dma semaphore(%arg24 : memref<!tpu.dma_semaphore, #tpu.memory_space<semaphore_mem>>) src(%dma_wait3A_91 : memref<10000x64xf32, #tpu.memory_space<hbm>>) dst(%arg13 : memref<128x64xf32, #tpu.memory_space<vmem>>)
      %dma_wait3A_92 = arith.constant 0 : i32
      %dma_wait3A_93 = arith.constant 0 : i32
      %dma_wait3A_94 = tpu.memref_slice %arg3[%dma_wait3A_92, %dma_wait3A_93] : memref<10000x64xf32, #tpu.memory_space<hbm>> -> memref<10000x64xf32, #tpu.memory_space<hbm>>
      tpu.wait_indirect_dma semaphore(%arg26 : memref<!tpu.dma_semaphore, #tpu.memory_space<semaphore_mem>>) src(%dma_wait3A_94 : memref<10000x64xf32, #tpu.memory_space<hbm>>) dst(%arg15 : memref<128x64xf32, #tpu.memory_space<vmem>>)
      "tpu.region"() ({
        %run_scoped3A = tpu.sem_alloc : memref<!tpu.dma_semaphore, #tpu.memory_space<semaphore_mem>>
        %dma_start3A_102 = arith.constant 0 : i32
        %dma_start3A_103 = arith.constant 0 : i32
        %dma_start3A_104 = tpu.memref_slice %arg21[%dma_start3A_102, %dma_start3A_103] : memref<10000x64xf32, #tpu.memory_space<vmem_shared>> -> memref<10000x64xf32, #tpu.memory_space<vmem_shared>>
        tpu.enqueue_indirect_dma source(%arg13 : memref<128x64xf32, #tpu.memory_space<vmem>>) target(%dma_start3A_104 : memref<10000x64xf32, #tpu.memory_space<vmem_shared>>) offsets(%arg11 : memref<128xi32, #tpu.memory_space<vmem>>) semaphore(%run_scoped3A : memref<!tpu.dma_semaphore, #tpu.memory_space<semaphore_mem>>) {add = true}
        %dma_wait3A_105 = arith.constant 0 : i32
        %dma_wait3A_106 = arith.constant 0 : i32
        %dma_wait3A_107 = tpu.memref_slice %arg21[%dma_wait3A_105, %dma_wait3A_106] : memref<10000x64xf32, #tpu.memory_space<vmem_shared>> -> memref<10000x64xf32, #tpu.memory_space<vmem_shared>>
        tpu.wait_indirect_dma semaphore(%run_scoped3A : memref<!tpu.dma_semaphore, #tpu.memory_space<semaphore_mem>>) src(%arg13 : memref<128x64xf32, #tpu.memory_space<vmem>>) dst(%dma_wait3A_107 : memref<10000x64xf32, #tpu.memory_space<vmem_shared>>)
        tpu.yield
      }) : () -> ()
      "tpu.region"() ({
        %run_scoped3A = tpu.sem_alloc : memref<!tpu.dma_semaphore, #tpu.memory_space<semaphore_mem>>
        %dma_start3A_102 = arith.constant 0 : i32
        %dma_start3A_103 = arith.constant 0 : i32
        %dma_start3A_104 = tpu.memref_slice %arg22[%dma_start3A_102, %dma_start3A_103] : memref<10000x64xf32, #tpu.memory_space<vmem_shared>> -> memref<10000x64xf32, #tpu.memory_space<vmem_shared>>
        tpu.enqueue_indirect_dma source(%arg15 : memref<128x64xf32, #tpu.memory_space<vmem>>) target(%dma_start3A_104 : memref<10000x64xf32, #tpu.memory_space<vmem_shared>>) offsets(%arg11 : memref<128xi32, #tpu.memory_space<vmem>>) semaphore(%run_scoped3A : memref<!tpu.dma_semaphore, #tpu.memory_space<semaphore_mem>>) {add = true}
        %dma_wait3A_105 = arith.constant 0 : i32
        %dma_wait3A_106 = arith.constant 0 : i32
        %dma_wait3A_107 = tpu.memref_slice %arg22[%dma_wait3A_105, %dma_wait3A_106] : memref<10000x64xf32, #tpu.memory_space<vmem_shared>> -> memref<10000x64xf32, #tpu.memory_space<vmem_shared>>
        tpu.wait_indirect_dma semaphore(%run_scoped3A : memref<!tpu.dma_semaphore, #tpu.memory_space<semaphore_mem>>) src(%arg15 : memref<128x64xf32, #tpu.memory_space<vmem>>) dst(%dma_wait3A_107 : memref<10000x64xf32, #tpu.memory_space<vmem_shared>>)
        tpu.yield
      }) : () -> ()
      %add3A_95 = arith.constant 2 : i32
      %add3A_96 = arith.addi %add3A_88, %add3A_95 : i32
      %lt3A_97 = arith.constant 78 : i32
      %lt3A_98 = arith.cmpi slt, %add3A_96, %lt3A_97 : i32
      %convert_element_type3A_99 = arith.extui %lt3A_98 : i1 to i32
      %cond3A_100 = arith.constant 0 : i32
      %cond3A_101 = arith.cmpi ne, %convert_element_type3A_99, %cond3A_100 : i32
      scf.if %cond3A_101 {
        %add3A_102 = arith.constant 2 : i32
        %add3A_103 = arith.addi %add3A_88, %add3A_102 : i32
        %mul3A_104 = arith.constant 128 : i32
        %mul3A_105 = arith.muli %add3A_103, %mul3A_104 : i32
        %add3A_106 = arith.addi %mul3A_28, %mul3A_105 : i32
        "tpu.region"() ({
          %run_scoped3A = tpu.sem_alloc : memref<!tpu.dma_semaphore, #tpu.memory_space<semaphore_mem>>
          %dma_start3A_113 = tpu.memref_slice %arg4[%add3A_106] : memref<320000xi32, #tpu.memory_space<hbm>> -> memref<128xi32, #tpu.memory_space<hbm>>
          %dma_start3A_114 = tpu.memref_slice %arg4[%add3A_106] : memref<320000xi32, #tpu.memory_space<hbm>> -> memref<128xi32, #tpu.memory_space<hbm>>
          tpu.enqueue_dma source(%dma_start3A_114 : memref<128xi32, #tpu.memory_space<hbm>>) target(%arg9 : memref<128xi32, #tpu.memory_space<vmem>>) target_semaphore(%run_scoped3A : memref<!tpu.dma_semaphore, #tpu.memory_space<semaphore_mem>>)
          %dma_wait3A_115 = tpu.memref_slice %arg4[%add3A_106] : memref<320000xi32, #tpu.memory_space<hbm>> -> memref<128xi32, #tpu.memory_space<hbm>>
          %dma_wait3A_116 = tpu.memref_slice %arg4[%add3A_106] : memref<320000xi32, #tpu.memory_space<hbm>> -> memref<128xi32, #tpu.memory_space<hbm>>
          tpu.wait_dma2 semaphore(%run_scoped3A : memref<!tpu.dma_semaphore, #tpu.memory_space<semaphore_mem>>) src(%dma_wait3A_116 : memref<128xi32, #tpu.memory_space<hbm>>) dst(%arg9 : memref<128xi32, #tpu.memory_space<vmem>>)
          tpu.yield
        }) : () -> ()
        "tpu.region"() ({
          %run_scoped3A = tpu.sem_alloc : memref<!tpu.dma_semaphore, #tpu.memory_space<semaphore_mem>>
          %dma_start3A_113 = tpu.memref_slice %arg5[%add3A_106] : memref<320000xi32, #tpu.memory_space<hbm>> -> memref<128xi32, #tpu.memory_space<hbm>>
          %dma_start3A_114 = tpu.memref_slice %arg5[%add3A_106] : memref<320000xi32, #tpu.memory_space<hbm>> -> memref<128xi32, #tpu.memory_space<hbm>>
          tpu.enqueue_dma source(%dma_start3A_114 : memref<128xi32, #tpu.memory_space<hbm>>) target(%arg11 : memref<128xi32, #tpu.memory_space<vmem>>) target_semaphore(%run_scoped3A : memref<!tpu.dma_semaphore, #tpu.memory_space<semaphore_mem>>)
          %dma_wait3A_115 = tpu.memref_slice %arg5[%add3A_106] : memref<320000xi32, #tpu.memory_space<hbm>> -> memref<128xi32, #tpu.memory_space<hbm>>
          %dma_wait3A_116 = tpu.memref_slice %arg5[%add3A_106] : memref<320000xi32, #tpu.memory_space<hbm>> -> memref<128xi32, #tpu.memory_space<hbm>>
          tpu.wait_dma2 semaphore(%run_scoped3A : memref<!tpu.dma_semaphore, #tpu.memory_space<semaphore_mem>>) src(%dma_wait3A_116 : memref<128xi32, #tpu.memory_space<hbm>>) dst(%arg11 : memref<128xi32, #tpu.memory_space<vmem>>)
          tpu.yield
        }) : () -> ()
        %dma_start3A_107 = arith.constant 0 : i32
        %dma_start3A_108 = arith.constant 0 : i32
        %dma_start3A_109 = tpu.memref_slice %arg2[%dma_start3A_107, %dma_start3A_108] : memref<10000x64xf32, #tpu.memory_space<hbm>> -> memref<10000x64xf32, #tpu.memory_space<hbm>>
        tpu.enqueue_indirect_dma source(%dma_start3A_109 : memref<10000x64xf32, #tpu.memory_space<hbm>>) target(%arg13 : memref<128x64xf32, #tpu.memory_space<vmem>>) offsets(%arg9 : memref<128xi32, #tpu.memory_space<vmem>>) semaphore(%arg24 : memref<!tpu.dma_semaphore, #tpu.memory_space<semaphore_mem>>)
        %dma_start3A_110 = arith.constant 0 : i32
        %dma_start3A_111 = arith.constant 0 : i32
        %dma_start3A_112 = tpu.memref_slice %arg3[%dma_start3A_110, %dma_start3A_111] : memref<10000x64xf32, #tpu.memory_space<hbm>> -> memref<10000x64xf32, #tpu.memory_space<hbm>>
        tpu.enqueue_indirect_dma source(%dma_start3A_112 : memref<10000x64xf32, #tpu.memory_space<hbm>>) target(%arg15 : memref<128x64xf32, #tpu.memory_space<vmem>>) offsets(%arg9 : memref<128xi32, #tpu.memory_space<vmem>>) semaphore(%arg26 : memref<!tpu.dma_semaphore, #tpu.memory_space<semaphore_mem>>)
      } else {
      }
    }
    %scan3A_49 = arith.constant 39 : i32
    %add3A_50 = arith.constant 9984 : i32
    %add3A_51 = arith.addi %mul3A_28, %add3A_50 : i32
    "tpu.region"() ({
      %run_scoped3A = tpu.sem_alloc : memref<!tpu.dma_semaphore, #tpu.memory_space<semaphore_mem>>
      %dma_start3A_70 = tpu.memref_slice %arg4[%add3A_51] : memref<320000xi32, #tpu.memory_space<hbm>> -> memref<16xi32, #tpu.memory_space<hbm>>
      %dma_start3A_71 = tpu.memref_slice %arg4[%add3A_51] : memref<320000xi32, #tpu.memory_space<hbm>> -> memref<16xi32, #tpu.memory_space<hbm>>
      tpu.enqueue_dma source(%dma_start3A_71 : memref<16xi32, #tpu.memory_space<hbm>>) target(%arg16 : memref<16xi32, #tpu.memory_space<vmem>>) target_semaphore(%run_scoped3A : memref<!tpu.dma_semaphore, #tpu.memory_space<semaphore_mem>>)
      %dma_wait3A_72 = tpu.memref_slice %arg4[%add3A_51] : memref<320000xi32, #tpu.memory_space<hbm>> -> memref<16xi32, #tpu.memory_space<hbm>>
      %dma_wait3A_73 = tpu.memref_slice %arg4[%add3A_51] : memref<320000xi32, #tpu.memory_space<hbm>> -> memref<16xi32, #tpu.memory_space<hbm>>
      tpu.wait_dma2 semaphore(%run_scoped3A : memref<!tpu.dma_semaphore, #tpu.memory_space<semaphore_mem>>) src(%dma_wait3A_73 : memref<16xi32, #tpu.memory_space<hbm>>) dst(%arg16 : memref<16xi32, #tpu.memory_space<vmem>>)
      tpu.yield
    }) : () -> ()
    "tpu.region"() ({
      %run_scoped3A = tpu.sem_alloc : memref<!tpu.dma_semaphore, #tpu.memory_space<semaphore_mem>>
      %dma_start3A_70 = tpu.memref_slice %arg5[%add3A_51] : memref<320000xi32, #tpu.memory_space<hbm>> -> memref<16xi32, #tpu.memory_space<hbm>>
      %dma_start3A_71 = tpu.memref_slice %arg5[%add3A_51] : memref<320000xi32, #tpu.memory_space<hbm>> -> memref<16xi32, #tpu.memory_space<hbm>>
      tpu.enqueue_dma source(%dma_start3A_71 : memref<16xi32, #tpu.memory_space<hbm>>) target(%arg17 : memref<16xi32, #tpu.memory_space<vmem>>) target_semaphore(%run_scoped3A : memref<!tpu.dma_semaphore, #tpu.memory_space<semaphore_mem>>)
      %dma_wait3A_72 = tpu.memref_slice %arg5[%add3A_51] : memref<320000xi32, #tpu.memory_space<hbm>> -> memref<16xi32, #tpu.memory_space<hbm>>
      %dma_wait3A_73 = tpu.memref_slice %arg5[%add3A_51] : memref<320000xi32, #tpu.memory_space<hbm>> -> memref<16xi32, #tpu.memory_space<hbm>>
      tpu.wait_dma2 semaphore(%run_scoped3A : memref<!tpu.dma_semaphore, #tpu.memory_space<semaphore_mem>>) src(%dma_wait3A_73 : memref<16xi32, #tpu.memory_space<hbm>>) dst(%arg17 : memref<16xi32, #tpu.memory_space<vmem>>)
      tpu.yield
    }) : () -> ()
    %dma_start3A_52 = arith.constant 0 : i32
    %dma_start3A_53 = arith.constant 0 : i32
    %dma_start3A_54 = tpu.memref_slice %arg2[%dma_start3A_52, %dma_start3A_53] : memref<10000x64xf32, #tpu.memory_space<hbm>> -> memref<10000x64xf32, #tpu.memory_space<hbm>>
    tpu.enqueue_indirect_dma source(%dma_start3A_54 : memref<10000x64xf32, #tpu.memory_space<hbm>>) target(%arg18 : memref<16x64xf32, #tpu.memory_space<vmem>>) offsets(%arg16 : memref<16xi32, #tpu.memory_space<vmem>>) semaphore(%arg23 : memref<!tpu.dma_semaphore, #tpu.memory_space<semaphore_mem>>)
    %dma_start3A_55 = arith.constant 0 : i32
    %dma_start3A_56 = arith.constant 0 : i32
    %dma_start3A_57 = tpu.memref_slice %arg3[%dma_start3A_55, %dma_start3A_56] : memref<10000x64xf32, #tpu.memory_space<hbm>> -> memref<10000x64xf32, #tpu.memory_space<hbm>>
    tpu.enqueue_indirect_dma source(%dma_start3A_57 : memref<10000x64xf32, #tpu.memory_space<hbm>>) target(%arg19 : memref<16x64xf32, #tpu.memory_space<vmem>>) offsets(%arg16 : memref<16xi32, #tpu.memory_space<vmem>>) semaphore(%arg25 : memref<!tpu.dma_semaphore, #tpu.memory_space<semaphore_mem>>)
    %dma_wait3A = arith.constant 0 : i32
    %dma_wait3A_58 = arith.constant 0 : i32
    %dma_wait3A_59 = tpu.memref_slice %arg2[%dma_wait3A, %dma_wait3A_58] : memref<10000x64xf32, #tpu.memory_space<hbm>> -> memref<10000x64xf32, #tpu.memory_space<hbm>>
    tpu.wait_indirect_dma semaphore(%arg23 : memref<!tpu.dma_semaphore, #tpu.memory_space<semaphore_mem>>) src(%dma_wait3A_59 : memref<10000x64xf32, #tpu.memory_space<hbm>>) dst(%arg18 : memref<16x64xf32, #tpu.memory_space<vmem>>)
    %dma_wait3A_60 = arith.constant 0 : i32
    %dma_wait3A_61 = arith.constant 0 : i32
    %dma_wait3A_62 = tpu.memref_slice %arg3[%dma_wait3A_60, %dma_wait3A_61] : memref<10000x64xf32, #tpu.memory_space<hbm>> -> memref<10000x64xf32, #tpu.memory_space<hbm>>
    tpu.wait_indirect_dma semaphore(%arg25 : memref<!tpu.dma_semaphore, #tpu.memory_space<semaphore_mem>>) src(%dma_wait3A_62 : memref<10000x64xf32, #tpu.memory_space<hbm>>) dst(%arg19 : memref<16x64xf32, #tpu.memory_space<vmem>>)
    "tpu.region"() ({
      %run_scoped3A = tpu.sem_alloc : memref<!tpu.dma_semaphore, #tpu.memory_space<semaphore_mem>>
      %dma_start3A_70 = arith.constant 0 : i32
      %dma_start3A_71 = arith.constant 0 : i32
      %dma_start3A_72 = tpu.memref_slice %arg21[%dma_start3A_70, %dma_start3A_71] : memref<10000x64xf32, #tpu.memory_space<vmem_shared>> -> memref<10000x64xf32, #tpu.memory_space<vmem_shared>>
      tpu.enqueue_indirect_dma source(%arg18 : memref<16x64xf32, #tpu.memory_space<vmem>>) target(%dma_start3A_72 : memref<10000x64xf32, #tpu.memory_space<vmem_shared>>) offsets(%arg17 : memref<16xi32, #tpu.memory_space<vmem>>) semaphore(%run_scoped3A : memref<!tpu.dma_semaphore, #tpu.memory_space<semaphore_mem>>) {add = true}
      %dma_wait3A_73 = arith.constant 0 : i32
      %dma_wait3A_74 = arith.constant 0 : i32
      %dma_wait3A_75 = tpu.memref_slice %arg21[%dma_wait3A_73, %dma_wait3A_74] : memref<10000x64xf32, #tpu.memory_space<vmem_shared>> -> memref<10000x64xf32, #tpu.memory_space<vmem_shared>>
      tpu.wait_indirect_dma semaphore(%run_scoped3A : memref<!tpu.dma_semaphore, #tpu.memory_space<semaphore_mem>>) src(%arg18 : memref<16x64xf32, #tpu.memory_space<vmem>>) dst(%dma_wait3A_75 : memref<10000x64xf32, #tpu.memory_space<vmem_shared>>)
      tpu.yield
    }) : () -> ()
    "tpu.region"() ({
      %run_scoped3A = tpu.sem_alloc : memref<!tpu.dma_semaphore, #tpu.memory_space<semaphore_mem>>
      %dma_start3A_70 = arith.constant 0 : i32
      %dma_start3A_71 = arith.constant 0 : i32
      %dma_start3A_72 = tpu.memref_slice %arg22[%dma_start3A_70, %dma_start3A_71] : memref<10000x64xf32, #tpu.memory_space<vmem_shared>> -> memref<10000x64xf32, #tpu.memory_space<vmem_shared>>
      tpu.enqueue_indirect_dma source(%arg19 : memref<16x64xf32, #tpu.memory_space<vmem>>) target(%dma_start3A_72 : memref<10000x64xf32, #tpu.memory_space<vmem_shared>>) offsets(%arg17 : memref<16xi32, #tpu.memory_space<vmem>>) semaphore(%run_scoped3A : memref<!tpu.dma_semaphore, #tpu.memory_space<semaphore_mem>>) {add = true}
      %dma_wait3A_73 = arith.constant 0 : i32
      %dma_wait3A_74 = arith.constant 0 : i32
      %dma_wait3A_75 = tpu.memref_slice %arg22[%dma_wait3A_73, %dma_wait3A_74] : memref<10000x64xf32, #tpu.memory_space<vmem_shared>> -> memref<10000x64xf32, #tpu.memory_space<vmem_shared>>
      tpu.wait_indirect_dma semaphore(%run_scoped3A : memref<!tpu.dma_semaphore, #tpu.memory_space<semaphore_mem>>) src(%arg19 : memref<16x64xf32, #tpu.memory_space<vmem>>) dst(%dma_wait3A_75 : memref<10000x64xf32, #tpu.memory_space<vmem_shared>>)
      tpu.yield
    }) : () -> ()
    %barrier3A_63 = arith.constant 0 : index
    tpu.barrier barrier_id(%barrier3A_63)
    %mul3A_64 = arith.constant 10000 : i32
    %mul3A_65 = arith.muli %arg0, %mul3A_64 : i32
    %add3A_66 = arith.addi %mul3A_65, %mul3A_8 : i32
    "tpu.region"() ({
      %run_scoped3A = tpu.sem_alloc : memref<!tpu.dma_semaphore, #tpu.memory_space<semaphore_mem>>
      %dma_start3A_70 = arith.constant 0 : i32
      %dma_start3A_71 = tpu.memref_slice %arg6[%add3A_66, %dma_start3A_70] : memref<20000x64xf32, #tpu.memory_space<hbm>> -> memref<625x64xf32, #tpu.memory_space<hbm>>
      %dma_start3A_72 = arith.constant 0 : i32
      %dma_start3A_73 = tpu.memref_slice %arg21[%mul3A_8, %dma_start3A_72] : memref<10000x64xf32, #tpu.memory_space<vmem_shared>> -> memref<625x64xf32, #tpu.memory_space<vmem_shared>>
      tpu.enqueue_dma source(%dma_start3A_73 : memref<625x64xf32, #tpu.memory_space<vmem_shared>>) target(%dma_start3A_71 : memref<625x64xf32, #tpu.memory_space<hbm>>) target_semaphore(%run_scoped3A : memref<!tpu.dma_semaphore, #tpu.memory_space<semaphore_mem>>)
      %dma_wait3A_74 = arith.constant 0 : i32
      %dma_wait3A_75 = tpu.memref_slice %arg6[%add3A_66, %dma_wait3A_74] : memref<20000x64xf32, #tpu.memory_space<hbm>> -> memref<625x64xf32, #tpu.memory_space<hbm>>
      %dma_wait3A_76 = arith.constant 0 : i32
      %dma_wait3A_77 = tpu.memref_slice %arg21[%mul3A_8, %dma_wait3A_76] : memref<10000x64xf32, #tpu.memory_space<vmem_shared>> -> memref<625x64xf32, #tpu.memory_space<vmem_shared>>
      tpu.wait_dma2 semaphore(%run_scoped3A : memref<!tpu.dma_semaphore, #tpu.memory_space<semaphore_mem>>) src(%dma_wait3A_77 : memref<625x64xf32, #tpu.memory_space<vmem_shared>>) dst(%dma_wait3A_75 : memref<625x64xf32, #tpu.memory_space<hbm>>)
      tpu.yield
    }) : () -> ()
    %mul3A_67 = arith.constant 10000 : i32
    %mul3A_68 = arith.muli %arg0, %mul3A_67 : i32
    %add3A_69 = arith.addi %mul3A_68, %mul3A_8 : i32
    "tpu.region"() ({
      %run_scoped3A = tpu.sem_alloc : memref<!tpu.dma_semaphore, #tpu.memory_space<semaphore_mem>>
      %dma_start3A_70 = arith.constant 0 : i32
      %dma_start3A_71 = tpu.memref_slice %arg7[%add3A_69, %dma_start3A_70] : memref<20000x64xf32, #tpu.memory_space<hbm>> -> memref<625x64xf32, #tpu.memory_space<hbm>>
      %dma_start3A_72 = arith.constant 0 : i32
      %dma_start3A_73 = tpu.memref_slice %arg22[%mul3A_8, %dma_start3A_72] : memref<10000x64xf32, #tpu.memory_space<vmem_shared>> -> memref<625x64xf32, #tpu.memory_space<vmem_shared>>
      tpu.enqueue_dma source(%dma_start3A_73 : memref<625x64xf32, #tpu.memory_space<vmem_shared>>) target(%dma_start3A_71 : memref<625x64xf32, #tpu.memory_space<hbm>>) target_semaphore(%run_scoped3A : memref<!tpu.dma_semaphore, #tpu.memory_space<semaphore_mem>>)
      %dma_wait3A_74 = arith.constant 0 : i32
      %dma_wait3A_75 = tpu.memref_slice %arg7[%add3A_69, %dma_wait3A_74] : memref<20000x64xf32, #tpu.memory_space<hbm>> -> memref<625x64xf32, #tpu.memory_space<hbm>>
      %dma_wait3A_76 = arith.constant 0 : i32
      %dma_wait3A_77 = tpu.memref_slice %arg22[%mul3A_8, %dma_wait3A_76] : memref<10000x64xf32, #tpu.memory_space<vmem_shared>> -> memref<625x64xf32, #tpu.memory_space<vmem_shared>>
      tpu.wait_dma2 semaphore(%run_scoped3A : memref<!tpu.dma_semaphore, #tpu.memory_space<semaphore_mem>>) src(%dma_wait3A_77 : memref<625x64xf32, #tpu.memory_space<vmem_shared>>) dst(%dma_wait3A_75 : memref<625x64xf32, #tpu.memory_space<hbm>>)
      tpu.yield
    }) : () -> ()
    return
  }
}

#map = affine_map<(d0, d1) -> (0, 0)>
#map1 = affine_map<(d0, d1) -> (0)>
module attributes {stable_mosaic.version = 14 : i64} {
  func.func @_sc_spmm(%arg0: i32, %arg1: i32, %arg2: memref<10000x64xf32, #tpu.memory_space<hbm>>, %arg3: memref<10000x64xf32, #tpu.memory_space<hbm>>, %arg4: memref<320000xi32, #tpu.memory_space<hbm>>, %arg5: memref<320000xi32, #tpu.memory_space<hbm>>, %arg6: memref<20000x64xf32, #tpu.memory_space<hbm>>, %arg7: memref<20000x64xf32, #tpu.memory_space<hbm>>, %arg8: memref<128xi32, #tpu.memory_space<vmem>>, %arg9: memref<128xi32, #tpu.memory_space<vmem>>, %arg10: memref<128xi32, #tpu.memory_space<vmem>>, %arg11: memref<128xi32, #tpu.memory_space<vmem>>, %arg12: memref<128x64xf32, #tpu.memory_space<vmem>>, %arg13: memref<128x64xf32, #tpu.memory_space<vmem>>, %arg14: memref<128x64xf32, #tpu.memory_space<vmem>>, %arg15: memref<128x64xf32, #tpu.memory_space<vmem>>, %arg16: memref<16xi32, #tpu.memory_space<vmem>>, %arg17: memref<16xi32, #tpu.memory_space<vmem>>, %arg18: memref<16x64xf32, #tpu.memory_space<vmem>>, %arg19: memref<16x64xf32, #tpu.memory_space<vmem>>, %arg20: memref<128x64xf32, #tpu.memory_space<vmem>>, %arg21: memref<10000x64xf32, #tpu.memory_space<vmem_shared>>, %arg22: memref<10000x64xf32, #tpu.memory_space<vmem_shared>>, %arg23: memref<!tpu.dma_semaphore, #tpu.memory_space<semaphore_mem>>, %arg24: memref<!tpu.dma_semaphore, #tpu.memory_space<semaphore_mem>>, %arg25: memref<!tpu.dma_semaphore, #tpu.memory_space<semaphore_mem>>, %arg26: memref<!tpu.dma_semaphore, #tpu.memory_space<semaphore_mem>>) attributes {dimension_semantics = [#tpu.dimension_semantics<core_parallel>, #tpu.dimension_semantics<subcore_parallel>], iteration_bounds = array<i64: 2, 16>, scalar_prefetch = 0 : i64, scratch_operands = 19 : i64, tpu.core_type = #tpu.core_type<sc_vector_subcore>, window_params = [{transform_indices = #map}, {transform_indices = #map}, {transform_indices = #map1}, {transform_indices = #map1}, {transform_indices = #map}, {transform_indices = #map}]} {
    %mul3A = arith.constant 2 : i32
    %mul3A_0 = arith.muli %arg1, %mul3A : i32
    %add3A = arith.addi %mul3A_0, %arg0 : i32
    %broadcast_in_dim3A = arith.constant 0.000000e+00 : f32
    %broadcast_in_dim3A_1 = vector.broadcast %broadcast_in_dim3A : f32 to vector<16xf32>
    %scan3A = arith.constant 0 : i32
    %scan3A_2 = arith.constant 0 : i32
    %scan3A_3 = arith.constant 128 : i32
    %scan3A_4 = arith.addi %scan3A_2, %scan3A_3 : i32
    %scan3A_5 = arith.constant 1 : i32
    scf.for %scan3A_70 = %scan3A_2 to %scan3A_4 step %scan3A_5  : i32 {
      %swap3A = arith.index_cast %scan3A_70 : i32 to index
      %swap3A_71 = arith.constant 0 : index
      %swap3A_72 = tpu.vector_load %arg20[%swap3A, %swap3A_71] {strides = array<i32>} : memref<128x64xf32, #tpu.memory_space<vmem>>, vector<1x16xf32>,
      %swap3A_73 = vector.shape_cast %swap3A_72 : vector<1x16xf32> to vector<16xf32>
      %swap3A_74 = vector.shape_cast %broadcast_in_dim3A_1 : vector<16xf32> to vector<1x16xf32>
      tpu.vector_store %arg20[%swap3A, %swap3A_71], %swap3A_74 {strides = array<i32>} : memref<128x64xf32, #tpu.memory_space<vmem>>, vector<1x16xf32>,
      %swap3A_75 = arith.index_cast %scan3A_70 : i32 to index
      %swap3A_76 = arith.constant 16 : index
      %swap3A_77 = tpu.vector_load %arg20[%swap3A_75, %swap3A_76] {strides = array<i32>} : memref<128x64xf32, #tpu.memory_space<vmem>>, vector<1x16xf32>,
      %swap3A_78 = vector.shape_cast %swap3A_77 : vector<1x16xf32> to vector<16xf32>
      %swap3A_79 = vector.shape_cast %broadcast_in_dim3A_1 : vector<16xf32> to vector<1x16xf32>
      tpu.vector_store %arg20[%swap3A_75, %swap3A_76], %swap3A_79 {strides = array<i32>} : memref<128x64xf32, #tpu.memory_space<vmem>>, vector<1x16xf32>,
      %swap3A_80 = arith.index_cast %scan3A_70 : i32 to index
      %swap3A_81 = arith.constant 32 : index
      %swap3A_82 = tpu.vector_load %arg20[%swap3A_80, %swap3A_81] {strides = array<i32>} : memref<128x64xf32, #tpu.memory_space<vmem>>, vector<1x16xf32>,
      %swap3A_83 = vector.shape_cast %swap3A_82 : vector<1x16xf32> to vector<16xf32>
      %swap3A_84 = vector.shape_cast %broadcast_in_dim3A_1 : vector<16xf32> to vector<1x16xf32>
      tpu.vector_store %arg20[%swap3A_80, %swap3A_81], %swap3A_84 {strides = array<i32>} : memref<128x64xf32, #tpu.memory_space<vmem>>, vector<1x16xf32>,
      %swap3A_85 = arith.index_cast %scan3A_70 : i32 to index
      %swap3A_86 = arith.constant 48 : index
      %swap3A_87 = tpu.vector_load %arg20[%swap3A_85, %swap3A_86] {strides = array<i32>} : memref<128x64xf32, #tpu.memory_space<vmem>>, vector<1x16xf32>,
      %swap3A_88 = vector.shape_cast %swap3A_87 : vector<1x16xf32> to vector<16xf32>
      %swap3A_89 = vector.shape_cast %broadcast_in_dim3A_1 : vector<16xf32> to vector<1x16xf32>
      tpu.vector_store %arg20[%swap3A_85, %swap3A_86], %swap3A_89 {strides = array<i32>} : memref<128x64xf32, #tpu.memory_space<vmem>>, vector<1x16xf32>,
    }
    %scan3A_6 = arith.constant 128 : i32
    %mul3A_7 = arith.constant 625 : i32
    %mul3A_8 = arith.muli %arg1, %mul3A_7 : i32
    %add3A_9 = arith.constant 0 : i32
    %add3A_10 = arith.addi %mul3A_8, %add3A_9 : i32
    "tpu.region"() ({
      %run_scoped3A = tpu.sem_alloc : memref<!tpu.dma_semaphore, #tpu.memory_space<semaphore_mem>>
      %dma_start3A_70 = arith.constant 0 : i32
      %dma_start3A_71 = tpu.memref_slice %arg21[%add3A_10, %dma_start3A_70] : memref<10000x64xf32, #tpu.memory_space<vmem_shared>> -> memref<128x64xf32, #tpu.memory_space<vmem_shared>>
      %dma_start3A_72 = arith.constant 0 : i32
      %dma_start3A_73 = tpu.memref_slice %arg21[%add3A_10, %dma_start3A_72] : memref<10000x64xf32, #tpu.memory_space<vmem_shared>> -> memref<128x64xf32, #tpu.memory_space<vmem_shared>>
      tpu.enqueue_dma source(%arg20 : memref<128x64xf32, #tpu.memory_space<vmem>>) target(%dma_start3A_73 : memref<128x64xf32, #tpu.memory_space<vmem_shared>>) target_semaphore(%run_scoped3A : memref<!tpu.dma_semaphore, #tpu.memory_space<semaphore_mem>>)
      %dma_wait3A_74 = arith.constant 0 : i32
      %dma_wait3A_75 = tpu.memref_slice %arg21[%add3A_10, %dma_wait3A_74] : memref<10000x64xf32, #tpu.memory_space<vmem_shared>> -> memref<128x64xf32, #tpu.memory_space<vmem_shared>>
      %dma_wait3A_76 = arith.constant 0 : i32
      %dma_wait3A_77 = tpu.memref_slice %arg21[%add3A_10, %dma_wait3A_76] : memref<10000x64xf32, #tpu.memory_space<vmem_shared>> -> memref<128x64xf32, #tpu.memory_space<vmem_shared>>
      tpu.wait_dma2 semaphore(%run_scoped3A : memref<!tpu.dma_semaphore, #tpu.memory_space<semaphore_mem>>) src(%arg20 : memref<128x64xf32, #tpu.memory_space<vmem>>) dst(%dma_wait3A_77 : memref<128x64xf32, #tpu.memory_space<vmem_shared>>)
      tpu.yield
    }) : () -> ()
    %add3A_11 = arith.constant 0 : i32
    %add3A_12 = arith.addi %mul3A_8, %add3A_11 : i32
    "tpu.region"() ({
      %run_scoped3A = tpu.sem_alloc : memref<!tpu.dma_semaphore, #tpu.memory_space<semaphore_mem>>
      %dma_start3A_70 = arith.constant 0 : i32
      %dma_start3A_71 = tpu.memref_slice %arg22[%add3A_12, %dma_start3A_70] : memref<10000x64xf32, #tpu.memory_space<vmem_shared>> -> memref<128x64xf32, #tpu.memory_space<vmem_shared>>
      %dma_start3A_72 = arith.constant 0 : i32
      %dma_start3A_73 = tpu.memref_slice %arg22[%add3A_12, %dma_start3A_72] : memref<10000x64xf32, #tpu.memory_space<vmem_shared>> -> memref<128x64xf32, #tpu.memory_space<vmem_shared>>
      tpu.enqueue_dma source(%arg20 : memref<128x64xf32, #tpu.memory_space<vmem>>) target(%dma_start3A_73 : memref<128x64xf32, #tpu.memory_space<vmem_shared>>) target_semaphore(%run_scoped3A : memref<!tpu.dma_semaphore, #tpu.memory_space<semaphore_mem>>)
      %dma_wait3A_74 = arith.constant 0 : i32
      %dma_wait3A_75 = tpu.memref_slice %arg22[%add3A_12, %dma_wait3A_74] : memref<10000x64xf32, #tpu.memory_space<vmem_shared>> -> memref<128x64xf32, #tpu.memory_space<vmem_shared>>
      %dma_wait3A_76 = arith.constant 0 : i32
      %dma_wait3A_77 = tpu.memref_slice %arg22[%add3A_12, %dma_wait3A_76] : memref<10000x64xf32, #tpu.memory_space<vmem_shared>> -> memref<128x64xf32, #tpu.memory_space<vmem_shared>>
      tpu.wait_dma2 semaphore(%run_scoped3A : memref<!tpu.dma_semaphore, #tpu.memory_space<semaphore_mem>>) src(%arg20 : memref<128x64xf32, #tpu.memory_space<vmem>>) dst(%dma_wait3A_77 : memref<128x64xf32, #tpu.memory_space<vmem_shared>>)
      tpu.yield
    }) : () -> ()
    %add3A_13 = arith.constant 128 : i32
    %add3A_14 = arith.addi %mul3A_8, %add3A_13 : i32
    "tpu.region"() ({
      %run_scoped3A = tpu.sem_alloc : memref<!tpu.dma_semaphore, #tpu.memory_space<semaphore_mem>>
      %dma_start3A_70 = arith.constant 0 : i32
      %dma_start3A_71 = tpu.memref_slice %arg21[%add3A_14, %dma_start3A_70] : memref<10000x64xf32, #tpu.memory_space<vmem_shared>> -> memref<128x64xf32, #tpu.memory_space<vmem_shared>>
      %dma_start3A_72 = arith.constant 0 : i32
      %dma_start3A_73 = tpu.memref_slice %arg21[%add3A_14, %dma_start3A_72] : memref<10000x64xf32, #tpu.memory_space<vmem_shared>> -> memref<128x64xf32, #tpu.memory_space<vmem_shared>>
      tpu.enqueue_dma source(%arg20 : memref<128x64xf32, #tpu.memory_space<vmem>>) target(%dma_start3A_73 : memref<128x64xf32, #tpu.memory_space<vmem_shared>>) target_semaphore(%run_scoped3A : memref<!tpu.dma_semaphore, #tpu.memory_space<semaphore_mem>>)
      %dma_wait3A_74 = arith.constant 0 : i32
      %dma_wait3A_75 = tpu.memref_slice %arg21[%add3A_14, %dma_wait3A_74] : memref<10000x64xf32, #tpu.memory_space<vmem_shared>> -> memref<128x64xf32, #tpu.memory_space<vmem_shared>>
      %dma_wait3A_76 = arith.constant 0 : i32
      %dma_wait3A_77 = tpu.memref_slice %arg21[%add3A_14, %dma_wait3A_76] : memref<10000x64xf32, #tpu.memory_space<vmem_shared>> -> memref<128x64xf32, #tpu.memory_space<vmem_shared>>
      tpu.wait_dma2 semaphore(%run_scoped3A : memref<!tpu.dma_semaphore, #tpu.memory_space<semaphore_mem>>) src(%arg20 : memref<128x64xf32, #tpu.memory_space<vmem>>) dst(%dma_wait3A_77 : memref<128x64xf32, #tpu.memory_space<vmem_shared>>)
      tpu.yield
    }) : () -> ()
    %add3A_15 = arith.constant 128 : i32
    %add3A_16 = arith.addi %mul3A_8, %add3A_15 : i32
    "tpu.region"() ({
      %run_scoped3A = tpu.sem_alloc : memref<!tpu.dma_semaphore, #tpu.memory_space<semaphore_mem>>
      %dma_start3A_70 = arith.constant 0 : i32
      %dma_start3A_71 = tpu.memref_slice %arg22[%add3A_16, %dma_start3A_70] : memref<10000x64xf32, #tpu.memory_space<vmem_shared>> -> memref<128x64xf32, #tpu.memory_space<vmem_shared>>
      %dma_start3A_72 = arith.constant 0 : i32
      %dma_start3A_73 = tpu.memref_slice %arg22[%add3A_16, %dma_start3A_72] : memref<10000x64xf32, #tpu.memory_space<vmem_shared>> -> memref<128x64xf32, #tpu.memory_space<vmem_shared>>
      tpu.enqueue_dma source(%arg20 : memref<128x64xf32, #tpu.memory_space<vmem>>) target(%dma_start3A_73 : memref<128x64xf32, #tpu.memory_space<vmem_shared>>) target_semaphore(%run_scoped3A : memref<!tpu.dma_semaphore, #tpu.memory_space<semaphore_mem>>)
      %dma_wait3A_74 = arith.constant 0 : i32
      %dma_wait3A_75 = tpu.memref_slice %arg22[%add3A_16, %dma_wait3A_74] : memref<10000x64xf32, #tpu.memory_space<vmem_shared>> -> memref<128x64xf32, #tpu.memory_space<vmem_shared>>
      %dma_wait3A_76 = arith.constant 0 : i32
      %dma_wait3A_77 = tpu.memref_slice %arg22[%add3A_16, %dma_wait3A_76] : memref<10000x64xf32, #tpu.memory_space<vmem_shared>> -> memref<128x64xf32, #tpu.memory_space<vmem_shared>>
      tpu.wait_dma2 semaphore(%run_scoped3A : memref<!tpu.dma_semaphore, #tpu.memory_space<semaphore_mem>>) src(%arg20 : memref<128x64xf32, #tpu.memory_space<vmem>>) dst(%dma_wait3A_77 : memref<128x64xf32, #tpu.memory_space<vmem_shared>>)
      tpu.yield
    }) : () -> ()
    %add3A_17 = arith.constant 256 : i32
    %add3A_18 = arith.addi %mul3A_8, %add3A_17 : i32
    "tpu.region"() ({
      %run_scoped3A = tpu.sem_alloc : memref<!tpu.dma_semaphore, #tpu.memory_space<semaphore_mem>>
      %dma_start3A_70 = arith.constant 0 : i32
      %dma_start3A_71 = tpu.memref_slice %arg21[%add3A_18, %dma_start3A_70] : memref<10000x64xf32, #tpu.memory_space<vmem_shared>> -> memref<128x64xf32, #tpu.memory_space<vmem_shared>>
      %dma_start3A_72 = arith.constant 0 : i32
      %dma_start3A_73 = tpu.memref_slice %arg21[%add3A_18, %dma_start3A_72] : memref<10000x64xf32, #tpu.memory_space<vmem_shared>> -> memref<128x64xf32, #tpu.memory_space<vmem_shared>>
      tpu.enqueue_dma source(%arg20 : memref<128x64xf32, #tpu.memory_space<vmem>>) target(%dma_start3A_73 : memref<128x64xf32, #tpu.memory_space<vmem_shared>>) target_semaphore(%run_scoped3A : memref<!tpu.dma_semaphore, #tpu.memory_space<semaphore_mem>>)
      %dma_wait3A_74 = arith.constant 0 : i32
      %dma_wait3A_75 = tpu.memref_slice %arg21[%add3A_18, %dma_wait3A_74] : memref<10000x64xf32, #tpu.memory_space<vmem_shared>> -> memref<128x64xf32, #tpu.memory_space<vmem_shared>>
      %dma_wait3A_76 = arith.constant 0 : i32
      %dma_wait3A_77 = tpu.memref_slice %arg21[%add3A_18, %dma_wait3A_76] : memref<10000x64xf32, #tpu.memory_space<vmem_shared>> -> memref<128x64xf32, #tpu.memory_space<vmem_shared>>
      tpu.wait_dma2 semaphore(%run_scoped3A : memref<!tpu.dma_semaphore, #tpu.memory_space<semaphore_mem>>) src(%arg20 : memref<128x64xf32, #tpu.memory_space<vmem>>) dst(%dma_wait3A_77 : memref<128x64xf32, #tpu.memory_space<vmem_shared>>)
      tpu.yield
    }) : () -> ()
    %add3A_19 = arith.constant 256 : i32
    %add3A_20 = arith.addi %mul3A_8, %add3A_19 : i32
    "tpu.region"() ({
      %run_scoped3A = tpu.sem_alloc : memref<!tpu.dma_semaphore, #tpu.memory_space<semaphore_mem>>
      %dma_start3A_70 = arith.constant 0 : i32
      %dma_start3A_71 = tpu.memref_slice %arg22[%add3A_20, %dma_start3A_70] : memref<10000x64xf32, #tpu.memory_space<vmem_shared>> -> memref<128x64xf32, #tpu.memory_space<vmem_shared>>
      %dma_start3A_72 = arith.constant 0 : i32
      %dma_start3A_73 = tpu.memref_slice %arg22[%add3A_20, %dma_start3A_72] : memref<10000x64xf32, #tpu.memory_space<vmem_shared>> -> memref<128x64xf32, #tpu.memory_space<vmem_shared>>
      tpu.enqueue_dma source(%arg20 : memref<128x64xf32, #tpu.memory_space<vmem>>) target(%dma_start3A_73 : memref<128x64xf32, #tpu.memory_space<vmem_shared>>) target_semaphore(%run_scoped3A : memref<!tpu.dma_semaphore, #tpu.memory_space<semaphore_mem>>)
      %dma_wait3A_74 = arith.constant 0 : i32
      %dma_wait3A_75 = tpu.memref_slice %arg22[%add3A_20, %dma_wait3A_74] : memref<10000x64xf32, #tpu.memory_space<vmem_shared>> -> memref<128x64xf32, #tpu.memory_space<vmem_shared>>
      %dma_wait3A_76 = arith.constant 0 : i32
      %dma_wait3A_77 = tpu.memref_slice %arg22[%add3A_20, %dma_wait3A_76] : memref<10000x64xf32, #tpu.memory_space<vmem_shared>> -> memref<128x64xf32, #tpu.memory_space<vmem_shared>>
      tpu.wait_dma2 semaphore(%run_scoped3A : memref<!tpu.dma_semaphore, #tpu.memory_space<semaphore_mem>>) src(%arg20 : memref<128x64xf32, #tpu.memory_space<vmem>>) dst(%dma_wait3A_77 : memref<128x64xf32, #tpu.memory_space<vmem_shared>>)
      tpu.yield
    }) : () -> ()
    %add3A_21 = arith.constant 384 : i32
    %add3A_22 = arith.addi %mul3A_8, %add3A_21 : i32
    "tpu.region"() ({
      %run_scoped3A = tpu.sem_alloc : memref<!tpu.dma_semaphore, #tpu.memory_space<semaphore_mem>>
      %dma_start3A_70 = arith.constant 0 : i32
      %dma_start3A_71 = tpu.memref_slice %arg21[%add3A_22, %dma_start3A_70] : memref<10000x64xf32, #tpu.memory_space<vmem_shared>> -> memref<128x64xf32, #tpu.memory_space<vmem_shared>>
      %dma_start3A_72 = arith.constant 0 : i32
      %dma_start3A_73 = tpu.memref_slice %arg21[%add3A_22, %dma_start3A_72] : memref<10000x64xf32, #tpu.memory_space<vmem_shared>> -> memref<128x64xf32, #tpu.memory_space<vmem_shared>>
      tpu.enqueue_dma source(%arg20 : memref<128x64xf32, #tpu.memory_space<vmem>>) target(%dma_start3A_73 : memref<128x64xf32, #tpu.memory_space<vmem_shared>>) target_semaphore(%run_scoped3A : memref<!tpu.dma_semaphore, #tpu.memory_space<semaphore_mem>>)
      %dma_wait3A_74 = arith.constant 0 : i32
      %dma_wait3A_75 = tpu.memref_slice %arg21[%add3A_22, %dma_wait3A_74] : memref<10000x64xf32, #tpu.memory_space<vmem_shared>> -> memref<128x64xf32, #tpu.memory_space<vmem_shared>>
      %dma_wait3A_76 = arith.constant 0 : i32
      %dma_wait3A_77 = tpu.memref_slice %arg21[%add3A_22, %dma_wait3A_76] : memref<10000x64xf32, #tpu.memory_space<vmem_shared>> -> memref<128x64xf32, #tpu.memory_space<vmem_shared>>
      tpu.wait_dma2 semaphore(%run_scoped3A : memref<!tpu.dma_semaphore, #tpu.memory_space<semaphore_mem>>) src(%arg20 : memref<128x64xf32, #tpu.memory_space<vmem>>) dst(%dma_wait3A_77 : memref<128x64xf32, #tpu.memory_space<vmem_shared>>)
      tpu.yield
    }) : () -> ()
    %add3A_23 = arith.constant 384 : i32
    %add3A_24 = arith.addi %mul3A_8, %add3A_23 : i32
    "tpu.region"() ({
      %run_scoped3A = tpu.sem_alloc : memref<!tpu.dma_semaphore, #tpu.memory_space<semaphore_mem>>
      %dma_start3A_70 = arith.constant 0 : i32
      %dma_start3A_71 = tpu.memref_slice %arg22[%add3A_24, %dma_start3A_70] : memref<10000x64xf32, #tpu.memory_space<vmem_shared>> -> memref<128x64xf32, #tpu.memory_space<vmem_shared>>
      %dma_start3A_72 = arith.constant 0 : i32
      %dma_start3A_73 = tpu.memref_slice %arg22[%add3A_24, %dma_start3A_72] : memref<10000x64xf32, #tpu.memory_space<vmem_shared>> -> memref<128x64xf32, #tpu.memory_space<vmem_shared>>
      tpu.enqueue_dma source(%arg20 : memref<128x64xf32, #tpu.memory_space<vmem>>) target(%dma_start3A_73 : memref<128x64xf32, #tpu.memory_space<vmem_shared>>) target_semaphore(%run_scoped3A : memref<!tpu.dma_semaphore, #tpu.memory_space<semaphore_mem>>)
      %dma_wait3A_74 = arith.constant 0 : i32
      %dma_wait3A_75 = tpu.memref_slice %arg22[%add3A_24, %dma_wait3A_74] : memref<10000x64xf32, #tpu.memory_space<vmem_shared>> -> memref<128x64xf32, #tpu.memory_space<vmem_shared>>
      %dma_wait3A_76 = arith.constant 0 : i32
      %dma_wait3A_77 = tpu.memref_slice %arg22[%add3A_24, %dma_wait3A_76] : memref<10000x64xf32, #tpu.memory_space<vmem_shared>> -> memref<128x64xf32, #tpu.memory_space<vmem_shared>>
      tpu.wait_dma2 semaphore(%run_scoped3A : memref<!tpu.dma_semaphore, #tpu.memory_space<semaphore_mem>>) src(%arg20 : memref<128x64xf32, #tpu.memory_space<vmem>>) dst(%dma_wait3A_77 : memref<128x64xf32, #tpu.memory_space<vmem_shared>>)
      tpu.yield
    }) : () -> ()
    %add3A_25 = arith.constant 512 : i32
    %add3A_26 = arith.addi %mul3A_8, %add3A_25 : i32
    "tpu.region"() ({
      %run_scoped3A = tpu.sem_alloc : memref<!tpu.dma_semaphore, #tpu.memory_space<semaphore_mem>>
      %dma_start3A_70 = arith.constant 0 : i32
      %dma_start3A_71 = arith.constant 0 : i32
      %dma_start3A_72 = tpu.memref_slice %arg20[%dma_start3A_70, %dma_start3A_71] : memref<128x64xf32, #tpu.memory_space<vmem>> -> memref<113x64xf32, #tpu.memory_space<vmem>>
      %dma_start3A_73 = arith.constant 0 : i32
      %dma_start3A_74 = tpu.memref_slice %arg21[%add3A_26, %dma_start3A_73] : memref<10000x64xf32, #tpu.memory_space<vmem_shared>> -> memref<113x64xf32, #tpu.memory_space<vmem_shared>>
      %dma_start3A_75 = arith.constant 0 : i32
      %dma_start3A_76 = tpu.memref_slice %arg21[%add3A_26, %dma_start3A_75] : memref<10000x64xf32, #tpu.memory_space<vmem_shared>> -> memref<113x64xf32, #tpu.memory_space<vmem_shared>>
      %dma_start3A_77 = arith.constant 0 : i32
      %dma_start3A_78 = arith.constant 0 : i32
      %dma_start3A_79 = tpu.memref_slice %arg20[%dma_start3A_77, %dma_start3A_78] : memref<128x64xf32, #tpu.memory_space<vmem>> -> memref<113x64xf32, #tpu.memory_space<vmem>>
      tpu.enqueue_dma source(%dma_start3A_79 : memref<113x64xf32, #tpu.memory_space<vmem>>) target(%dma_start3A_76 : memref<113x64xf32, #tpu.memory_space<vmem_shared>>) target_semaphore(%run_scoped3A : memref<!tpu.dma_semaphore, #tpu.memory_space<semaphore_mem>>)
      %dma_wait3A_80 = arith.constant 0 : i32
      %dma_wait3A_81 = arith.constant 0 : i32
      %dma_wait3A_82 = tpu.memref_slice %arg20[%dma_wait3A_80, %dma_wait3A_81] : memref<128x64xf32, #tpu.memory_space<vmem>> -> memref<113x64xf32, #tpu.memory_space<vmem>>
      %dma_wait3A_83 = arith.constant 0 : i32
      %dma_wait3A_84 = tpu.memref_slice %arg21[%add3A_26, %dma_wait3A_83] : memref<10000x64xf32, #tpu.memory_space<vmem_shared>> -> memref<113x64xf32, #tpu.memory_space<vmem_shared>>
      %dma_wait3A_85 = arith.constant 0 : i32
      %dma_wait3A_86 = tpu.memref_slice %arg21[%add3A_26, %dma_wait3A_85] : memref<10000x64xf32, #tpu.memory_space<vmem_shared>> -> memref<113x64xf32, #tpu.memory_space<vmem_shared>>
      %dma_wait3A_87 = arith.constant 0 : i32
      %dma_wait3A_88 = arith.constant 0 : i32
      %dma_wait3A_89 = tpu.memref_slice %arg20[%dma_wait3A_87, %dma_wait3A_88] : memref<128x64xf32, #tpu.memory_space<vmem>> -> memref<113x64xf32, #tpu.memory_space<vmem>>
      tpu.wait_dma2 semaphore(%run_scoped3A : memref<!tpu.dma_semaphore, #tpu.memory_space<semaphore_mem>>) src(%dma_wait3A_89 : memref<113x64xf32, #tpu.memory_space<vmem>>) dst(%dma_wait3A_86 : memref<113x64xf32, #tpu.memory_space<vmem_shared>>)
      tpu.yield
    }) : () -> ()
    "tpu.region"() ({
      %run_scoped3A = tpu.sem_alloc : memref<!tpu.dma_semaphore, #tpu.memory_space<semaphore_mem>>
      %dma_start3A_70 = arith.constant 0 : i32
      %dma_start3A_71 = arith.constant 0 : i32
      %dma_start3A_72 = tpu.memref_slice %arg20[%dma_start3A_70, %dma_start3A_71] : memref<128x64xf32, #tpu.memory_space<vmem>> -> memref<113x64xf32, #tpu.memory_space<vmem>>
      %dma_start3A_73 = arith.constant 0 : i32
      %dma_start3A_74 = tpu.memref_slice %arg22[%add3A_26, %dma_start3A_73] : memref<10000x64xf32, #tpu.memory_space<vmem_shared>> -> memref<113x64xf32, #tpu.memory_space<vmem_shared>>
      %dma_start3A_75 = arith.constant 0 : i32
      %dma_start3A_76 = tpu.memref_slice %arg22[%add3A_26, %dma_start3A_75] : memref<10000x64xf32, #tpu.memory_space<vmem_shared>> -> memref<113x64xf32, #tpu.memory_space<vmem_shared>>
      %dma_start3A_77 = arith.constant 0 : i32
      %dma_start3A_78 = arith.constant 0 : i32
      %dma_start3A_79 = tpu.memref_slice %arg20[%dma_start3A_77, %dma_start3A_78] : memref<128x64xf32, #tpu.memory_space<vmem>> -> memref<113x64xf32, #tpu.memory_space<vmem>>
      tpu.enqueue_dma source(%dma_start3A_79 : memref<113x64xf32, #tpu.memory_space<vmem>>) target(%dma_start3A_76 : memref<113x64xf32, #tpu.memory_space<vmem_shared>>) target_semaphore(%run_scoped3A : memref<!tpu.dma_semaphore, #tpu.memory_space<semaphore_mem>>)
      %dma_wait3A_80 = arith.constant 0 : i32
      %dma_wait3A_81 = arith.constant 0 : i32
      %dma_wait3A_82 = tpu.memref_slice %arg20[%dma_wait3A_80, %dma_wait3A_81] : memref<128x64xf32, #tpu.memory_space<vmem>> -> memref<113x64xf32, #tpu.memory_space<vmem>>
      %dma_wait3A_83 = arith.constant 0 : i32
      %dma_wait3A_84 = tpu.memref_slice %arg22[%add3A_26, %dma_wait3A_83] : memref<10000x64xf32, #tpu.memory_space<vmem_shared>> -> memref<113x64xf32, #tpu.memory_space<vmem_shared>>
      %dma_wait3A_85 = arith.constant 0 : i32
      %dma_wait3A_86 = tpu.memref_slice %arg22[%add3A_26, %dma_wait3A_85] : memref<10000x64xf32, #tpu.memory_space<vmem_shared>> -> memref<113x64xf32, #tpu.memory_space<vmem_shared>>
      %dma_wait3A_87 = arith.constant 0 : i32
      %dma_wait3A_88 = arith.constant 0 : i32
      %dma_wait3A_89 = tpu.memref_slice %arg20[%dma_wait3A_87, %dma_wait3A_88] : memref<128x64xf32, #tpu.memory_space<vmem>> -> memref<113x64xf32, #tpu.memory_space<vmem>>
      tpu.wait_dma2 semaphore(%run_scoped3A : memref<!tpu.dma_semaphore, #tpu.memory_space<semaphore_mem>>) src(%dma_wait3A_89 : memref<113x64xf32, #tpu.memory_space<vmem>>) dst(%dma_wait3A_86 : memref<113x64xf32, #tpu.memory_space<vmem_shared>>)
      tpu.yield
    }) : () -> ()
    %barrier3A = arith.constant 0 : index
    tpu.barrier barrier_id(%barrier3A)
    %mul3A_27 = arith.constant 10000 : i32
    %mul3A_28 = arith.muli %add3A, %mul3A_27 : i32
    %add3A_29 = arith.constant 0 : i32
    %add3A_30 = arith.addi %mul3A_28, %add3A_29 : i32
    "tpu.region"() ({
      %run_scoped3A = tpu.sem_alloc : memref<!tpu.dma_semaphore, #tpu.memory_space<semaphore_mem>>
      %dma_start3A_70 = tpu.memref_slice %arg4[%add3A_30] : memref<320000xi32, #tpu.memory_space<hbm>> -> memref<128xi32, #tpu.memory_space<hbm>>
      %dma_start3A_71 = tpu.memref_slice %arg4[%add3A_30] : memref<320000xi32, #tpu.memory_space<hbm>> -> memref<128xi32, #tpu.memory_space<hbm>>
      tpu.enqueue_dma source(%dma_start3A_71 : memref<128xi32, #tpu.memory_space<hbm>>) target(%arg8 : memref<128xi32, #tpu.memory_space<vmem>>) target_semaphore(%run_scoped3A : memref<!tpu.dma_semaphore, #tpu.memory_space<semaphore_mem>>)
      %dma_wait3A_72 = tpu.memref_slice %arg4[%add3A_30] : memref<320000xi32, #tpu.memory_space<hbm>> -> memref<128xi32, #tpu.memory_space<hbm>>
      %dma_wait3A_73 = tpu.memref_slice %arg4[%add3A_30] : memref<320000xi32, #tpu.memory_space<hbm>> -> memref<128xi32, #tpu.memory_space<hbm>>
      tpu.wait_dma2 semaphore(%run_scoped3A : memref<!tpu.dma_semaphore, #tpu.memory_space<semaphore_mem>>) src(%dma_wait3A_73 : memref<128xi32, #tpu.memory_space<hbm>>) dst(%arg8 : memref<128xi32, #tpu.memory_space<vmem>>)
      tpu.yield
    }) : () -> ()
    "tpu.region"() ({
      %run_scoped3A = tpu.sem_alloc : memref<!tpu.dma_semaphore, #tpu.memory_space<semaphore_mem>>
      %dma_start3A_70 = tpu.memref_slice %arg5[%add3A_30] : memref<320000xi32, #tpu.memory_space<hbm>> -> memref<128xi32, #tpu.memory_space<hbm>>
      %dma_start3A_71 = tpu.memref_slice %arg5[%add3A_30] : memref<320000xi32, #tpu.memory_space<hbm>> -> memref<128xi32, #tpu.memory_space<hbm>>
      tpu.enqueue_dma source(%dma_start3A_71 : memref<128xi32, #tpu.memory_space<hbm>>) target(%arg10 : memref<128xi32, #tpu.memory_space<vmem>>) target_semaphore(%run_scoped3A : memref<!tpu.dma_semaphore, #tpu.memory_space<semaphore_mem>>)
      %dma_wait3A_72 = tpu.memref_slice %arg5[%add3A_30] : memref<320000xi32, #tpu.memory_space<hbm>> -> memref<128xi32, #tpu.memory_space<hbm>>
      %dma_wait3A_73 = tpu.memref_slice %arg5[%add3A_30] : memref<320000xi32, #tpu.memory_space<hbm>> -> memref<128xi32, #tpu.memory_space<hbm>>
      tpu.wait_dma2 semaphore(%run_scoped3A : memref<!tpu.dma_semaphore, #tpu.memory_space<semaphore_mem>>) src(%dma_wait3A_73 : memref<128xi32, #tpu.memory_space<hbm>>) dst(%arg10 : memref<128xi32, #tpu.memory_space<vmem>>)
      tpu.yield
    }) : () -> ()
    %dma_start3A = arith.constant 0 : i32
    %dma_start3A_31 = arith.constant 0 : i32
    %dma_start3A_32 = tpu.memref_slice %arg2[%dma_start3A, %dma_start3A_31] : memref<10000x64xf32, #tpu.memory_space<hbm>> -> memref<10000x64xf32, #tpu.memory_space<hbm>>
    tpu.enqueue_indirect_dma source(%dma_start3A_32 : memref<10000x64xf32, #tpu.memory_space<hbm>>) target(%arg12 : memref<128x64xf32, #tpu.memory_space<vmem>>) offsets(%arg8 : memref<128xi32, #tpu.memory_space<vmem>>) semaphore(%arg23 : memref<!tpu.dma_semaphore, #tpu.memory_space<semaphore_mem>>)
    %dma_start3A_33 = arith.constant 0 : i32
    %dma_start3A_34 = arith.constant 0 : i32
    %dma_start3A_35 = tpu.memref_slice %arg3[%dma_start3A_33, %dma_start3A_34] : memref<10000x64xf32, #tpu.memory_space<hbm>> -> memref<10000x64xf32, #tpu.memory_space<hbm>>
    tpu.enqueue_indirect_dma source(%dma_start3A_35 : memref<10000x64xf32, #tpu.memory_space<hbm>>) target(%arg14 : memref<128x64xf32, #tpu.memory_space<vmem>>) offsets(%arg8 : memref<128xi32, #tpu.memory_space<vmem>>) semaphore(%arg25 : memref<!tpu.dma_semaphore, #tpu.memory_space<semaphore_mem>>)
    %add3A_36 = arith.constant 128 : i32
    %add3A_37 = arith.addi %mul3A_28, %add3A_36 : i32
    "tpu.region"() ({
      %run_scoped3A = tpu.sem_alloc : memref<!tpu.dma_semaphore, #tpu.memory_space<semaphore_mem>>
      %dma_start3A_70 = tpu.memref_slice %arg4[%add3A_37] : memref<320000xi32, #tpu.memory_space<hbm>> -> memref<128xi32, #tpu.memory_space<hbm>>
      %dma_start3A_71 = tpu.memref_slice %arg4[%add3A_37] : memref<320000xi32, #tpu.memory_space<hbm>> -> memref<128xi32, #tpu.memory_space<hbm>>
      tpu.enqueue_dma source(%dma_start3A_71 : memref<128xi32, #tpu.memory_space<hbm>>) target(%arg9 : memref<128xi32, #tpu.memory_space<vmem>>) target_semaphore(%run_scoped3A : memref<!tpu.dma_semaphore, #tpu.memory_space<semaphore_mem>>)
      %dma_wait3A_72 = tpu.memref_slice %arg4[%add3A_37] : memref<320000xi32, #tpu.memory_space<hbm>> -> memref<128xi32, #tpu.memory_space<hbm>>
      %dma_wait3A_73 = tpu.memref_slice %arg4[%add3A_37] : memref<320000xi32, #tpu.memory_space<hbm>> -> memref<128xi32, #tpu.memory_space<hbm>>
      tpu.wait_dma2 semaphore(%run_scoped3A : memref<!tpu.dma_semaphore, #tpu.memory_space<semaphore_mem>>) src(%dma_wait3A_73 : memref<128xi32, #tpu.memory_space<hbm>>) dst(%arg9 : memref<128xi32, #tpu.memory_space<vmem>>)
      tpu.yield
    }) : () -> ()
    "tpu.region"() ({
      %run_scoped3A = tpu.sem_alloc : memref<!tpu.dma_semaphore, #tpu.memory_space<semaphore_mem>>
      %dma_start3A_70 = tpu.memref_slice %arg5[%add3A_37] : memref<320000xi32, #tpu.memory_space<hbm>> -> memref<128xi32, #tpu.memory_space<hbm>>
      %dma_start3A_71 = tpu.memref_slice %arg5[%add3A_37] : memref<320000xi32, #tpu.memory_space<hbm>> -> memref<128xi32, #tpu.memory_space<hbm>>
      tpu.enqueue_dma source(%dma_start3A_71 : memref<128xi32, #tpu.memory_space<hbm>>) target(%arg11 : memref<128xi32, #tpu.memory_space<vmem>>) target_semaphore(%run_scoped3A : memref<!tpu.dma_semaphore, #tpu.memory_space<semaphore_mem>>)
      %dma_wait3A_72 = tpu.memref_slice %arg5[%add3A_37] : memref<320000xi32, #tpu.memory_space<hbm>> -> memref<128xi32, #tpu.memory_space<hbm>>
      %dma_wait3A_73 = tpu.memref_slice %arg5[%add3A_37] : memref<320000xi32, #tpu.memory_space<hbm>> -> memref<128xi32, #tpu.memory_space<hbm>>
      tpu.wait_dma2 semaphore(%run_scoped3A : memref<!tpu.dma_semaphore, #tpu.memory_space<semaphore_mem>>) src(%dma_wait3A_73 : memref<128xi32, #tpu.memory_space<hbm>>) dst(%arg11 : memref<128xi32, #tpu.memory_space<vmem>>)
      tpu.yield
    }) : () -> ()
    %dma_start3A_38 = arith.constant 0 : i32
    %dma_start3A_39 = arith.constant 0 : i32
    %dma_start3A_40 = tpu.memref_slice %arg2[%dma_start3A_38, %dma_start3A_39] : memref<10000x64xf32, #tpu.memory_space<hbm>> -> memref<10000x64xf32, #tpu.memory_space<hbm>>
    tpu.enqueue_indirect_dma source(%dma_start3A_40 : memref<10000x64xf32, #tpu.memory_space<hbm>>) target(%arg13 : memref<128x64xf32, #tpu.memory_space<vmem>>) offsets(%arg9 : memref<128xi32, #tpu.memory_space<vmem>>) semaphore(%arg24 : memref<!tpu.dma_semaphore, #tpu.memory_space<semaphore_mem>>)
    %dma_start3A_41 = arith.constant 0 : i32
    %dma_start3A_42 = arith.constant 0 : i32
    %dma_start3A_43 = tpu.memref_slice %arg3[%dma_start3A_41, %dma_start3A_42] : memref<10000x64xf32, #tpu.memory_space<hbm>> -> memref<10000x64xf32, #tpu.memory_space<hbm>>
    tpu.enqueue_indirect_dma source(%dma_start3A_43 : memref<10000x64xf32, #tpu.memory_space<hbm>>) target(%arg15 : memref<128x64xf32, #tpu.memory_space<vmem>>) offsets(%arg9 : memref<128xi32, #tpu.memory_space<vmem>>) semaphore(%arg26 : memref<!tpu.dma_semaphore, #tpu.memory_space<semaphore_mem>>)
    %scan3A_44 = arith.constant 0 : i32
    %scan3A_45 = arith.constant 0 : i32
    %scan3A_46 = arith.constant 39 : i32
    %scan3A_47 = arith.addi %scan3A_45, %scan3A_46 : i32
    %scan3A_48 = arith.constant 1 : i32
    scf.for %scan3A_70 = %scan3A_45 to %scan3A_47 step %scan3A_48  : i32 {
      %mul3A_71 = arith.constant 2 : i32
      %mul3A_72 = arith.muli %mul3A_71, %scan3A_70 : i32
      %add3A_73 = arith.constant 0 : i32
      %add3A_74 = arith.addi %mul3A_72, %add3A_73 : i32
      %dma_wait3A_75 = arith.constant 0 : i32
      %dma_wait3A_76 = arith.constant 0 : i32
      %dma_wait3A_77 = tpu.memref_slice %arg2[%dma_wait3A_75, %dma_wait3A_76] : memref<10000x64xf32, #tpu.memory_space<hbm>> -> memref<10000x64xf32, #tpu.memory_space<hbm>>
      tpu.wait_indirect_dma semaphore(%arg23 : memref<!tpu.dma_semaphore, #tpu.memory_space<semaphore_mem>>) src(%dma_wait3A_77 : memref<10000x64xf32, #tpu.memory_space<hbm>>) dst(%arg12 : memref<128x64xf32, #tpu.memory_space<vmem>>)
      %dma_wait3A_78 = arith.constant 0 : i32
      %dma_wait3A_79 = arith.constant 0 : i32
      %dma_wait3A_80 = tpu.memref_slice %arg3[%dma_wait3A_78, %dma_wait3A_79] : memref<10000x64xf32, #tpu.memory_space<hbm>> -> memref<10000x64xf32, #tpu.memory_space<hbm>>
      tpu.wait_indirect_dma semaphore(%arg25 : memref<!tpu.dma_semaphore, #tpu.memory_space<semaphore_mem>>) src(%dma_wait3A_80 : memref<10000x64xf32, #tpu.memory_space<hbm>>) dst(%arg14 : memref<128x64xf32, #tpu.memory_space<vmem>>)
      "tpu.region"() ({
        %run_scoped3A = tpu.sem_alloc : memref<!tpu.dma_semaphore, #tpu.memory_space<semaphore_mem>>
        %dma_start3A_102 = arith.constant 0 : i32
        %dma_start3A_103 = arith.constant 0 : i32
        %dma_start3A_104 = tpu.memref_slice %arg21[%dma_start3A_102, %dma_start3A_103] : memref<10000x64xf32, #tpu.memory_space<vmem_shared>> -> memref<10000x64xf32, #tpu.memory_space<vmem_shared>>
        tpu.enqueue_indirect_dma source(%arg12 : memref<128x64xf32, #tpu.memory_space<vmem>>) target(%dma_start3A_104 : memref<10000x64xf32, #tpu.memory_space<vmem_shared>>) offsets(%arg10 : memref<128xi32, #tpu.memory_space<vmem>>) semaphore(%run_scoped3A : memref<!tpu.dma_semaphore, #tpu.memory_space<semaphore_mem>>) {add = true}
        %dma_wait3A_105 = arith.constant 0 : i32
        %dma_wait3A_106 = arith.constant 0 : i32
        %dma_wait3A_107 = tpu.memref_slice %arg21[%dma_wait3A_105, %dma_wait3A_106] : memref<10000x64xf32, #tpu.memory_space<vmem_shared>> -> memref<10000x64xf32, #tpu.memory_space<vmem_shared>>
        tpu.wait_indirect_dma semaphore(%run_scoped3A : memref<!tpu.dma_semaphore, #tpu.memory_space<semaphore_mem>>) src(%arg12 : memref<128x64xf32, #tpu.memory_space<vmem>>) dst(%dma_wait3A_107 : memref<10000x64xf32, #tpu.memory_space<vmem_shared>>)
        tpu.yield
      }) : () -> ()
      "tpu.region"() ({
        %run_scoped3A = tpu.sem_alloc : memref<!tpu.dma_semaphore, #tpu.memory_space<semaphore_mem>>
        %dma_start3A_102 = arith.constant 0 : i32
        %dma_start3A_103 = arith.constant 0 : i32
        %dma_start3A_104 = tpu.memref_slice %arg22[%dma_start3A_102, %dma_start3A_103] : memref<10000x64xf32, #tpu.memory_space<vmem_shared>> -> memref<10000x64xf32, #tpu.memory_space<vmem_shared>>
        tpu.enqueue_indirect_dma source(%arg14 : memref<128x64xf32, #tpu.memory_space<vmem>>) target(%dma_start3A_104 : memref<10000x64xf32, #tpu.memory_space<vmem_shared>>) offsets(%arg10 : memref<128xi32, #tpu.memory_space<vmem>>) semaphore(%run_scoped3A : memref<!tpu.dma_semaphore, #tpu.memory_space<semaphore_mem>>) {add = true}
        %dma_wait3A_105 = arith.constant 0 : i32
        %dma_wait3A_106 = arith.constant 0 : i32
        %dma_wait3A_107 = tpu.memref_slice %arg22[%dma_wait3A_105, %dma_wait3A_106] : memref<10000x64xf32, #tpu.memory_space<vmem_shared>> -> memref<10000x64xf32, #tpu.memory_space<vmem_shared>>
        tpu.wait_indirect_dma semaphore(%run_scoped3A : memref<!tpu.dma_semaphore, #tpu.memory_space<semaphore_mem>>) src(%arg14 : memref<128x64xf32, #tpu.memory_space<vmem>>) dst(%dma_wait3A_107 : memref<10000x64xf32, #tpu.memory_space<vmem_shared>>)
        tpu.yield
      }) : () -> ()
      %add3A_81 = arith.constant 2 : i32
      %add3A_82 = arith.addi %add3A_74, %add3A_81 : i32
      %lt3A = arith.constant 78 : i32
      %lt3A_83 = arith.cmpi slt, %add3A_82, %lt3A : i32
      %convert_element_type3A = arith.extui %lt3A_83 : i1 to i32
      %cond3A = arith.constant 0 : i32
      %cond3A_84 = arith.cmpi ne, %convert_element_type3A, %cond3A : i32
      scf.if %cond3A_84 {
        %add3A_102 = arith.constant 2 : i32
        %add3A_103 = arith.addi %add3A_74, %add3A_102 : i32
        %mul3A_104 = arith.constant 128 : i32
        %mul3A_105 = arith.muli %add3A_103, %mul3A_104 : i32
        %add3A_106 = arith.addi %mul3A_28, %mul3A_105 : i32
        "tpu.region"() ({
          %run_scoped3A = tpu.sem_alloc : memref<!tpu.dma_semaphore, #tpu.memory_space<semaphore_mem>>
          %dma_start3A_113 = tpu.memref_slice %arg4[%add3A_106] : memref<320000xi32, #tpu.memory_space<hbm>> -> memref<128xi32, #tpu.memory_space<hbm>>
          %dma_start3A_114 = tpu.memref_slice %arg4[%add3A_106] : memref<320000xi32, #tpu.memory_space<hbm>> -> memref<128xi32, #tpu.memory_space<hbm>>
          tpu.enqueue_dma source(%dma_start3A_114 : memref<128xi32, #tpu.memory_space<hbm>>) target(%arg8 : memref<128xi32, #tpu.memory_space<vmem>>) target_semaphore(%run_scoped3A : memref<!tpu.dma_semaphore, #tpu.memory_space<semaphore_mem>>)
          %dma_wait3A_115 = tpu.memref_slice %arg4[%add3A_106] : memref<320000xi32, #tpu.memory_space<hbm>> -> memref<128xi32, #tpu.memory_space<hbm>>
          %dma_wait3A_116 = tpu.memref_slice %arg4[%add3A_106] : memref<320000xi32, #tpu.memory_space<hbm>> -> memref<128xi32, #tpu.memory_space<hbm>>
          tpu.wait_dma2 semaphore(%run_scoped3A : memref<!tpu.dma_semaphore, #tpu.memory_space<semaphore_mem>>) src(%dma_wait3A_116 : memref<128xi32, #tpu.memory_space<hbm>>) dst(%arg8 : memref<128xi32, #tpu.memory_space<vmem>>)
          tpu.yield
        }) : () -> ()
        "tpu.region"() ({
          %run_scoped3A = tpu.sem_alloc : memref<!tpu.dma_semaphore, #tpu.memory_space<semaphore_mem>>
          %dma_start3A_113 = tpu.memref_slice %arg5[%add3A_106] : memref<320000xi32, #tpu.memory_space<hbm>> -> memref<128xi32, #tpu.memory_space<hbm>>
          %dma_start3A_114 = tpu.memref_slice %arg5[%add3A_106] : memref<320000xi32, #tpu.memory_space<hbm>> -> memref<128xi32, #tpu.memory_space<hbm>>
          tpu.enqueue_dma source(%dma_start3A_114 : memref<128xi32, #tpu.memory_space<hbm>>) target(%arg10 : memref<128xi32, #tpu.memory_space<vmem>>) target_semaphore(%run_scoped3A : memref<!tpu.dma_semaphore, #tpu.memory_space<semaphore_mem>>)
          %dma_wait3A_115 = tpu.memref_slice %arg5[%add3A_106] : memref<320000xi32, #tpu.memory_space<hbm>> -> memref<128xi32, #tpu.memory_space<hbm>>
          %dma_wait3A_116 = tpu.memref_slice %arg5[%add3A_106] : memref<320000xi32, #tpu.memory_space<hbm>> -> memref<128xi32, #tpu.memory_space<hbm>>
          tpu.wait_dma2 semaphore(%run_scoped3A : memref<!tpu.dma_semaphore, #tpu.memory_space<semaphore_mem>>) src(%dma_wait3A_116 : memref<128xi32, #tpu.memory_space<hbm>>) dst(%arg10 : memref<128xi32, #tpu.memory_space<vmem>>)
          tpu.yield
        }) : () -> ()
        %dma_start3A_107 = arith.constant 0 : i32
        %dma_start3A_108 = arith.constant 0 : i32
        %dma_start3A_109 = tpu.memref_slice %arg2[%dma_start3A_107, %dma_start3A_108] : memref<10000x64xf32, #tpu.memory_space<hbm>> -> memref<10000x64xf32, #tpu.memory_space<hbm>>
        tpu.enqueue_indirect_dma source(%dma_start3A_109 : memref<10000x64xf32, #tpu.memory_space<hbm>>) target(%arg12 : memref<128x64xf32, #tpu.memory_space<vmem>>) offsets(%arg8 : memref<128xi32, #tpu.memory_space<vmem>>) semaphore(%arg23 : memref<!tpu.dma_semaphore, #tpu.memory_space<semaphore_mem>>)
        %dma_start3A_110 = arith.constant 0 : i32
        %dma_start3A_111 = arith.constant 0 : i32
        %dma_start3A_112 = tpu.memref_slice %arg3[%dma_start3A_110, %dma_start3A_111] : memref<10000x64xf32, #tpu.memory_space<hbm>> -> memref<10000x64xf32, #tpu.memory_space<hbm>>
        tpu.enqueue_indirect_dma source(%dma_start3A_112 : memref<10000x64xf32, #tpu.memory_space<hbm>>) target(%arg14 : memref<128x64xf32, #tpu.memory_space<vmem>>) offsets(%arg8 : memref<128xi32, #tpu.memory_space<vmem>>) semaphore(%arg25 : memref<!tpu.dma_semaphore, #tpu.memory_space<semaphore_mem>>)
      } else {
      }
      %mul3A_85 = arith.constant 2 : i32
      %mul3A_86 = arith.muli %mul3A_85, %scan3A_70 : i32
      %add3A_87 = arith.constant 1 : i32
      %add3A_88 = arith.addi %mul3A_86, %add3A_87 : i32
      %dma_wait3A_89 = arith.constant 0 : i32
      %dma_wait3A_90 = arith.constant 0 : i32
      %dma_wait3A_91 = tpu.memref_slice %arg2[%dma_wait3A_89, %dma_wait3A_90] : memref<10000x64xf32, #tpu.memory_space<hbm>> -> memref<10000x64xf32, #tpu.memory_space<hbm>>
      tpu.wait_indirect_dma semaphore(%arg24 : memref<!tpu.dma_semaphore, #tpu.memory_space<semaphore_mem>>) src(%dma_wait3A_91 : memref<10000x64xf32, #tpu.memory_space<hbm>>) dst(%arg13 : memref<128x64xf32, #tpu.memory_space<vmem>>)
      %dma_wait3A_92 = arith.constant 0 : i32
      %dma_wait3A_93 = arith.constant 0 : i32
      %dma_wait3A_94 = tpu.memref_slice %arg3[%dma_wait3A_92, %dma_wait3A_93] : memref<10000x64xf32, #tpu.memory_space<hbm>> -> memref<10000x64xf32, #tpu.memory_space<hbm>>
      tpu.wait_indirect_dma semaphore(%arg26 : memref<!tpu.dma_semaphore, #tpu.memory_space<semaphore_mem>>) src(%dma_wait3A_94 : memref<10000x64xf32, #tpu.memory_space<hbm>>) dst(%arg15 : memref<128x64xf32, #tpu.memory_space<vmem>>)
      "tpu.region"() ({
        %run_scoped3A = tpu.sem_alloc : memref<!tpu.dma_semaphore, #tpu.memory_space<semaphore_mem>>
        %dma_start3A_102 = arith.constant 0 : i32
        %dma_start3A_103 = arith.constant 0 : i32
        %dma_start3A_104 = tpu.memref_slice %arg21[%dma_start3A_102, %dma_start3A_103] : memref<10000x64xf32, #tpu.memory_space<vmem_shared>> -> memref<10000x64xf32, #tpu.memory_space<vmem_shared>>
        tpu.enqueue_indirect_dma source(%arg13 : memref<128x64xf32, #tpu.memory_space<vmem>>) target(%dma_start3A_104 : memref<10000x64xf32, #tpu.memory_space<vmem_shared>>) offsets(%arg11 : memref<128xi32, #tpu.memory_space<vmem>>) semaphore(%run_scoped3A : memref<!tpu.dma_semaphore, #tpu.memory_space<semaphore_mem>>) {add = true}
        %dma_wait3A_105 = arith.constant 0 : i32
        %dma_wait3A_106 = arith.constant 0 : i32
        %dma_wait3A_107 = tpu.memref_slice %arg21[%dma_wait3A_105, %dma_wait3A_106] : memref<10000x64xf32, #tpu.memory_space<vmem_shared>> -> memref<10000x64xf32, #tpu.memory_space<vmem_shared>>
        tpu.wait_indirect_dma semaphore(%run_scoped3A : memref<!tpu.dma_semaphore, #tpu.memory_space<semaphore_mem>>) src(%arg13 : memref<128x64xf32, #tpu.memory_space<vmem>>) dst(%dma_wait3A_107 : memref<10000x64xf32, #tpu.memory_space<vmem_shared>>)
        tpu.yield
      }) : () -> ()
      "tpu.region"() ({
        %run_scoped3A = tpu.sem_alloc : memref<!tpu.dma_semaphore, #tpu.memory_space<semaphore_mem>>
        %dma_start3A_102 = arith.constant 0 : i32
        %dma_start3A_103 = arith.constant 0 : i32
        %dma_start3A_104 = tpu.memref_slice %arg22[%dma_start3A_102, %dma_start3A_103] : memref<10000x64xf32, #tpu.memory_space<vmem_shared>> -> memref<10000x64xf32, #tpu.memory_space<vmem_shared>>
        tpu.enqueue_indirect_dma source(%arg15 : memref<128x64xf32, #tpu.memory_space<vmem>>) target(%dma_start3A_104 : memref<10000x64xf32, #tpu.memory_space<vmem_shared>>) offsets(%arg11 : memref<128xi32, #tpu.memory_space<vmem>>) semaphore(%run_scoped3A : memref<!tpu.dma_semaphore, #tpu.memory_space<semaphore_mem>>) {add = true}
        %dma_wait3A_105 = arith.constant 0 : i32
        %dma_wait3A_106 = arith.constant 0 : i32
        %dma_wait3A_107 = tpu.memref_slice %arg22[%dma_wait3A_105, %dma_wait3A_106] : memref<10000x64xf32, #tpu.memory_space<vmem_shared>> -> memref<10000x64xf32, #tpu.memory_space<vmem_shared>>
        tpu.wait_indirect_dma semaphore(%run_scoped3A : memref<!tpu.dma_semaphore, #tpu.memory_space<semaphore_mem>>) src(%arg15 : memref<128x64xf32, #tpu.memory_space<vmem>>) dst(%dma_wait3A_107 : memref<10000x64xf32, #tpu.memory_space<vmem_shared>>)
        tpu.yield
      }) : () -> ()
      %add3A_95 = arith.constant 2 : i32
      %add3A_96 = arith.addi %add3A_88, %add3A_95 : i32
      %lt3A_97 = arith.constant 78 : i32
      %lt3A_98 = arith.cmpi slt, %add3A_96, %lt3A_97 : i32
      %convert_element_type3A_99 = arith.extui %lt3A_98 : i1 to i32
      %cond3A_100 = arith.constant 0 : i32
      %cond3A_101 = arith.cmpi ne, %convert_element_type3A_99, %cond3A_100 : i32
      scf.if %cond3A_101 {
        %add3A_102 = arith.constant 2 : i32
        %add3A_103 = arith.addi %add3A_88, %add3A_102 : i32
        %mul3A_104 = arith.constant 128 : i32
        %mul3A_105 = arith.muli %add3A_103, %mul3A_104 : i32
        %add3A_106 = arith.addi %mul3A_28, %mul3A_105 : i32
        "tpu.region"() ({
          %run_scoped3A = tpu.sem_alloc : memref<!tpu.dma_semaphore, #tpu.memory_space<semaphore_mem>>
          %dma_start3A_113 = tpu.memref_slice %arg4[%add3A_106] : memref<320000xi32, #tpu.memory_space<hbm>> -> memref<128xi32, #tpu.memory_space<hbm>>
          %dma_start3A_114 = tpu.memref_slice %arg4[%add3A_106] : memref<320000xi32, #tpu.memory_space<hbm>> -> memref<128xi32, #tpu.memory_space<hbm>>
          tpu.enqueue_dma source(%dma_start3A_114 : memref<128xi32, #tpu.memory_space<hbm>>) target(%arg9 : memref<128xi32, #tpu.memory_space<vmem>>) target_semaphore(%run_scoped3A : memref<!tpu.dma_semaphore, #tpu.memory_space<semaphore_mem>>)
          %dma_wait3A_115 = tpu.memref_slice %arg4[%add3A_106] : memref<320000xi32, #tpu.memory_space<hbm>> -> memref<128xi32, #tpu.memory_space<hbm>>
          %dma_wait3A_116 = tpu.memref_slice %arg4[%add3A_106] : memref<320000xi32, #tpu.memory_space<hbm>> -> memref<128xi32, #tpu.memory_space<hbm>>
          tpu.wait_dma2 semaphore(%run_scoped3A : memref<!tpu.dma_semaphore, #tpu.memory_space<semaphore_mem>>) src(%dma_wait3A_116 : memref<128xi32, #tpu.memory_space<hbm>>) dst(%arg9 : memref<128xi32, #tpu.memory_space<vmem>>)
          tpu.yield
        }) : () -> ()
        "tpu.region"() ({
          %run_scoped3A = tpu.sem_alloc : memref<!tpu.dma_semaphore, #tpu.memory_space<semaphore_mem>>
          %dma_start3A_113 = tpu.memref_slice %arg5[%add3A_106] : memref<320000xi32, #tpu.memory_space<hbm>> -> memref<128xi32, #tpu.memory_space<hbm>>
          %dma_start3A_114 = tpu.memref_slice %arg5[%add3A_106] : memref<320000xi32, #tpu.memory_space<hbm>> -> memref<128xi32, #tpu.memory_space<hbm>>
          tpu.enqueue_dma source(%dma_start3A_114 : memref<128xi32, #tpu.memory_space<hbm>>) target(%arg11 : memref<128xi32, #tpu.memory_space<vmem>>) target_semaphore(%run_scoped3A : memref<!tpu.dma_semaphore, #tpu.memory_space<semaphore_mem>>)
          %dma_wait3A_115 = tpu.memref_slice %arg5[%add3A_106] : memref<320000xi32, #tpu.memory_space<hbm>> -> memref<128xi32, #tpu.memory_space<hbm>>
          %dma_wait3A_116 = tpu.memref_slice %arg5[%add3A_106] : memref<320000xi32, #tpu.memory_space<hbm>> -> memref<128xi32, #tpu.memory_space<hbm>>
          tpu.wait_dma2 semaphore(%run_scoped3A : memref<!tpu.dma_semaphore, #tpu.memory_space<semaphore_mem>>) src(%dma_wait3A_116 : memref<128xi32, #tpu.memory_space<hbm>>) dst(%arg11 : memref<128xi32, #tpu.memory_space<vmem>>)
          tpu.yield
        }) : () -> ()
        %dma_start3A_107 = arith.constant 0 : i32
        %dma_start3A_108 = arith.constant 0 : i32
        %dma_start3A_109 = tpu.memref_slice %arg2[%dma_start3A_107, %dma_start3A_108] : memref<10000x64xf32, #tpu.memory_space<hbm>> -> memref<10000x64xf32, #tpu.memory_space<hbm>>
        tpu.enqueue_indirect_dma source(%dma_start3A_109 : memref<10000x64xf32, #tpu.memory_space<hbm>>) target(%arg13 : memref<128x64xf32, #tpu.memory_space<vmem>>) offsets(%arg9 : memref<128xi32, #tpu.memory_space<vmem>>) semaphore(%arg24 : memref<!tpu.dma_semaphore, #tpu.memory_space<semaphore_mem>>)
        %dma_start3A_110 = arith.constant 0 : i32
        %dma_start3A_111 = arith.constant 0 : i32
        %dma_start3A_112 = tpu.memref_slice %arg3[%dma_start3A_110, %dma_start3A_111] : memref<10000x64xf32, #tpu.memory_space<hbm>> -> memref<10000x64xf32, #tpu.memory_space<hbm>>
        tpu.enqueue_indirect_dma source(%dma_start3A_112 : memref<10000x64xf32, #tpu.memory_space<hbm>>) target(%arg15 : memref<128x64xf32, #tpu.memory_space<vmem>>) offsets(%arg9 : memref<128xi32, #tpu.memory_space<vmem>>) semaphore(%arg26 : memref<!tpu.dma_semaphore, #tpu.memory_space<semaphore_mem>>)
      } else {
      }
    }
    %scan3A_49 = arith.constant 39 : i32
    %add3A_50 = arith.constant 9984 : i32
    %add3A_51 = arith.addi %mul3A_28, %add3A_50 : i32
    "tpu.region"() ({
      %run_scoped3A = tpu.sem_alloc : memref<!tpu.dma_semaphore, #tpu.memory_space<semaphore_mem>>
      %dma_start3A_70 = tpu.memref_slice %arg4[%add3A_51] : memref<320000xi32, #tpu.memory_space<hbm>> -> memref<16xi32, #tpu.memory_space<hbm>>
      %dma_start3A_71 = tpu.memref_slice %arg4[%add3A_51] : memref<320000xi32, #tpu.memory_space<hbm>> -> memref<16xi32, #tpu.memory_space<hbm>>
      tpu.enqueue_dma source(%dma_start3A_71 : memref<16xi32, #tpu.memory_space<hbm>>) target(%arg16 : memref<16xi32, #tpu.memory_space<vmem>>) target_semaphore(%run_scoped3A : memref<!tpu.dma_semaphore, #tpu.memory_space<semaphore_mem>>)
      %dma_wait3A_72 = tpu.memref_slice %arg4[%add3A_51] : memref<320000xi32, #tpu.memory_space<hbm>> -> memref<16xi32, #tpu.memory_space<hbm>>
      %dma_wait3A_73 = tpu.memref_slice %arg4[%add3A_51] : memref<320000xi32, #tpu.memory_space<hbm>> -> memref<16xi32, #tpu.memory_space<hbm>>
      tpu.wait_dma2 semaphore(%run_scoped3A : memref<!tpu.dma_semaphore, #tpu.memory_space<semaphore_mem>>) src(%dma_wait3A_73 : memref<16xi32, #tpu.memory_space<hbm>>) dst(%arg16 : memref<16xi32, #tpu.memory_space<vmem>>)
      tpu.yield
    }) : () -> ()
    "tpu.region"() ({
      %run_scoped3A = tpu.sem_alloc : memref<!tpu.dma_semaphore, #tpu.memory_space<semaphore_mem>>
      %dma_start3A_70 = tpu.memref_slice %arg5[%add3A_51] : memref<320000xi32, #tpu.memory_space<hbm>> -> memref<16xi32, #tpu.memory_space<hbm>>
      %dma_start3A_71 = tpu.memref_slice %arg5[%add3A_51] : memref<320000xi32, #tpu.memory_space<hbm>> -> memref<16xi32, #tpu.memory_space<hbm>>
      tpu.enqueue_dma source(%dma_start3A_71 : memref<16xi32, #tpu.memory_space<hbm>>) target(%arg17 : memref<16xi32, #tpu.memory_space<vmem>>) target_semaphore(%run_scoped3A : memref<!tpu.dma_semaphore, #tpu.memory_space<semaphore_mem>>)
      %dma_wait3A_72 = tpu.memref_slice %arg5[%add3A_51] : memref<320000xi32, #tpu.memory_space<hbm>> -> memref<16xi32, #tpu.memory_space<hbm>>
      %dma_wait3A_73 = tpu.memref_slice %arg5[%add3A_51] : memref<320000xi32, #tpu.memory_space<hbm>> -> memref<16xi32, #tpu.memory_space<hbm>>
      tpu.wait_dma2 semaphore(%run_scoped3A : memref<!tpu.dma_semaphore, #tpu.memory_space<semaphore_mem>>) src(%dma_wait3A_73 : memref<16xi32, #tpu.memory_space<hbm>>) dst(%arg17 : memref<16xi32, #tpu.memory_space<vmem>>)
      tpu.yield
    }) : () -> ()
    %dma_start3A_52 = arith.constant 0 : i32
    %dma_start3A_53 = arith.constant 0 : i32
    %dma_start3A_54 = tpu.memref_slice %arg2[%dma_start3A_52, %dma_start3A_53] : memref<10000x64xf32, #tpu.memory_space<hbm>> -> memref<10000x64xf32, #tpu.memory_space<hbm>>
    tpu.enqueue_indirect_dma source(%dma_start3A_54 : memref<10000x64xf32, #tpu.memory_space<hbm>>) target(%arg18 : memref<16x64xf32, #tpu.memory_space<vmem>>) offsets(%arg16 : memref<16xi32, #tpu.memory_space<vmem>>) semaphore(%arg23 : memref<!tpu.dma_semaphore, #tpu.memory_space<semaphore_mem>>)
    %dma_start3A_55 = arith.constant 0 : i32
    %dma_start3A_56 = arith.constant 0 : i32
    %dma_start3A_57 = tpu.memref_slice %arg3[%dma_start3A_55, %dma_start3A_56] : memref<10000x64xf32, #tpu.memory_space<hbm>> -> memref<10000x64xf32, #tpu.memory_space<hbm>>
    tpu.enqueue_indirect_dma source(%dma_start3A_57 : memref<10000x64xf32, #tpu.memory_space<hbm>>) target(%arg19 : memref<16x64xf32, #tpu.memory_space<vmem>>) offsets(%arg16 : memref<16xi32, #tpu.memory_space<vmem>>) semaphore(%arg25 : memref<!tpu.dma_semaphore, #tpu.memory_space<semaphore_mem>>)
    %dma_wait3A = arith.constant 0 : i32
    %dma_wait3A_58 = arith.constant 0 : i32
    %dma_wait3A_59 = tpu.memref_slice %arg2[%dma_wait3A, %dma_wait3A_58] : memref<10000x64xf32, #tpu.memory_space<hbm>> -> memref<10000x64xf32, #tpu.memory_space<hbm>>
    tpu.wait_indirect_dma semaphore(%arg23 : memref<!tpu.dma_semaphore, #tpu.memory_space<semaphore_mem>>) src(%dma_wait3A_59 : memref<10000x64xf32, #tpu.memory_space<hbm>>) dst(%arg18 : memref<16x64xf32, #tpu.memory_space<vmem>>)
    %dma_wait3A_60 = arith.constant 0 : i32
    %dma_wait3A_61 = arith.constant 0 : i32
    %dma_wait3A_62 = tpu.memref_slice %arg3[%dma_wait3A_60, %dma_wait3A_61] : memref<10000x64xf32, #tpu.memory_space<hbm>> -> memref<10000x64xf32, #tpu.memory_space<hbm>>
    tpu.wait_indirect_dma semaphore(%arg25 : memref<!tpu.dma_semaphore, #tpu.memory_space<semaphore_mem>>) src(%dma_wait3A_62 : memref<10000x64xf32, #tpu.memory_space<hbm>>) dst(%arg19 : memref<16x64xf32, #tpu.memory_space<vmem>>)
    "tpu.region"() ({
      %run_scoped3A = tpu.sem_alloc : memref<!tpu.dma_semaphore, #tpu.memory_space<semaphore_mem>>
      %dma_start3A_70 = arith.constant 0 : i32
      %dma_start3A_71 = arith.constant 0 : i32
      %dma_start3A_72 = tpu.memref_slice %arg21[%dma_start3A_70, %dma_start3A_71] : memref<10000x64xf32, #tpu.memory_space<vmem_shared>> -> memref<10000x64xf32, #tpu.memory_space<vmem_shared>>
      tpu.enqueue_indirect_dma source(%arg18 : memref<16x64xf32, #tpu.memory_space<vmem>>) target(%dma_start3A_72 : memref<10000x64xf32, #tpu.memory_space<vmem_shared>>) offsets(%arg17 : memref<16xi32, #tpu.memory_space<vmem>>) semaphore(%run_scoped3A : memref<!tpu.dma_semaphore, #tpu.memory_space<semaphore_mem>>) {add = true}
      %dma_wait3A_73 = arith.constant 0 : i32
      %dma_wait3A_74 = arith.constant 0 : i32
      %dma_wait3A_75 = tpu.memref_slice %arg21[%dma_wait3A_73, %dma_wait3A_74] : memref<10000x64xf32, #tpu.memory_space<vmem_shared>> -> memref<10000x64xf32, #tpu.memory_space<vmem_shared>>
      tpu.wait_indirect_dma semaphore(%run_scoped3A : memref<!tpu.dma_semaphore, #tpu.memory_space<semaphore_mem>>) src(%arg18 : memref<16x64xf32, #tpu.memory_space<vmem>>) dst(%dma_wait3A_75 : memref<10000x64xf32, #tpu.memory_space<vmem_shared>>)
      tpu.yield
    }) : () -> ()
    "tpu.region"() ({
      %run_scoped3A = tpu.sem_alloc : memref<!tpu.dma_semaphore, #tpu.memory_space<semaphore_mem>>
      %dma_start3A_70 = arith.constant 0 : i32
      %dma_start3A_71 = arith.constant 0 : i32
      %dma_start3A_72 = tpu.memref_slice %arg22[%dma_start3A_70, %dma_start3A_71] : memref<10000x64xf32, #tpu.memory_space<vmem_shared>> -> memref<10000x64xf32, #tpu.memory_space<vmem_shared>>
      tpu.enqueue_indirect_dma source(%arg19 : memref<16x64xf32, #tpu.memory_space<vmem>>) target(%dma_start3A_72 : memref<10000x64xf32, #tpu.memory_space<vmem_shared>>) offsets(%arg17 : memref<16xi32, #tpu.memory_space<vmem>>) semaphore(%run_scoped3A : memref<!tpu.dma_semaphore, #tpu.memory_space<semaphore_mem>>) {add = true}
      %dma_wait3A_73 = arith.constant 0 : i32
      %dma_wait3A_74 = arith.constant 0 : i32
      %dma_wait3A_75 = tpu.memref_slice %arg22[%dma_wait3A_73, %dma_wait3A_74] : memref<10000x64xf32, #tpu.memory_space<vmem_shared>> -> memref<10000x64xf32, #tpu.memory_space<vmem_shared>>
      tpu.wait_indirect_dma semaphore(%run_scoped3A : memref<!tpu.dma_semaphore, #tpu.memory_space<semaphore_mem>>) src(%arg19 : memref<16x64xf32, #tpu.memory_space<vmem>>) dst(%dma_wait3A_75 : memref<10000x64xf32, #tpu.memory_space<vmem_shared>>)
      tpu.yield
    }) : () -> ()
    %barrier3A_63 = arith.constant 0 : index
    tpu.barrier barrier_id(%barrier3A_63)
    %mul3A_64 = arith.constant 10000 : i32
    %mul3A_65 = arith.muli %arg0, %mul3A_64 : i32
    %add3A_66 = arith.addi %mul3A_65, %mul3A_8 : i32
    "tpu.region"() ({
      %run_scoped3A = tpu.sem_alloc : memref<!tpu.dma_semaphore, #tpu.memory_space<semaphore_mem>>
      %dma_start3A_70 = arith.constant 0 : i32
      %dma_start3A_71 = tpu.memref_slice %arg6[%add3A_66, %dma_start3A_70] : memref<20000x64xf32, #tpu.memory_space<hbm>> -> memref<625x64xf32, #tpu.memory_space<hbm>>
      %dma_start3A_72 = arith.constant 0 : i32
      %dma_start3A_73 = tpu.memref_slice %arg21[%mul3A_8, %dma_start3A_72] : memref<10000x64xf32, #tpu.memory_space<vmem_shared>> -> memref<625x64xf32, #tpu.memory_space<vmem_shared>>
      tpu.enqueue_dma source(%dma_start3A_73 : memref<625x64xf32, #tpu.memory_space<vmem_shared>>) target(%dma_start3A_71 : memref<625x64xf32, #tpu.memory_space<hbm>>) target_semaphore(%run_scoped3A : memref<!tpu.dma_semaphore, #tpu.memory_space<semaphore_mem>>)
      %dma_wait3A_74 = arith.constant 0 : i32
      %dma_wait3A_75 = tpu.memref_slice %arg6[%add3A_66, %dma_wait3A_74] : memref<20000x64xf32, #tpu.memory_space<hbm>> -> memref<625x64xf32, #tpu.memory_space<hbm>>
      %dma_wait3A_76 = arith.constant 0 : i32
      %dma_wait3A_77 = tpu.memref_slice %arg21[%mul3A_8, %dma_wait3A_76] : memref<10000x64xf32, #tpu.memory_space<vmem_shared>> -> memref<625x64xf32, #tpu.memory_space<vmem_shared>>
      tpu.wait_dma2 semaphore(%run_scoped3A : memref<!tpu.dma_semaphore, #tpu.memory_space<semaphore_mem>>) src(%dma_wait3A_77 : memref<625x64xf32, #tpu.memory_space<vmem_shared>>) dst(%dma_wait3A_75 : memref<625x64xf32, #tpu.memory_space<hbm>>)
      tpu.yield
    }) : () -> ()
    %mul3A_67 = arith.constant 10000 : i32
    %mul3A_68 = arith.muli %arg0, %mul3A_67 : i32
    %add3A_69 = arith.addi %mul3A_68, %mul3A_8 : i32
    "tpu.region"() ({
      %run_scoped3A = tpu.sem_alloc : memref<!tpu.dma_semaphore, #tpu.memory_space<semaphore_mem>>
      %dma_start3A_70 = arith.constant 0 : i32
      %dma_start3A_71 = tpu.memref_slice %arg7[%add3A_69, %dma_start3A_70] : memref<20000x64xf32, #tpu.memory_space<hbm>> -> memref<625x64xf32, #tpu.memory_space<hbm>>
      %dma_start3A_72 = arith.constant 0 : i32
      %dma_start3A_73 = tpu.memref_slice %arg22[%mul3A_8, %dma_start3A_72] : memref<10000x64xf32, #tpu.memory_space<vmem_shared>> -> memref<625x64xf32, #tpu.memory_space<vmem_shared>>
      tpu.enqueue_dma source(%dma_start3A_73 : memref<625x64xf32, #tpu.memory_space<vmem_shared>>) target(%dma_start3A_71 : memref<625x64xf32, #tpu.memory_space<hbm>>) target_semaphore(%run_scoped3A : memref<!tpu.dma_semaphore, #tpu.memory_space<semaphore_mem>>)
      %dma_wait3A_74 = arith.constant 0 : i32
      %dma_wait3A_75 = tpu.memref_slice %arg7[%add3A_69, %dma_wait3A_74] : memref<20000x64xf32, #tpu.memory_space<hbm>> -> memref<625x64xf32, #tpu.memory_space<hbm>>
      %dma_wait3A_76 = arith.constant 0 : i32
      %dma_wait3A_77 = tpu.memref_slice %arg22[%mul3A_8, %dma_wait3A_76] : memref<10000x64xf32, #tpu.memory_space<vmem_shared>> -> memref<625x64xf32, #tpu.memory_space<vmem_shared>>
      tpu.wait_dma2 semaphore(%run_scoped3A : memref<!tpu.dma_semaphore, #tpu.memory_space<semaphore_mem>>) src(%dma_wait3A_77 : memref<625x64xf32, #tpu.memory_space<vmem_shared>>) dst(%dma_wait3A_75 : memref<625x64xf32, #tpu.memory_space<hbm>>)
      tpu.yield
    }) : () -> ()
    return
  }
}

module attributes {stable_mosaic.version = 14 : i64} {
  func.func @_tc_layer_body(%arg0: i32, %arg1: memref<2x1000x64xf32, #tpu.memory_space<vmem>>, %arg2: memref<2x1000x64xf32, #tpu.memory_space<vmem>>, %arg3: memref<1000x64xf32, #tpu.memory_space<vmem>>, %arg4: memref<1000x64xf32, #tpu.memory_space<vmem>>, %arg5: memref<64x128xf32, #tpu.memory_space<vmem>>, %arg6: memref<64x128xf32, #tpu.memory_space<vmem>>, %arg7: memref<64x128xf32, #tpu.memory_space<vmem>>, %arg8: memref<64x128xf32, #tpu.memory_space<vmem>>, %arg9: memref<1x128xf32, #tpu.memory_space<vmem>>, %arg10: memref<1000x64xf32, #tpu.memory_space<vmem>>, %arg11: memref<1000x64xf32, #tpu.memory_space<vmem>>) attributes {dimension_semantics = [#tpu.dimension_semantics<arbitrary>], iteration_bounds = array<i64: 10>, scalar_prefetch = 0 : i64, scratch_operands = 0 : i64, tpu.core_type = #tpu.core_type<tc>, window_params = [{transform_indices = @transform_0, window_bounds = array<i64: 2, 1000, 64>}, {transform_indices = @transform_1, window_bounds = array<i64: 2, 1000, 64>}, {transform_indices = @transform_2, window_bounds = array<i64: 1000, 64>}, {transform_indices = @transform_3, window_bounds = array<i64: 1000, 64>}, {pipeline_mode = #tpu.pipeline_mode<synchronous>, transform_indices = @transform_4, window_bounds = array<i64: 64, 128>}, {pipeline_mode = #tpu.pipeline_mode<synchronous>, transform_indices = @transform_5, window_bounds = array<i64: 64, 128>}, {pipeline_mode = #tpu.pipeline_mode<synchronous>, transform_indices = @transform_6, window_bounds = array<i64: 64, 128>}, {pipeline_mode = #tpu.pipeline_mode<synchronous>, transform_indices = @transform_7, window_bounds = array<i64: 64, 128>}, {pipeline_mode = #tpu.pipeline_mode<synchronous>, transform_indices = @transform_8, window_bounds = array<i64: 1, 128>}, {transform_indices = @transform_9, window_bounds = array<i64: 1000, 64>}, {transform_indices = @transform_10, window_bounds = array<i64: 1000, 64>}]} {
    %get3A = arith.constant 0 : index
    %get3A_0 = arith.constant 0 : index
    %get3A_1 = arith.constant 0 : index
    %get3A_2 = vector.load %arg1[%get3A, %get3A_0, %get3A_1] : memref<2x1000x64xf32, #tpu.memory_space<vmem>>, vector<1x1000x64xf32>
    %get3A_3 = vector.shape_cast %get3A_2 : vector<1x1000x64xf32> to vector<1000x64xf32>
    %get3A_4 = arith.constant 1 : index
    %get3A_5 = arith.constant 0 : index
    %get3A_6 = arith.constant 0 : index
    %get3A_7 = vector.load %arg1[%get3A_4, %get3A_5, %get3A_6] : memref<2x1000x64xf32, #tpu.memory_space<vmem>>, vector<1x1000x64xf32>
    %get3A_8 = vector.shape_cast %get3A_7 : vector<1x1000x64xf32> to vector<1000x64xf32>
    %add3A = arith.addf %get3A_3, %get3A_8 : vector<1000x64xf32>
    %get3A_9 = arith.constant 0 : index
    %get3A_10 = arith.constant 0 : index
    %get3A_11 = arith.constant 0 : index
    %get3A_12 = vector.load %arg2[%get3A_9, %get3A_10, %get3A_11] : memref<2x1000x64xf32, #tpu.memory_space<vmem>>, vector<1x1000x64xf32>
    %get3A_13 = vector.shape_cast %get3A_12 : vector<1x1000x64xf32> to vector<1000x64xf32>
    %get3A_14 = arith.constant 1 : index
    %get3A_15 = arith.constant 0 : index
    %get3A_16 = arith.constant 0 : index
    %get3A_17 = vector.load %arg2[%get3A_14, %get3A_15, %get3A_16] : memref<2x1000x64xf32, #tpu.memory_space<vmem>>, vector<1x1000x64xf32>
    %get3A_18 = vector.shape_cast %get3A_17 : vector<1x1000x64xf32> to vector<1000x64xf32>
    %add3A_19 = arith.addf %get3A_13, %get3A_18 : vector<1000x64xf32>
    %get3A_20 = arith.constant 0 : index
    %get3A_21 = arith.constant 0 : index
    %get3A_22 = vector.load %arg5[%get3A_20, %get3A_21] : memref<64x128xf32, #tpu.memory_space<vmem>>, vector<64x128xf32>
    %dot_general3A = arith.constant dense<0.000000e+00> : vector<1000x128xf32>
    %dot_general3A_23 = tpu.matmul %add3A, %get3A_22, %dot_general3A {dimension_numbers = #tpu.dot_dimension_numbers<[1], [0], [0], [1], [0, 0, 1, 1], [], []>, transpose_lhs_hint = false} : vector<1000x64xf32>, vector<64x128xf32>, vector<1000x128xf32> -> vector<1000x128xf32>
    %get3A_24 = arith.constant 0 : index
    %get3A_25 = arith.constant 0 : index
    %get3A_26 = vector.load %arg6[%get3A_24, %get3A_25] : memref<64x128xf32, #tpu.memory_space<vmem>>, vector<64x128xf32>
    %dot_general3A_27 = arith.constant dense<0.000000e+00> : vector<1000x128xf32>
    %dot_general3A_28 = tpu.matmul %add3A_19, %get3A_26, %dot_general3A_27 {dimension_numbers = #tpu.dot_dimension_numbers<[1], [0], [0], [1], [0, 0, 1, 1], [], []>, transpose_lhs_hint = false} : vector<1000x64xf32>, vector<64x128xf32>, vector<1000x128xf32> -> vector<1000x128xf32>
    %add3A_29 = arith.addf %dot_general3A_23, %dot_general3A_28 : vector<1000x128xf32>
    %get3A_30 = arith.constant 0 : index
    %get3A_31 = arith.constant 0 : index
    %get3A_32 = vector.load %arg3[%get3A_30, %get3A_31] : memref<1000x64xf32, #tpu.memory_space<vmem>>, vector<1000x64xf32>
    %get3A_33 = arith.constant 0 : index
    %get3A_34 = arith.constant 0 : index
    %get3A_35 = vector.load %arg7[%get3A_33, %get3A_34] : memref<64x128xf32, #tpu.memory_space<vmem>>, vector<64x128xf32>
    %dot_general3A_36 = arith.constant dense<0.000000e+00> : vector<1000x128xf32>
    %dot_general3A_37 = tpu.matmul %get3A_32, %get3A_35, %dot_general3A_36 {dimension_numbers = #tpu.dot_dimension_numbers<[1], [0], [0], [1], [0, 0, 1, 1], [], []>, transpose_lhs_hint = false} : vector<1000x64xf32>, vector<64x128xf32>, vector<1000x128xf32> -> vector<1000x128xf32>
    %add3A_38 = arith.addf %add3A_29, %dot_general3A_37 : vector<1000x128xf32>
    %get3A_39 = arith.constant 0 : index
    %get3A_40 = arith.constant 0 : index
    %get3A_41 = vector.load %arg4[%get3A_39, %get3A_40] : memref<1000x64xf32, #tpu.memory_space<vmem>>, vector<1000x64xf32>
    %get3A_42 = arith.constant 0 : index
    %get3A_43 = arith.constant 0 : index
    %get3A_44 = vector.load %arg8[%get3A_42, %get3A_43] : memref<64x128xf32, #tpu.memory_space<vmem>>, vector<64x128xf32>
    %dot_general3A_45 = arith.constant dense<0.000000e+00> : vector<1000x128xf32>
    %dot_general3A_46 = tpu.matmul %get3A_41, %get3A_44, %dot_general3A_45 {dimension_numbers = #tpu.dot_dimension_numbers<[1], [0], [0], [1], [0, 0, 1, 1], [], []>, transpose_lhs_hint = false} : vector<1000x64xf32>, vector<64x128xf32>, vector<1000x128xf32> -> vector<1000x128xf32>
    %add3A_47 = arith.addf %add3A_38, %dot_general3A_46 : vector<1000x128xf32>
    %get3A_48 = arith.constant 0 : index
    %get3A_49 = arith.constant 0 : index
    %get3A_50 = vector.load %arg9[%get3A_48, %get3A_49] : memref<1x128xf32, #tpu.memory_space<vmem>>, vector<1x128xf32>
    %add3A_51 = vector.broadcast %get3A_50 : vector<1x128xf32> to vector<1000x128xf32>
    %add3A_52 = arith.addf %add3A_47, %add3A_51 : vector<1000x128xf32>
    %gt3A = arith.constant 0.000000e+00 : f32
    %gt3A_53 = vector.broadcast %gt3A : f32 to vector<1000x128xf32>
    %gt3A_54 = arith.cmpf ogt, %add3A_52, %gt3A_53 : vector<1000x128xf32>
    %mul3A = arith.constant 1.000000e-01 : f32
    %mul3A_55 = vector.broadcast %mul3A : f32 to vector<1000x128xf32>
    %mul3A_56 = arith.mulf %mul3A_55, %add3A_52 : vector<1000x128xf32>
    %select_n3A = arith.select %gt3A_54, %add3A_52, %mul3A_56 : vector<1000x128xi1>, vector<1000x128xf32>
    %slice3A = vector.extract_strided_slice %select_n3A {offsets = [0, 0], sizes = [1000, 64], strides = [1, 1]} : vector<1000x128xf32> to vector<1000x64xf32>
    %swap3A = arith.constant 0 : index
    %swap3A_57 = arith.constant 0 : index
    %swap3A_58 = vector.load %arg10[%swap3A, %swap3A_57] : memref<1000x64xf32, #tpu.memory_space<vmem>>, vector<1000x64xf32>
    tpu.vector_store %arg10[%swap3A, %swap3A_57], %slice3A {strides = array<i32>} : memref<1000x64xf32, #tpu.memory_space<vmem>>, vector<1000x64xf32>,
    %slice3A_59 = vector.extract_strided_slice %select_n3A {offsets = [0, 64], sizes = [1000, 64], strides = [1, 1]} : vector<1000x128xf32> to vector<1000x64xf32>
    %swap3A_60 = arith.constant 0 : index
    %swap3A_61 = arith.constant 0 : index
    %swap3A_62 = vector.load %arg11[%swap3A_60, %swap3A_61] : memref<1000x64xf32, #tpu.memory_space<vmem>>, vector<1000x64xf32>
    tpu.vector_store %arg11[%swap3A_60, %swap3A_61], %slice3A_59 {strides = array<i32>} : memref<1000x64xf32, #tpu.memory_space<vmem>>, vector<1000x64xf32>,
    return
  }
  func.func @transform_0(%arg0: i32) -> (i32, i32, i32) {
    %c0_i32 = arith.constant 0 : i32
    %c0_i32_0 = arith.constant 0 : i32
    %c0_i32_1 = arith.constant 0 : i32
    return %c0_i32, %arg0, %c0_i32_0 : i32, i32, i32
  }
  func.func @transform_1(%arg0: i32) -> (i32, i32, i32) {
    %c0_i32 = arith.constant 0 : i32
    %c0_i32_0 = arith.constant 0 : i32
    %c0_i32_1 = arith.constant 0 : i32
    return %c0_i32, %arg0, %c0_i32_0 : i32, i32, i32
  }
  func.func @transform_2(%arg0: i32) -> (i32, i32) {
    %c0_i32 = arith.constant 0 : i32
    %c0_i32_0 = arith.constant 0 : i32
    return %arg0, %c0_i32 : i32, i32
  }
  func.func @transform_3(%arg0: i32) -> (i32, i32) {
    %c0_i32 = arith.constant 0 : i32
    %c0_i32_0 = arith.constant 0 : i32
    return %arg0, %c0_i32 : i32, i32
  }
  func.func @transform_4(%arg0: i32) -> (i32, i32) {
    %c0_i32 = arith.constant 0 : i32
    %c0_i32_0 = arith.constant 0 : i32
    %c0_i32_1 = arith.constant 0 : i32
    return %c0_i32, %c0_i32_0 : i32, i32
  }
  func.func @transform_5(%arg0: i32) -> (i32, i32) {
    %c0_i32 = arith.constant 0 : i32
    %c0_i32_0 = arith.constant 0 : i32
    %c0_i32_1 = arith.constant 0 : i32
    return %c0_i32, %c0_i32_0 : i32, i32
  }
  func.func @transform_6(%arg0: i32) -> (i32, i32) {
    %c0_i32 = arith.constant 0 : i32
    %c0_i32_0 = arith.constant 0 : i32
    %c0_i32_1 = arith.constant 0 : i32
    return %c0_i32, %c0_i32_0 : i32, i32
  }
  func.func @transform_7(%arg0: i32) -> (i32, i32) {
    %c0_i32 = arith.constant 0 : i32
    %c0_i32_0 = arith.constant 0 : i32
    %c0_i32_1 = arith.constant 0 : i32
    return %c0_i32, %c0_i32_0 : i32, i32
  }
  func.func @transform_8(%arg0: i32) -> (i32, i32) {
    %c0_i32 = arith.constant 0 : i32
    %c0_i32_0 = arith.constant 0 : i32
    %c0_i32_1 = arith.constant 0 : i32
    return %c0_i32, %c0_i32_0 : i32, i32
  }
  func.func @transform_9(%arg0: i32) -> (i32, i32) {
    %c0_i32 = arith.constant 0 : i32
    %c0_i32_0 = arith.constant 0 : i32
    return %arg0, %c0_i32 : i32, i32
  }
  func.func @transform_10(%arg0: i32) -> (i32, i32) {
    %c0_i32 = arith.constant 0 : i32
    %c0_i32_0 = arith.constant 0 : i32
    return %arg0, %c0_i32 : i32, i32
  }
}

module attributes {stable_mosaic.version = 14 : i64} {
  func.func @_tc_final_body(%arg0: i32, %arg1: memref<1000x64xf32, #tpu.memory_space<vmem>>, %arg2: memref<1000x64xf32, #tpu.memory_space<vmem>>, %arg3: memref<64x64xf32, #tpu.memory_space<vmem>>, %arg4: memref<64x64xf32, #tpu.memory_space<vmem>>, %arg5: memref<1000x1xi32, #tpu.memory_space<vmem>>, %arg6: memref<64x64xf32, #tpu.memory_space<vmem>>, %arg7: memref<1x64xf32, #tpu.memory_space<vmem>>, %arg8: memref<64x1xf32, #tpu.memory_space<vmem>>, %arg9: memref<1x1xf32, #tpu.memory_space<vmem>>, %arg10: memref<256x1xf32, #tpu.memory_space<vmem>>, %arg11: memref<256x64xf32, #tpu.memory_space<vmem>>) attributes {dimension_semantics = [#tpu.dimension_semantics<arbitrary>], iteration_bounds = array<i64: 10>, scalar_prefetch = 0 : i64, scratch_operands = 1 : i64, tpu.core_type = #tpu.core_type<tc>, window_params = [{transform_indices = @transform_0, window_bounds = array<i64: 1000, 64>}, {transform_indices = @transform_1, window_bounds = array<i64: 1000, 64>}, {pipeline_mode = #tpu.pipeline_mode<synchronous>, transform_indices = @transform_2, window_bounds = array<i64: 64, 64>}, {pipeline_mode = #tpu.pipeline_mode<synchronous>, transform_indices = @transform_3, window_bounds = array<i64: 64, 64>}, {transform_indices = @transform_4, window_bounds = array<i64: 1000, 1>}, {pipeline_mode = #tpu.pipeline_mode<synchronous>, transform_indices = @transform_5, window_bounds = array<i64: 64, 64>}, {pipeline_mode = #tpu.pipeline_mode<synchronous>, transform_indices = @transform_6, window_bounds = array<i64: 1, 64>}, {pipeline_mode = #tpu.pipeline_mode<synchronous>, transform_indices = @transform_7, window_bounds = array<i64: 64, 1>}, {pipeline_mode = #tpu.pipeline_mode<synchronous>, transform_indices = @transform_8, window_bounds = array<i64: 1, 1>}, {pipeline_mode = #tpu.pipeline_mode<synchronous>, transform_indices = @transform_9, window_bounds = array<i64: 256, 1>}]} {
    %get3A = arith.constant 0 : index
    %get3A_0 = arith.constant 0 : index
    %get3A_1 = vector.load %arg1[%get3A, %get3A_0] : memref<1000x64xf32, #tpu.memory_space<vmem>>, vector<1000x64xf32>
    %get3A_2 = arith.constant 0 : index
    %get3A_3 = arith.constant 0 : index
    %get3A_4 = vector.load %arg3[%get3A_2, %get3A_3] : memref<64x64xf32, #tpu.memory_space<vmem>>, vector<64x64xf32>
    %dot_general3A = arith.constant dense<0.000000e+00> : vector<1000x64xf32>
    %dot_general3A_5 = tpu.matmul %get3A_1, %get3A_4, %dot_general3A {dimension_numbers = #tpu.dot_dimension_numbers<[1], [0], [0], [1], [0, 0, 1, 1], [], []>, transpose_lhs_hint = false} : vector<1000x64xf32>, vector<64x64xf32>, vector<1000x64xf32> -> vector<1000x64xf32>
    %get3A_6 = arith.constant 0 : index
    %get3A_7 = arith.constant 0 : index
    %get3A_8 = vector.load %arg2[%get3A_6, %get3A_7] : memref<1000x64xf32, #tpu.memory_space<vmem>>, vector<1000x64xf32>
    %get3A_9 = arith.constant 0 : index
    %get3A_10 = arith.constant 0 : index
    %get3A_11 = vector.load %arg4[%get3A_9, %get3A_10] : memref<64x64xf32, #tpu.memory_space<vmem>>, vector<64x64xf32>
    %dot_general3A_12 = arith.constant dense<0.000000e+00> : vector<1000x64xf32>
    %dot_general3A_13 = tpu.matmul %get3A_8, %get3A_11, %dot_general3A_12 {dimension_numbers = #tpu.dot_dimension_numbers<[1], [0], [0], [1], [0, 0, 1, 1], [], []>, transpose_lhs_hint = false} : vector<1000x64xf32>, vector<64x64xf32>, vector<1000x64xf32> -> vector<1000x64xf32>
    %add3A = arith.addf %dot_general3A_5, %dot_general3A_13 : vector<1000x64xf32>
    %iota3A = tpu.iota {dimensions = array<i32: 1>} : vector<1000x256xi32>
    %get3A_14 = arith.constant 0 : index
    %get3A_15 = arith.constant 0 : index
    %get3A_16 = vector.load %arg5[%get3A_14, %get3A_15] : memref<1000x1xi32, #tpu.memory_space<vmem>>, vector<1000x1xi32>
    %eq3A = vector.broadcast %get3A_16 : vector<1000x1xi32> to vector<1000x256xi32>
    %eq3A_17 = arith.cmpi eq, %iota3A, %eq3A : vector<1000x256xi32>
    %convert_element_type3A = arith.extui %eq3A_17 : vector<1000x256xi1> to vector<1000x256xi32>
    %convert_element_type3A_18 = arith.sitofp %convert_element_type3A : vector<1000x256xi32> to vector<1000x256xf32>
    %dot_general3A_19 = arith.constant dense<0.000000e+00> : vector<256x64xf32>
    %dot_general3A_20 = tpu.matmul %convert_element_type3A_18, %add3A, %dot_general3A_19 {dimension_numbers = #tpu.dot_dimension_numbers<[0], [0], [1], [1], [0, 1, 1, 1], [], []>, transpose_lhs_hint = false} : vector<1000x256xf32>, vector<1000x64xf32>, vector<256x64xf32> -> vector<256x64xf32>
    %eq3A_21 = arith.constant 0 : i32
    %eq3A_22 = arith.cmpi eq, %arg0, %eq3A_21 : i32
    %convert_element_type3A_23 = arith.extui %eq3A_22 : i1 to i32
    %cond3A = arith.constant 0 : i32
    %cond3A_24 = arith.cmpi ne, %convert_element_type3A_23, %cond3A : i32
    scf.if %cond3A_24 {
      %broadcast_in_dim3A = arith.constant 0.000000e+00 : f32
      %broadcast_in_dim3A_36 = vector.broadcast %broadcast_in_dim3A : f32 to vector<256x64xf32>
      %swap3A_37 = arith.constant 0 : index
      %swap3A_38 = arith.constant 0 : index
      %swap3A_39 = vector.load %arg11[%swap3A_37, %swap3A_38] : memref<256x64xf32, #tpu.memory_space<vmem>>, vector<256x64xf32>
      tpu.vector_store %arg11[%swap3A_37, %swap3A_38], %broadcast_in_dim3A_36 {strides = array<i32>} : memref<256x64xf32, #tpu.memory_space<vmem>>, vector<256x64xf32>,
    } else {
    }
    %get3A_25 = arith.constant 0 : index
    %get3A_26 = arith.constant 0 : index
    %get3A_27 = vector.load %arg11[%get3A_25, %get3A_26] : memref<256x64xf32, #tpu.memory_space<vmem>>, vector<256x64xf32>
    %add3A_28 = arith.addf %get3A_27, %dot_general3A_20 : vector<256x64xf32>
    %swap3A = arith.constant 0 : index
    %swap3A_29 = arith.constant 0 : index
    %swap3A_30 = vector.load %arg11[%swap3A, %swap3A_29] : memref<256x64xf32, #tpu.memory_space<vmem>>, vector<256x64xf32>
    tpu.vector_store %arg11[%swap3A, %swap3A_29], %add3A_28 {strides = array<i32>} : memref<256x64xf32, #tpu.memory_space<vmem>>, vector<256x64xf32>,
    %eq3A_31 = arith.constant 9 : i32
    %eq3A_32 = arith.cmpi eq, %arg0, %eq3A_31 : i32
    %convert_element_type3A_33 = arith.extui %eq3A_32 : i1 to i32
    %cond3A_34 = arith.constant 0 : i32
    %cond3A_35 = arith.cmpi ne, %convert_element_type3A_33, %cond3A_34 : i32
    scf.if %cond3A_35 {
      %get3A_36 = arith.constant 0 : index
      %get3A_37 = arith.constant 0 : index
      %get3A_38 = vector.load %arg11[%get3A_36, %get3A_37] : memref<256x64xf32, #tpu.memory_space<vmem>>, vector<256x64xf32>
      %gt3A = arith.constant 0.000000e+00 : f32
      %gt3A_39 = vector.broadcast %gt3A : f32 to vector<256x64xf32>
      %gt3A_40 = arith.cmpf ogt, %get3A_38, %gt3A_39 : vector<256x64xf32>
      %mul3A = arith.constant 1.000000e-01 : f32
      %mul3A_41 = vector.broadcast %mul3A : f32 to vector<256x64xf32>
      %mul3A_42 = arith.mulf %mul3A_41, %get3A_38 : vector<256x64xf32>
      %select_n3A = arith.select %gt3A_40, %get3A_38, %mul3A_42 : vector<256x64xi1>, vector<256x64xf32>
      %get3A_43 = arith.constant 0 : index
      %get3A_44 = arith.constant 0 : index
      %get3A_45 = vector.load %arg6[%get3A_43, %get3A_44] : memref<64x64xf32, #tpu.memory_space<vmem>>, vector<64x64xf32>
      %dot_general3A_46 = arith.constant dense<0.000000e+00> : vector<256x64xf32>
      %dot_general3A_47 = tpu.matmul %select_n3A, %get3A_45, %dot_general3A_46 {dimension_numbers = #tpu.dot_dimension_numbers<[1], [0], [0], [1], [0, 0, 1, 1], [], []>, transpose_lhs_hint = false} : vector<256x64xf32>, vector<64x64xf32>, vector<256x64xf32> -> vector<256x64xf32>
      %get3A_48 = arith.constant 0 : index
      %get3A_49 = arith.constant 0 : index
      %get3A_50 = vector.load %arg7[%get3A_48, %get3A_49] : memref<1x64xf32, #tpu.memory_space<vmem>>, vector<1x64xf32>
      %add3A_51 = vector.broadcast %get3A_50 : vector<1x64xf32> to vector<256x64xf32>
      %add3A_52 = arith.addf %dot_general3A_47, %add3A_51 : vector<256x64xf32>
      %max3A = arith.constant 0.000000e+00 : f32
      %max3A_53 = vector.broadcast %max3A : f32 to vector<256x64xf32>
      %max3A_54 = arith.maximumf %add3A_52, %max3A_53 : vector<256x64xf32>
      %get3A_55 = arith.constant 0 : index
      %get3A_56 = arith.constant 0 : index
      %get3A_57 = vector.load %arg8[%get3A_55, %get3A_56] : memref<64x1xf32, #tpu.memory_space<vmem>>, vector<64x1xf32>
      %dot_general3A_58 = arith.constant dense<0.000000e+00> : vector<256x1xf32>
      %dot_general3A_59 = tpu.matmul %max3A_54, %get3A_57, %dot_general3A_58 {dimension_numbers = #tpu.dot_dimension_numbers<[1], [0], [0], [1], [0, 0, 1, 1], [], []>, transpose_lhs_hint = false} : vector<256x64xf32>, vector<64x1xf32>, vector<256x1xf32> -> vector<256x1xf32>
      %get3A_60 = arith.constant 0 : index
      %get3A_61 = arith.constant 0 : index
      %get3A_62 = vector.load %arg9[%get3A_60, %get3A_61] : memref<1x1xf32, #tpu.memory_space<vmem>>, vector<1x1xf32>
      %add3A_63 = vector.broadcast %get3A_62 : vector<1x1xf32> to vector<256x1xf32>
      %add3A_64 = arith.addf %dot_general3A_59, %add3A_63 : vector<256x1xf32>
      %swap3A_65 = arith.constant 0 : index
      %swap3A_66 = arith.constant 0 : index
      %swap3A_67 = vector.load %arg10[%swap3A_65, %swap3A_66] : memref<256x1xf32, #tpu.memory_space<vmem>>, vector<256x1xf32>
      tpu.vector_store %arg10[%swap3A_65, %swap3A_66], %add3A_64 {strides = array<i32>} : memref<256x1xf32, #tpu.memory_space<vmem>>, vector<256x1xf32>,
    } else {
    }
    return
  }
  func.func @transform_0(%arg0: i32) -> (i32, i32) {
    %c0_i32 = arith.constant 0 : i32
    %c0_i32_0 = arith.constant 0 : i32
    return %arg0, %c0_i32 : i32, i32
  }
  func.func @transform_1(%arg0: i32) -> (i32, i32) {
    %c0_i32 = arith.constant 0 : i32
    %c0_i32_0 = arith.constant 0 : i32
    return %arg0, %c0_i32 : i32, i32
  }
  func.func @transform_2(%arg0: i32) -> (i32, i32) {
    %c0_i32 = arith.constant 0 : i32
    %c0_i32_0 = arith.constant 0 : i32
    %c0_i32_1 = arith.constant 0 : i32
    return %c0_i32, %c0_i32_0 : i32, i32
  }
  func.func @transform_3(%arg0: i32) -> (i32, i32) {
    %c0_i32 = arith.constant 0 : i32
    %c0_i32_0 = arith.constant 0 : i32
    %c0_i32_1 = arith.constant 0 : i32
    return %c0_i32, %c0_i32_0 : i32, i32
  }
  func.func @transform_4(%arg0: i32) -> (i32, i32) {
    %c0_i32 = arith.constant 0 : i32
    %c0_i32_0 = arith.constant 0 : i32
    return %arg0, %c0_i32 : i32, i32
  }
  func.func @transform_5(%arg0: i32) -> (i32, i32) {
    %c0_i32 = arith.constant 0 : i32
    %c0_i32_0 = arith.constant 0 : i32
    %c0_i32_1 = arith.constant 0 : i32
    return %c0_i32, %c0_i32_0 : i32, i32
  }
  func.func @transform_6(%arg0: i32) -> (i32, i32) {
    %c0_i32 = arith.constant 0 : i32
    %c0_i32_0 = arith.constant 0 : i32
    %c0_i32_1 = arith.constant 0 : i32
    return %c0_i32, %c0_i32_0 : i32, i32
  }
  func.func @transform_7(%arg0: i32) -> (i32, i32) {
    %c0_i32 = arith.constant 0 : i32
    %c0_i32_0 = arith.constant 0 : i32
    %c0_i32_1 = arith.constant 0 : i32
    return %c0_i32, %c0_i32_0 : i32, i32
  }
  func.func @transform_8(%arg0: i32) -> (i32, i32) {
    %c0_i32 = arith.constant 0 : i32
    %c0_i32_0 = arith.constant 0 : i32
    %c0_i32_1 = arith.constant 0 : i32
    return %c0_i32, %c0_i32_0 : i32, i32
  }
  func.func @transform_9(%arg0: i32) -> (i32, i32) {
    %c0_i32 = arith.constant 0 : i32
    %c0_i32_0 = arith.constant 0 : i32
    %c0_i32_1 = arith.constant 0 : i32
    return %c0_i32, %c0_i32_0 : i32, i32
  }
}

</mosaic_0001>

<sc_bundles>
// kernel: kernel.11.cloned.1.call-start
scs
__scs_entry_jumppad:
0x0: {  	(pc) =	sbr.rel $0x88, $3  }
0x1: {  	(tag) =	ssettag $0x0;
	lr =	simm.s32 $0x1  }
0x2: {  	[smem:$0x3F91] =	sst lr;
	_ =	strace $0xD0000000  }
0x3: {  	_ = 	snop  }
0x4: {  	_ = 	snop  }
0x5: {  	_ = 	snop  }
0x6: {  	_ = 	snop  }
0x7: {  	_ = 	snop  }
__scs_overlays_trampoline_lowered:
0x8: {  	[smem:$0x3FA0] =	sst s0  }
0x9: {  	[smem:$0x3FA1] =	sst s1  }
0xa: {  	[smem:$0x3FA2] =	sst s2  }
0xb: {  	[smem:$0x3FA3] =	sst s3  }
0xc: {  	[smem:$0x3FA4] =	sst s4  }
0xd: {  	[smem:$0x3FA5] =	sst s5  }
0xe: {  	[smem:$0x3FA6] =	sst s6  }
0xf: {  	[smem:$0x3FA7] =	sst s7  }
0x10: {  	[smem:$0x3FA8] =	sst s8  }
0x11: {  	[smem:$0x3FA9] =	sst s9;
	s0 =	simm.s32 @!p0 $0x0  }
0x12: {  	s1 =	sld [smem:$0x3F8F];
	s0 =	simm.s32 @p0 $0x1  }
0x13: {  	[smem:$0x3FAA] =	sst s0;
	s0 =	simm.s32 @!p1 $0x0  }
0x14: {  	s2 =	sld [smem:$0x3F8E];
	s0 =	simm.s32 @p1 $0x1  }
0x15: {  	[smem:$0x3FAB] =	sst s0;
	s0 =	simm.s32 @!p2 $0x0  }
0x16: {  	s3 =	sld [smem:$0x3FDB];
	s0 =	simm.s32 @p2 $0x1  }
0x17: {  	s4 =	simm.s32 $0x1BF5;
	[smem:$0x3FAD] =	sst s0  }
0x18: {  	s0 =	sld [smem:$0x3F90];
	_ =	swait.ge [sflag:s4], $0x0  }
0x19: {  	s7 =	sld [smem:$0x3F91]  }
0x1a: {  	s8 =	sadd.s32 $0xFFFFE003, lr  }
0x1b: {  	s9 =	sadd.s32 $0xFFFFFEF7, lr;
	s5 =	simm.s32 $0xFFFFFFFF;
	p2 =	slt.u32 s8, $0xFFFFF086  }
0x1c: {  	p1 =	slt.u32 s9, $0xF7A;
	s5 =	simm.s32 @!p2 $0x0  }
0x1d: {  	s5 =	simm.s32 @p1 $0x1;
	p0 =	seq.s32 s7, s2  }
0x1e: {  	s7 =	smul.u32 @!p0 $0xF7A, s2;
	p2 =	seq.s32 @!p0 s5, $0x0  }
0x1f: {  	s9 =	smul.u32 $0xF7A, s1;
	s8 =	simm.s32 @!p0 $0x1BF5;
	p2 =	por !p2, p0  }
0x20: {  	[sflag:s8] =	ssyncset.s32 @!p0 $0xFFFFF086;
	s6 =	sadd.s32 @!p0 s3, s7;
	s7 =	simm.s32 @!p0 $0x108  }
0x21: {  	s3 =	sadd.s32 s3, s9;
	s6 =	sadd.s32 @!p0 $0x88, s6;
	s7 =	simm.s32 @p2 $0x1082  }
0x22: {  	[simem:s7], [sflag:s8] =	dma.local @!p0 [hbm:s6], $0xF7A  }
0x23: {  	s9 =	sor.u32 $0xD0000000, s2;
	s6 =	simm.s32 $0x108;
	_ =	swait.ge @!p0 [sflag:s8], $0x0  }
0x24: {  	s3 =	sadd.s32 $0x88, s3;
	s6 =	simm.s32 @!p1 $0x1082;
	[sflag:s4] =	ssyncset.s32 $0xFFFFF086  }
0x25: {  	[simem:s6], [sflag:s4] =	dma.local [hbm:s3], $0xF7A  }
0x26: {  	[smem:$0x3F91] =	sst s1;
	(tag) =	ssettag s2;
	_ =	strace s9  }
0x27: {  	s1 =	sld [smem:$0x3FA1]  }
0x28: {  	s2 =	sld [smem:$0x3FA2]  }
0x29: {  	s4 =	sld [smem:$0x3FA4]  }
0x2a: {  	p0 =	seq.s32 s5, $0x0;
	s5 =	sld [smem:$0x3FA5]  }
0x2b: {  	s6 =	sld [smem:$0x3FA6]  }
0x2c: {  	s7 =	sld [smem:$0x3FA7]  }
0x2d: {  	s3 =	simm.s32 $0x108;
	s8 =	sld [smem:$0x3FA8]  }
0x2e: {  	s3 =	simm.s32 @!p0 $0x1082;
	s9 =	sld [smem:$0x3FA9]  }
0x2f: {  	lr =	sadd.s32 s0, s3;
	s0 =	sld [smem:$0x3FA0]  }
0x30: {  	s3 =	sld [smem:$0x3FA3]  }
0x31: {  	[smem:$0x3FAC] =	sst s10  }
0x32: {  	s10 =	sld [smem:$0x3FAA];
	_ =	sdelay $0x3  }
0x33: {  	p0 =	seq.s32 s10, $0x1;
	s10 =	sld [smem:$0x3FAC];
	_ =	sdelay $0x3  }
0x34: {  	[smem:$0x3FAC] =	sst s10  }
0x35: {  	s10 =	sld [smem:$0x3FAB];
	_ =	sdelay $0x3  }
0x36: {  	p1 =	seq.s32 s10, $0x1;
	s10 =	sld [smem:$0x3FAC];
	_ =	sdelay $0x3  }
0x37: {  	[smem:$0x3FAC] =	sst s10  }
0x38: {  	s10 =	sld [smem:$0x3FAD]  }
0x39: {  	_ = 	snop;
	(pc) =	sbr.ind lr, $3  }
0x3a: {  	_ = 	snop  }
0x3b: {  	_ = 	snop  }
0x3c: {  	p2 =	seq.s32 s10, $0x1;
	s10 =	sld [smem:$0x3FAC]  }
0x3d: {  	_ =	shalt  }
0x3e: {  	_ =	shalt  }
0x3f: {  	_ =	shalt  }
0x40: {  	_ =	shalt  }
0x41: {  	_ =	shalt  }
0x42: {  	_ =	shalt  }
0x43: {  	_ =	shalt  }
0x44: {  	_ =	shalt  }
0x45: {  	_ =	shalt  }
0x46: {  	_ =	shalt  }
0x47: {  	_ =	shalt  }
0x48: {  	_ =	shalt  }
0x49: {  	_ =	shalt  }
0x4a: {  	_ =	shalt  }
0x4b: {  	_ =	shalt  }
0x4c: {  	_ =	shalt  }
0x4d: {  	_ =	shalt  }
0x4e: {  	_ =	shalt  }
0x4f: {  	_ =	shalt  }
0x50: {  	_ =	shalt  }
0x51: {  	_ =	shalt  }
0x52: {  	_ =	shalt  }
0x53: {  	_ =	shalt  }
0x54: {  	_ =	shalt  }
0x55: {  	_ =	shalt  }
0x56: {  	_ =	shalt  }
0x57: {  	_ =	shalt  }
0x58: {  	_ =	shalt  }
0x59: {  	_ =	shalt  }
0x5a: {  	_ =	shalt  }
0x5b: {  	_ =	shalt  }
0x5c: {  	_ =	shalt  }
0x5d: {  	_ =	shalt  }
0x5e: {  	_ =	shalt  }
0x5f: {  	_ =	shalt  }
0x60: {  	_ =	shalt  }
0x61: {  	_ =	shalt  }
0x62: {  	_ =	shalt  }
0x63: {  	_ =	shalt  }
0x64: {  	_ =	shalt  }
0x65: {  	_ =	shalt  }
0x66: {  	_ =	shalt  }
0x67: {  	_ =	shalt  }
0x68: {  	_ =	shalt  }
0x69: {  	_ =	shalt  }
0x6a: {  	_ =	shalt  }
0x6b: {  	_ =	shalt  }
0x6c: {  	_ =	shalt  }
0x6d: {  	_ =	shalt  }
0x6e: {  	_ =	shalt  }
0x6f: {  	_ =	shalt  }
0x70: {  	_ =	shalt  }
0x71: {  	_ =	shalt  }
0x72: {  	_ =	shalt  }
0x73: {  	_ =	shalt  }
0x74: {  	_ =	shalt  }
0x75: {  	_ =	shalt  }
0x76: {  	_ =	shalt  }
0x77: {  	_ =	shalt  }
0x78: {  	_ =	shalt  }
0x79: {  	_ =	shalt  }
0x7a: {  	_ =	shalt  }
0x7b: {  	_ =	shalt  }
0x7c: {  	_ =	shalt  }
0x7d: {  	_ =	shalt  }
0x7e: {  	_ =	shalt  }
0x7f: {  	_ =	shalt  }
0x80: {  	_ =	shalt  }
0x81: {  	_ =	shalt  }
0x82: {  	_ =	shalt  }
0x83: {  	_ =	shalt  }
0x84: {  	_ =	shalt  }
0x85: {  	_ =	shalt  }
0x86: {  	_ =	shalt  }
0x87: {  	_ =	shalt  }
.Lfunc_end0:
.L_simem_size_0:
called_computation.1_lowered:
.L_overlay_start_0:
0x88: {  	s2 =	sld [smem:$0x3FD9]  }
0x89: {  	s3 =	sld [smem:$0x3FFE];
	_ =	sdelay $0x1  }
0x8a: {  	s1 =	srdreg.scid  }
0x8b: {  	s0 =	sand.u32 $0x1, s1  }
0x8c: {  	s16 =	sshll.u32 s0, $0xA;
	s2 =	sadd.s32 s3, s2  }
0x8d: {  	s2 =	sadd.s32 s2, s16  }
0x8e: {  	[smem:$0x3FB8] =	sst s2  }
0x8f: {  	_ = 	snop  }
0x90: {  	(tm) =	ssettm $0x1  }
0x91: {  	s17 =	sld [smem:$0x3FFB];
	_ =	sdelay $0x3  }
0x92: {  	_ =	strace s17  }
0x93: {  	s2 =	sld [smem:$0x3FFC];
	_ =	sdelay $0x3  }
0x94: {  	_ =	strace s2  }
0x95: {  	s2 =	sld [smem:$0x3FFD];
	_ =	sdelay $0x3  }
0x96: {  	_ =	strace s2  }
0x97: {  	_ =	strace $0x8FFFFFFF  }
0x98: {  	s18 =	sld [smem:$0x3FDB];
	_ =	sdelay $0x1  }
0x99: {  	s19 =	simm.s32 $_scs_section_size  }
0x9a: {  	s4 =	simm.s32 $_size__tile_overlayer_lowered;
	s5 =	simm.s32 $_tile_overlayer_lowered  }
0x9b: {  	s22 =	simm.s32 $0x1BFF;
	s21 =	sshll.u32 s5, $0x1;
	s2 =	sadd.s32 s19, s18  }
0x9c: {  	s6 =	simm.s32 $0x0;
	s20 =	sshll.u32 s4, $0x1;
	s4 =	sadd.s32 s21, s2  }
0x9d: {  	[timem:s6], [sflag:s22] =	dma.local [hbm:s4], s20  }
0x9e: {  	_ =	swait.ge [sflag:s22], s20  }
0x9f: {  	s3 =	ssub.s32 $0x0, s20;
	[sflag:s22] =	ssyncset.done $0x0  }
0xa0: {  	[sflag:s22] =	ssyncadd.s32 s3;
	_ =	sdelay $0x1  }
0xa1: {  	s23 =	simm.s32 $0x1B8B  }
0xa2: {  	_ =	swait.ge [sflag:s23], $0x1  }
0xa3: {  	[sflag:s23] =	ssyncset.done $0x0  }
0xa4: {  	s25 =	simm.s32 $0x1B8E;
	s24 =	sld [smem:$0x3FFE];
	[sflag:s23] =	ssyncadd.s32 $0xFFFFFFFF  }
0xa5: {  	s26 =	simm.s32 $execute0_lowered;
	[smem:$0x3FD2] =	sst s25  }
0xa6: {  	s4 =	sshll.u32 s26, $0x1;
	_ =	strace $0x80000049;
	[dreg:$0x1] =	wrdreg $0xFFFFFFFF  }
0xa7: {  	s28 =	simm.s32 $_size_execute0_lowered;
	s2 =	sadd.s32 s2, s4;
	[dreg:$0x0] =	wrdreg $0x0  }
0xa8: {  	s4 =	sshll.u32 s28, $0x1;
	[dreg:$0x2] =	wrdreg s2  }
0xa9: {  	[dreg:$0x3] =	wrdreg s4  }
0xaa: {  	[dreg:$0x4] =	wrdreg $0xC0  }
0xab: {  	_ =	task [dreg:s6], $0x5FFFF  }
0xac: {  	[dreg:$0x1] =	wrdreg $0xFFFFFFFF  }
0xad: {  	[dreg:$0x0] =	wrdreg $0x60  }
0xae: {  	[dreg:$0x2] =	wrdreg s24  }
0xaf: {  	[dreg:$0x3] =	wrdreg $0xAA200  }
0xb0: {  	[dreg:$0x4] =	wrdreg $0x146600  }
0xb1: {  	[dreg:$0x5] =	wrdreg $0x9  }
0xb2: {  	_ =	task.clear_ibuf [dreg:s6], $0x6FFFF;
	_ =	strace $0x90000049  }
0xb3: {  	s29 =	simm.s32 $0x9;
	_ =	strace $0x8000004B  }
0xb4: {  	_ =	swait.ge [sflag:s29], $0x1  }
0xb5: {  	[sflag:s29] =	ssyncadd.s32 $0xFFFFFFFF  }
0xb6: {  	_ =	strace $0x9000004B  }
0xb7: {  	_ =	sfence  }
0xb8: {  	s30 =	sld [smem:$0x0];
	_ =	sdelay $0x2  }
0xb9: {  	s31 =	sshll.u32 s1, $0xD;
	s1 =	sshrl.u32 s1, $0x2  }
0xba: {  	s3 =	sand.u32 $0x4000, s31;
	s1 =	sadd.s32 s1, s30  }
0xbb: {  	s0 =	sor.u32 s3, s0;
	s1 =	sshll.u32 s1, $0x11  }
0xbc: {  	s0 =	sor.u32 s1, s0  }
0xbd: {  	s0 =	sadd.s32 $0x8F2B, s0  }
0xbe: {  	[sflag:s0] =	ssyncadd.remote.s32 $0x1  }
0xbf: {  	_ =	sfence.sel $0xFFFF  }
0xc0: {  	[dreg:$0x0] =	wrdreg $0xFFFFFFFF;
	(pc) =	sbr.abs _section_cstart, $3  }
0xc1: {  	[dreg:$0x1] =	wrdreg $0xFFFFFFFF  }
0xc2: {  	_ =	task.clear_ibuf [dreg:s6], $0x2FFFF;
	_ =	strace $0x9FFFFFFF  }
0xc3: {  	(tm) =	ssettm $0x7FFFFFFF  }
tec
execute0_lowered:
.L_overlay_start_1:
0x0: {  	(tag) =	ssettag $0x1  }
0x1: {  	s0 =	rddreg [dreg:$0x0]  }
0x2: {  	s1 =	rddreg [dreg:$0x1]  }
0x3: {  	s3 =	rddreg [dreg:$0x2]  }
0x4: {  	s4 =	simm.s32 $0x0;
	s2 =	srdreg.scid;
	s16 =	stileid.u32  }
0x5: {  	s28 =	simm.s32 $0x0;
	[smem:$0x7FF] =	sst s4;
	s2 =	sand.u32 $0x1, s2  }
0x6: {  	s9 =	smul.u32 $0x271, s16;
	s5 =	sadd.s32 $0x19800, s0;
	s6 =	sadd.s32 $0x5E00, s0  }
0x7: {  	s7 =	sadd.s32 $0x37000, s0;
	s8 =	sadd.s32 $0x2D200, s0;
	s13 =	smul.u32 $0x9C40, s16  }
0x8: {  	s17 =	sshll.u32 s16, $0x1;
	s31 =	smul.u32 $0x4E20, s16;
	_ =	strace $0x8000004A  }
0x9: {  	s11 =	smul.u32 $0x2710, s2;
	s10 =	ssub.s32 $0x2, s2;
	s2 =	sor.u32 s2, s17  }
0xa: {  	s12 =	sshrl.u32 s10, $0x1;
	s23 =	sadd.s32 s13, s1;
	s14 =	sadd.s32 $0x2000, s13  }
0xb: {  	s18 =	sadd.s32 s13, s3;
	s15 =	sadd.s32 $0x4000, s13;
	s22 =	sadd.s32 $0x6000, s13  }
0xc: {  	s2 =	smul.u32 $0x2710, s2;
	[dreg:$0x4] =	wrdreg s18;
	s19 =	sadd.s32 s14, s1  }
0xd: {  	s13 =	sadd.s32 $0x8000, s13;
	s20 =	sadd.s32 s14, s3;
	[dreg:$0x5] =	wrdreg s19  }
0xe: {  	s9 =	sadd.s32 s9, s11;
	s21 =	sadd.s32 s15, s1;
	[dreg:$0x6] =	wrdreg s20  }
0xf: {  	s12 =	ssub.s32 s10, s12;
	s24 =	sadd.s32 s15, s3;
	[dreg:$0x7] =	wrdreg s21  }
0x10: {  	s25 =	sadd.s32 s22, s1;
	s26 =	sadd.s32 s22, s3;
	[dreg:$0x8] =	wrdreg s24  }
0x11: {  	s10 =	sadd.s32 s13, s1;
	s15 =	sadd.s32 s13, s3;
	[dreg:$0x9] =	wrdreg s25  }
0x12: {  	s11 =	sadd.s32 s11, s31;
	s13 =	simm.s32 $0x200;
	[dreg:$0xa] =	wrdreg s26  }
0x13: {  	s14 =	simm.s32 $0x4200;
	s9 =	sshll.u32 s9, $0x3;
	[dreg:$0xb] =	wrdreg s10  }
0x14: {  	[dreg:$0xc] =	wrdreg s15;
	s2 =	sshrl.u32 s2, $0x3;
	s22 =	sadd.s32 $0x180, s11  }
0x15: {  	s26 =	smax.u32 s12, $0x1;
	s31 =	sadd.s32 $0x100, s11;
	s11 =	simm.s32 $0x100  }
0x16: {  	s12 =	simm.s32 $0x80;
	s15 =	simm.s32 $0x180;
	[dreg:$0x15] =	wrdreg s26  }
0x17: {  	s0 =	sadd.s32 s9, s0;
	s16 =	sadd.s32 s7, s2;
	[dreg:$0x16] =	wrdreg s31  }
0x18: {  	s17 =	sadd.s32 $0x10, s2;
	s18 =	sadd.s32 s8, s2;
	[dreg:$0xd] =	wrdreg s16  }
0x19: {  	s2 =	sadd.s32 $0x4E0, s2;
	s24 =	sshrl.u32 s22, $0x3;
	[dreg:$0xe] =	wrdreg s18  }
0x1a: {  	s19 =	sadd.s32 s7, s17;
	s20 =	sadd.s32 s8, s17;
	s21 =	sadd.s32 s7, s2  }
0x1b: {  	s2 =	sadd.s32 s8, s2;
	s25 =	sadd.s32 $0x40E00, s0;
	[dreg:$0xf] =	wrdreg s19  }
0x1c: {  	s0 =	sadd.s32 $0x68000, s0;
	s29 =	sadd.s32 s24, s8;
	[dreg:$0x10] =	wrdreg s20  }
.Ltmp0:
0x1d: {  	s30 =	sadd.s32 s24, s7;
	[dreg:$0x11] =	wrdreg s21;
	(pc) =	sbr.rel .LBB2_1-.Ltmp0, $4  }
0x1e: {  	s16 =	simm.s32 $0x2200;
	s17 =	simm.s32 $0x6200;
	[dreg:$0x12] =	wrdreg s2  }
0x1f: {  	s18 =	simm.s32 $0x1;
	s24 =	simm.s32 $0x10;
	[dreg:$0x13] =	wrdreg s25  }
0x20: {  	[dreg:$0x14] =	wrdreg s0;
	s0 =	simm.s32 $0x8A20;
	s2 =	simm.s32 $0x5  }
0x21: {  	v0 =	vimm.f32 $0.0e+00;
	s19 =	simm.s32 $0x3;
	s20 =	simm.s32 $0x2;
	s21 =	simm.s32 $0x4  }
.LBB2_6:
0x22: {  	s9 =	rddreg [dreg:$0x11];
	s22 =	simm.s32 $0x8200  }
0x23: {  	[tilespmem:s22], [sflag:$0x5] =	stream.linear.gather [hbm4b:s9+s4], $0x10, $0x38;
	[tilespmem:$0x1E2A0] =	vst v63  }
0x24: {  	_ =	swait.ge [sflag:s2], $0x10  }
0x25: {  	[sflag:s2] =	ssyncset.done $0x0  }
0x26: {  	s23 =	simm.s32 $0x8210;
	s26 =	rddreg [dreg:$0x12];
	[sflag:s2] =	ssyncadd.s32 $0xFFFFFFF0  }
0x27: {  	[tilespmem:s23], [sflag:$0x5] =	stream.linear.gather [hbm4b:s26+s4], $0x10, $0x38;
	[tilespmem:$0x1E2A0] =	vst v63  }
0x28: {  	_ =	swait.ge [sflag:s2], $0x10  }
0x29: {  	[sflag:s2] =	ssyncset.done $0x0  }
0x2a: {  	s31 =	simm.s32 $0x8220;
	[sflag:s2] =	ssyncadd.s32 $0xFFFFFFF0  }
0x2b: {  	[tilespmem:s31], [sflag:$0x1] =	stream.indirect.gather [hbm4b:s5+s24], $0x40, s22, s24, $0xb8;
	[tilespmem:$0x1E2A0] =	vst v63  }
0x2c: {  	s25 =	simm.s32 $0x8620  }
0x2d: {  	[tilespmem:s25], [sflag:$0x3] =	stream.indirect.gather [hbm4b:s6+s24], $0x40, s22, s24, $0xb8;
	[tilespmem:$0x1E2A0] =	vst v63  }
0x2e: {  	_ =	swait.ge [sflag:s18], $0x400  }
0x2f: {  	[sflag:s18] =	ssyncset.done $0x0  }
0x30: {  	[sflag:s18] =	ssyncadd.s32 $0xFFFFFC00  }
0x31: {  	_ =	swait.ge [sflag:s19], $0x400  }
0x32: {  	[sflag:s19] =	ssyncset.done $0x0  }
0x33: {  	[sflag:s19] =	ssyncadd.s32 $0xFFFFFC00  }
0x34: {  	[spmem:s1] =	stream.indirect.scatter.add.f32 [tilespmem:s31], [sflag:$0x5], $0x40, s23, s24, $0xb8;
	[tilespmem:$0x1E2A0] =	vst v63  }
0x35: {  	_ =	swait.ge [sflag:s2], $0x400  }
0x36: {  	[sflag:s2] =	ssyncset.done $0x0  }
0x37: {  	[sflag:s2] =	ssyncadd.s32 $0xFFFFFC00  }
0x38: {  	[spmem:s3] =	stream.indirect.scatter.add.f32 [tilespmem:s25], [sflag:$0x5], $0x40, s23, s24, $0xb8;
	[tilespmem:$0x1E2A0] =	vst v63  }
0x39: {  	_ =	swait.ge [sflag:s2], $0x400  }
0x3a: {  	[sflag:s2] =	ssyncset.done $0x0  }
0x3b: {  	s25 =	stileid.u32;
	[sflag:s2] =	ssyncadd.s32 $0xFFFFFC00  }
0x3c: {  	s9 =	sshll.u32 s25, $0x6;
	[bflag:$0x0] =	sbarrier.arrive $0xFFFF  }
0x3d: {  	s26 =	sshrl.u32 s10, $0x3;
	s9 =	sor.u32 $0x1C05, s9;
	s31 =	rddreg [dreg:$0x13]  }
0x3e: {  	[hbm:s31], [sflag:s9] =	dma.local [spmem:s26], $0x1388  }
0x3f: {  	_ =	swait.ge [sflag:s2], $0x1388  }
0x40: {  	[sflag:s2] =	ssyncset.done $0x0;
	s22 =	rddreg [dreg:$0x4]  }
0x41: {  	s26 =	rddreg [dreg:$0x14];
	[sflag:s2] =	ssyncadd.s32 $0xFFFFEC78;
	s25 =	sshrl.u32 s22, $0x3  }
0x42: {  	[hbm:s26], [sflag:s9] =	dma.local [spmem:s25], $0x1388  }
0x43: {  	_ =	swait.ge [sflag:s2], $0x1388  }
0x44: {  	s28 =	sadd.s32 $0x1, s28;
	s31 =	rddreg [dreg:$0x15]  }
0x45: {  	p0 =	sne.s32 s28, s31  }
.Ltmp1:
0x46: {  	_ = 	snop;
	(pc) =	sbr.rel @!p0 .LBB2_7-.Ltmp1, $3  }
0x47: {  	_ =	sdelay $0x1  }
0x48: {  	[sflag:s2] =	ssyncset.done $0x0  }
0x49: {  	s23 =	smov.u32 s10;
	[sflag:s2] =	ssyncadd.s32 $0xFFFFEC78  }
.LBB2_1:
0x4a: {  	s31 =	simm.s32 $0x100;
	s25 =	simm.s32 $0x0  }
.LBB2_2:
0x4b: {  	p0 =	sne.s32 s31, $0x7F00;
	[tilespmem:s25+$0x8A50] =	vst v0;
	s26 =	smov.u32 s31;
	s31 =	sadd.s32 $0x100, s31  }
.Ltmp2:
0x4c: {  	[tilespmem:s25+$0x8A40] =	vst v0;
	(pc) =	sbr.rel @p0 .LBB2_2-.Ltmp2, $3  }
0x4d: {  	[tilespmem:s25+$0x8A20] =	vst v0  }
0x4e: {  	[tilespmem:s25+$0x8A30] =	vst v0;
	_ =	sdelay $0x1  }
0x4f: {  	s25 =	sshra.s32 s26, $0x2  }
0x50: {  	[tilespmem:s25+$0x8A50] =	vst v0  }
0x51: {  	[tilespmem:s25+$0x8A40] =	vst v0  }
0x52: {  	[tilespmem:s25+$0x8A20] =	vst v0  }
0x53: {  	[tilespmem:s25+$0x8A30] =	vst v0  }
0x54: {  	[spmem:s23] =	stream.linear.scatter [tilespmem:s0], [sflag:$0x5], $0x2000, $0x38;
	[tilespmem:$0x1E2A0] =	vst v63  }
0x55: {  	_ =	swait.ge [sflag:s2], $0x2000  }
0x56: {  	[sflag:s2] =	ssyncset.done $0x0  }
0x57: {  	s9 =	rddreg [dreg:$0x4];
	[sflag:s2] =	ssyncadd.s32 $0xFFFFE000  }
0x58: {  	[spmem:s9] =	stream.linear.scatter [tilespmem:s0], [sflag:$0x5], $0x2000, $0x38;
	[tilespmem:$0x1E2A0] =	vst v63  }
0x59: {  	_ =	swait.ge [sflag:s2], $0x2000  }
0x5a: {  	[sflag:s2] =	ssyncset.done $0x0  }
0x5b: {  	s22 =	rddreg [dreg:$0x5];
	[sflag:s2] =	ssyncadd.s32 $0xFFFFE000  }
0x5c: {  	[spmem:s22] =	stream.linear.scatter [tilespmem:s0], [sflag:$0x5], $0x2000, $0x38;
	[tilespmem:$0x1E2A0] =	vst v63  }
0x5d: {  	_ =	swait.ge [sflag:s2], $0x2000  }
0x5e: {  	[sflag:s2] =	ssyncset.done $0x0  }
0x5f: {  	s10 =	smov.u32 s23;
	s23 =	rddreg [dreg:$0x6];
	[sflag:s2] =	ssyncadd.s32 $0xFFFFE000  }
0x60: {  	[spmem:s23] =	stream.linear.scatter [tilespmem:s0], [sflag:$0x5], $0x2000, $0x38;
	[tilespmem:$0x1E2A0] =	vst v63  }
0x61: {  	_ =	swait.ge [sflag:s2], $0x2000  }
0x62: {  	[sflag:s2] =	ssyncset.done $0x0  }
0x63: {  	s25 =	rddreg [dreg:$0x7];
	[sflag:s2] =	ssyncadd.s32 $0xFFFFE000  }
0x64: {  	[spmem:s25] =	stream.linear.scatter [tilespmem:s0], [sflag:$0x5], $0x2000, $0x38;
	[tilespmem:$0x1E2A0] =	vst v63  }
0x65: {  	_ =	swait.ge [sflag:s2], $0x2000  }
0x66: {  	[sflag:s2] =	ssyncset.done $0x0  }
0x67: {  	s26 =	rddreg [dreg:$0x8];
	[sflag:s2] =	ssyncadd.s32 $0xFFFFE000  }
0x68: {  	[spmem:s26] =	stream.linear.scatter [tilespmem:s0], [sflag:$0x5], $0x2000, $0x38;
	[tilespmem:$0x1E2A0] =	vst v63  }
0x69: {  	_ =	swait.ge [sflag:s2], $0x2000  }
0x6a: {  	[sflag:s2] =	ssyncset.done $0x0  }
0x6b: {  	s22 =	rddreg [dreg:$0x9];
	[sflag:s2] =	ssyncadd.s32 $0xFFFFE000  }
0x6c: {  	[spmem:s22] =	stream.linear.scatter [tilespmem:s0], [sflag:$0x5], $0x2000, $0x38;
	[tilespmem:$0x1E2A0] =	vst v63  }
0x6d: {  	_ =	swait.ge [sflag:s2], $0x2000  }
0x6e: {  	[sflag:s2] =	ssyncset.done $0x0  }
0x6f: {  	s23 =	rddreg [dreg:$0xa];
	[sflag:s2] =	ssyncadd.s32 $0xFFFFE000  }
0x70: {  	[spmem:s23] =	stream.linear.scatter [tilespmem:s0], [sflag:$0x5], $0x2000, $0x38;
	[tilespmem:$0x1E2A0] =	vst v63  }
0x71: {  	_ =	swait.ge [sflag:s2], $0x2000  }
0x72: {  	[sflag:s2] =	ssyncset.done $0x0  }
0x73: {  	s25 =	rddreg [dreg:$0xb];
	[sflag:s2] =	ssyncadd.s32 $0xFFFFE000  }
0x74: {  	[spmem:s25] =	stream.linear.scatter [tilespmem:s0], [sflag:$0x5], $0x1C40, $0x38;
	[tilespmem:$0x1E2A0] =	vst v63  }
0x75: {  	_ =	swait.ge [sflag:s2], $0x1C40  }
0x76: {  	[sflag:s2] =	ssyncset.done $0x0  }
0x77: {  	s26 =	rddreg [dreg:$0xc];
	[sflag:s2] =	ssyncadd.s32 $0xFFFFE3C0  }
0x78: {  	[spmem:s26] =	stream.linear.scatter [tilespmem:s0], [sflag:$0x5], $0x1C40, $0x38;
	[tilespmem:$0x1E2A0] =	vst v63  }
0x79: {  	_ =	swait.ge [sflag:s2], $0x1C40  }
0x7a: {  	[sflag:s2] =	ssyncset.done $0x0  }
0x7b: {  	[sflag:s2] =	ssyncadd.s32 $0xFFFFE3C0  }
0x7c: {  	[bflag:$0x0] =	sbarrier.arrive $0xFFFF  }
0x7d: {  	s31 =	simm.s32 $0x0;
	s22 =	rddreg [dreg:$0xd]  }
0x7e: {  	[tilespmem:s31], [sflag:$0x5] =	stream.linear.gather [hbm4b:s22+s31], $0x80, $0x38;
	[tilespmem:$0x1E2A0] =	vst v63  }
0x7f: {  	_ =	swait.ge [sflag:s2], $0x80  }
0x80: {  	[sflag:s2] =	ssyncset.done $0x0  }
0x81: {  	s23 =	rddreg [dreg:$0xe];
	[sflag:s2] =	ssyncadd.s32 $0xFFFFFF80  }
0x82: {  	[tilespmem:s11], [sflag:$0x5] =	stream.linear.gather [hbm4b:s23+s31], $0x80, $0x38;
	[tilespmem:$0x1E2A0] =	vst v63  }
0x83: {  	_ =	swait.ge [sflag:s2], $0x80  }
0x84: {  	[sflag:s2] =	ssyncset.done $0x0  }
0x85: {  	[sflag:s2] =	ssyncadd.s32 $0xFFFFFF80  }
0x86: {  	[tilespmem:s13], [sflag:$0x1] =	stream.indirect.gather [hbm4b:s5+s12], $0x40, s31, s12, $0xb8;
	[tilespmem:$0x1E2A0] =	vst v63  }
0x87: {  	_ = 	snop  }
0x88: {  	[tilespmem:s14], [sflag:$0x3] =	stream.indirect.gather [hbm4b:s6+s12], $0x40, s31, s12, $0xb8;
	[tilespmem:$0x1E2A0] =	vst v63  }
0x89: {  	s25 =	rddreg [dreg:$0xf]  }
0x8a: {  	[tilespmem:s12], [sflag:$0x5] =	stream.linear.gather [hbm4b:s25+s31], $0x80, $0x38;
	[tilespmem:$0x1E2A0] =	vst v63  }
0x8b: {  	_ =	swait.ge [sflag:s2], $0x80  }
0x8c: {  	[sflag:s2] =	ssyncset.done $0x0  }
0x8d: {  	s26 =	rddreg [dreg:$0x10];
	[sflag:s2] =	ssyncadd.s32 $0xFFFFFF80  }
0x8e: {  	[tilespmem:s15], [sflag:$0x5] =	stream.linear.gather [hbm4b:s26+s31], $0x80, $0x38;
	[tilespmem:$0x1E2A0] =	vst v63  }
0x8f: {  	_ =	swait.ge [sflag:s2], $0x80  }
0x90: {  	[sflag:s2] =	ssyncset.done $0x0  }
0x91: {  	[sflag:s2] =	ssyncadd.s32 $0xFFFFFF80  }
0x92: {  	[tilespmem:s16], [sflag:$0x2] =	stream.indirect.gather [hbm4b:s5+s12], $0x40, s12, s12, $0xb8;
	[tilespmem:$0x1E2A0] =	vst v63  }
0x93: {  	s25 =	rddreg [dreg:$0x16]  }
0x94: {  	[tilespmem:s17], [sflag:$0x4] =	stream.indirect.gather [hbm4b:s6+s12], $0x40, s12, s12, $0xb8;
	[tilespmem:$0x1E2A0] =	vst v63  }
.LBB2_4:
0x95: {  	_ =	swait.ge [sflag:s18], $0x2000  }
0x96: {  	[sflag:s18] =	ssyncset.done $0x0  }
0x97: {  	[sflag:s18] =	ssyncadd.s32 $0xFFFFE000  }
0x98: {  	_ =	swait.ge [sflag:s19], $0x2000  }
0x99: {  	[sflag:s19] =	ssyncset.done $0x0  }
0x9a: {  	[sflag:s19] =	ssyncadd.s32 $0xFFFFE000  }
0x9b: {  	[spmem:s1] =	stream.indirect.scatter.add.f32 [tilespmem:s13], [sflag:$0x5], $0x40, s11, s12, $0xb8;
	[tilespmem:$0x1E2A0] =	vst v63  }
0x9c: {  	_ =	swait.ge [sflag:s2], $0x2000  }
0x9d: {  	[sflag:s2] =	ssyncset.done $0x0  }
0x9e: {  	[sflag:s2] =	ssyncadd.s32 $0xFFFFE000  }
0x9f: {  	[spmem:s3] =	stream.indirect.scatter.add.f32 [tilespmem:s14], [sflag:$0x5], $0x40, s11, s12, $0xb8;
	[tilespmem:$0x1E2A0] =	vst v63  }
0xa0: {  	p0 =	seq.s32 s31, $0x4C0;
	_ =	swait.ge [sflag:s2], $0x2000  }
0xa1: {  	s26 =	sshrl.u32 @!p0 s25, $0x3;
	[sflag:s2] =	ssyncset.done $0x0  }
0xa2: {  	s23 =	simm.s32 @!p0 $0x0;
	s22 =	sadd.s32 @!p0 s7, s26;
	[sflag:s2] =	ssyncadd.s32 $0xFFFFE000  }
0xa3: {  	[tilespmem:s23], [sflag:$0x5] =	stream.linear.gather @!p0 [hbm4b:s22+s23], $0x80, $0x38;
	[tilespmem:$0x1E2A0] =	vst v63  }
0xa4: {  	s22 =	simm.s32 @!p0 $0x5  }
0xa5: {  	_ =	swait.ge @!p0 [sflag:s22], $0x80  }
0xa6: {  	[sflag:s22] =	ssyncset.done @!p0 $0x0  }
0xa7: {  	s9 =	simm.s32 @!p0 $0x100;
	s26 =	sadd.s32 @!p0 s8, s26;
	[sflag:s22] =	ssyncadd.s32 @!p0 $0xFFFFFF80  }
0xa8: {  	[tilespmem:s9], [sflag:$0x5] =	stream.linear.gather @!p0 [hbm4b:s26+s23], $0x80, $0x38;
	[tilespmem:$0x1E2A0] =	vst v63  }
0xa9: {  	_ =	swait.ge @!p0 [sflag:s22], $0x80  }
0xaa: {  	[sflag:s22] =	ssyncset.done @!p0 $0x0  }
0xab: {  	s9 =	simm.s32 @!p0 $0x80;
	[sflag:s22] =	ssyncadd.s32 @!p0 $0xFFFFFF80;
	s22 =	simm.s32 @!p0 $0x200  }
0xac: {  	[tilespmem:s22], [sflag:$0x1] =	stream.indirect.gather @!p0 [hbm4b:s5+s9], $0x40, s23, s9, $0xb8;
	[tilespmem:$0x1E2A0] =	vst v63  }
0xad: {  	s22 =	simm.s32 @!p0 $0x4200  }
0xae: {  	[tilespmem:s22], [sflag:$0x3] =	stream.indirect.gather @!p0 [hbm4b:s6+s9], $0x40, s23, s9, $0xb8;
	[tilespmem:$0x1E2A0] =	vst v63  }
0xaf: {  	_ =	swait.ge [sflag:s20], $0x2000  }
0xb0: {  	[sflag:s20] =	ssyncset.done $0x0  }
0xb1: {  	[sflag:s20] =	ssyncadd.s32 $0xFFFFE000  }
0xb2: {  	_ =	swait.ge [sflag:s21], $0x2000  }
0xb3: {  	[sflag:s21] =	ssyncset.done $0x0  }
0xb4: {  	[sflag:s21] =	ssyncadd.s32 $0xFFFFE000  }
0xb5: {  	[spmem:s1] =	stream.indirect.scatter.add.f32 [tilespmem:s16], [sflag:$0x5], $0x40, s15, s12, $0xb8;
	[tilespmem:$0x1E2A0] =	vst v63  }
0xb6: {  	_ =	swait.ge [sflag:s2], $0x2000  }
0xb7: {  	[sflag:s2] =	ssyncset.done $0x0  }
.Ltmp3:
0xb8: {  	[sflag:s2] =	ssyncadd.s32 $0xFFFFE000;
	(pc) =	sbr.rel @p0 .LBB2_6-.Ltmp3, $4  }
0xb9: {  	[spmem:s3] =	stream.indirect.scatter.add.f32 [tilespmem:s17], [sflag:$0x5], $0x40, s15, s12, $0xb8;
	[tilespmem:$0x1E2A0] =	vst v63  }
0xba: {  	_ =	swait.ge [sflag:s2], $0x2000  }
0xbb: {  	[sflag:s2] =	ssyncset.done $0x0  }
0xbc: {  	[sflag:s2] =	ssyncadd.s32 $0xFFFFE000  }
0xbd: {  	s9 =	sadd.s32 s31, s30  }
0xbe: {  	[tilespmem:s12], [sflag:$0x5] =	stream.linear.gather [hbm4b:s9+s4], $0x80, $0x38;
	[tilespmem:$0x1E2A0] =	vst v63  }
0xbf: {  	_ =	swait.ge [sflag:s2], $0x80  }
0xc0: {  	[sflag:s2] =	ssyncset.done $0x0  }
0xc1: {  	s26 =	sadd.s32 s31, s29;
	[sflag:s2] =	ssyncadd.s32 $0xFFFFFF80  }
0xc2: {  	[tilespmem:s15], [sflag:$0x5] =	stream.linear.gather [hbm4b:s26+s4], $0x80, $0x38;
	[tilespmem:$0x1E2A0] =	vst v63  }
0xc3: {  	_ =	swait.ge [sflag:s2], $0x80  }
.Ltmp4:
0xc4: {  	[sflag:s2] =	ssyncset.done $0x0;
	(pc) =	sbr.rel .LBB2_4-.Ltmp4, $4  }
0xc5: {  	[sflag:s2] =	ssyncadd.s32 $0xFFFFFF80  }
0xc6: {  	[tilespmem:s16], [sflag:$0x2] =	stream.indirect.gather [hbm4b:s5+s12], $0x40, s12, s12, $0xb8;
	[tilespmem:$0x1E2A0] =	vst v63  }
0xc7: {  	s31 =	sadd.s32 $0x20, s31;
	s25 =	sadd.s32 $0x100, s25  }
0xc8: {  	[tilespmem:s17], [sflag:$0x4] =	stream.indirect.gather [hbm4b:s6+s12], $0x40, s12, s12, $0xb8;
	[tilespmem:$0x1E2A0] =	vst v63  }
.LBB2_7:
0xc9: {  	_ =	sfence.sel $0x180000  }
0xca: {  	[bflag:$0x0] =	sbarrier.arrive $0xFFFF  }
0xcb: {  	_ =	strace $0x9000004A  }
0xcc: {  	s0 =	stileid.u32;
	[bflag:$0x2] =	sbarrier.arrive $0xFFFF  }
0xcd: {  	p0 =	sne.s32 s0, $0x0;
	s0 =	rddreg [dreg:$0x3]  }
0xce: {  	s0 =	sadd.s32 @!p0 $0x100000, s0  }
0xcf: {  	[sflag:s0] =	ssyncadd.tile.s32 @!p0 $0x1;
	_ =	shalt  }
.Lfunc_end2:
_tile_overlayer_lowered:
.L_overlay_start_2:
0xd0: {  	(tag) =	ssettag $0x2  }
0xd1: {  	s0 =	rddreg [dreg:$0x0];
	s2 =	stileid.u32  }
0xd2: {  	s1 =	rddreg [dreg:$0x1];
	p0 =	sne.s32 s2, $0x0  }
0xd3: {  	s3 =	rddreg [dreg:$0x2];
	[bflag:$0x3] =	sbarrier.arrive $0xFFFF;
	s2 =	simm.s32 @!p0 $0x1C05  }
0xd4: {  	[timem:s3], [sflag:s2] =	dma.local @!p0 [hbm:s0], s1  }
0xd5: {  	s0 =	simm.s32 @!p0 $0x5  }
0xd6: {  	_ =	swait.ge @!p0 [sflag:s0], s1  }
0xd7: {  	s1 =	ssub.s32 @!p0 $0x0, s1;
	[sflag:s0] =	ssyncset.done @!p0 $0x0  }
0xd8: {  	[sflag:s0] =	ssyncadd.s32 @!p0 s1  }
0xd9: {  	[bflag:$0x3] =	sbarrier.arrive $0xFFFF  }
0xda: {  	_ =	shalt  }

// kernel: kernel.14.cloned.1.call-start
scs
__scs_entry_jumppad:
0x0: {  	(pc) =	sbr.rel $0x88, $3  }
0x1: {  	(tag) =	ssettag $0x0;
	lr =	simm.s32 $0x1  }
0x2: {  	[smem:$0x3F91] =	sst lr;
	_ =	strace $0xD0000000  }
0x3: {  	_ = 	snop  }
0x4: {  	_ = 	snop  }
0x5: {  	_ = 	snop  }
0x6: {  	_ = 	snop  }
0x7: {  	_ = 	snop  }
__scs_overlays_trampoline_lowered:
0x8: {  	[smem:$0x3FA0] =	sst s0  }
0x9: {  	[smem:$0x3FA1] =	sst s1  }
0xa: {  	[smem:$0x3FA2] =	sst s2  }
0xb: {  	[smem:$0x3FA3] =	sst s3  }
0xc: {  	[smem:$0x3FA4] =	sst s4  }
0xd: {  	[smem:$0x3FA5] =	sst s5  }
0xe: {  	[smem:$0x3FA6] =	sst s6  }
0xf: {  	[smem:$0x3FA7] =	sst s7  }
0x10: {  	[smem:$0x3FA8] =	sst s8  }
0x11: {  	[smem:$0x3FA9] =	sst s9;
	s0 =	simm.s32 @!p0 $0x0  }
0x12: {  	s1 =	sld [smem:$0x3F8F];
	s0 =	simm.s32 @p0 $0x1  }
0x13: {  	[smem:$0x3FAA] =	sst s0;
	s0 =	simm.s32 @!p1 $0x0  }
0x14: {  	s2 =	sld [smem:$0x3F8E];
	s0 =	simm.s32 @p1 $0x1  }
0x15: {  	[smem:$0x3FAB] =	sst s0;
	s0 =	simm.s32 @!p2 $0x0  }
0x16: {  	s3 =	sld [smem:$0x3FDB];
	s0 =	simm.s32 @p2 $0x1  }
0x17: {  	s4 =	simm.s32 $0x1BF5;
	[smem:$0x3FAD] =	sst s0  }
0x18: {  	s0 =	sld [smem:$0x3F90];
	_ =	swait.ge [sflag:s4], $0x0  }
0x19: {  	s7 =	sld [smem:$0x3F91]  }
0x1a: {  	s8 =	sadd.s32 $0xFFFFE003, lr  }
0x1b: {  	s9 =	sadd.s32 $0xFFFFFEF7, lr;
	s5 =	simm.s32 $0xFFFFFFFF;
	p2 =	slt.u32 s8, $0xFFFFF086  }
0x1c: {  	p1 =	slt.u32 s9, $0xF7A;
	s5 =	simm.s32 @!p2 $0x0  }
0x1d: {  	s5 =	simm.s32 @p1 $0x1;
	p0 =	seq.s32 s7, s2  }
0x1e: {  	s7 =	smul.u32 @!p0 $0xF7A, s2;
	p2 =	seq.s32 @!p0 s5, $0x0  }
0x1f: {  	s9 =	smul.u32 $0xF7A, s1;
	s8 =	simm.s32 @!p0 $0x1BF5;
	p2 =	por !p2, p0  }
0x20: {  	[sflag:s8] =	ssyncset.s32 @!p0 $0xFFFFF086;
	s6 =	sadd.s32 @!p0 s3, s7;
	s7 =	simm.s32 @!p0 $0x108  }
0x21: {  	s3 =	sadd.s32 s3, s9;
	s6 =	sadd.s32 @!p0 $0x88, s6;
	s7 =	simm.s32 @p2 $0x1082  }
0x22: {  	[simem:s7], [sflag:s8] =	dma.local @!p0 [hbm:s6], $0xF7A  }
0x23: {  	s9 =	sor.u32 $0xD0000000, s2;
	s6 =	simm.s32 $0x108;
	_ =	swait.ge @!p0 [sflag:s8], $0x0  }
0x24: {  	s3 =	sadd.s32 $0x88, s3;
	s6 =	simm.s32 @!p1 $0x1082;
	[sflag:s4] =	ssyncset.s32 $0xFFFFF086  }
0x25: {  	[simem:s6], [sflag:s4] =	dma.local [hbm:s3], $0xF7A  }
0x26: {  	[smem:$0x3F91] =	sst s1;
	(tag) =	ssettag s2;
	_ =	strace s9  }
0x27: {  	s1 =	sld [smem:$0x3FA1]  }
0x28: {  	s2 =	sld [smem:$0x3FA2]  }
0x29: {  	s4 =	sld [smem:$0x3FA4]  }
0x2a: {  	p0 =	seq.s32 s5, $0x0;
	s5 =	sld [smem:$0x3FA5]  }
0x2b: {  	s6 =	sld [smem:$0x3FA6]  }
0x2c: {  	s7 =	sld [smem:$0x3FA7]  }
0x2d: {  	s3 =	simm.s32 $0x108;
	s8 =	sld [smem:$0x3FA8]  }
0x2e: {  	s3 =	simm.s32 @!p0 $0x1082;
	s9 =	sld [smem:$0x3FA9]  }
0x2f: {  	lr =	sadd.s32 s0, s3;
	s0 =	sld [smem:$0x3FA0]  }
0x30: {  	s3 =	sld [smem:$0x3FA3]  }
0x31: {  	[smem:$0x3FAC] =	sst s10  }
0x32: {  	s10 =	sld [smem:$0x3FAA];
	_ =	sdelay $0x3  }
0x33: {  	p0 =	seq.s32 s10, $0x1;
	s10 =	sld [smem:$0x3FAC];
	_ =	sdelay $0x3  }
0x34: {  	[smem:$0x3FAC] =	sst s10  }
0x35: {  	s10 =	sld [smem:$0x3FAB];
	_ =	sdelay $0x3  }
0x36: {  	p1 =	seq.s32 s10, $0x1;
	s10 =	sld [smem:$0x3FAC];
	_ =	sdelay $0x3  }
0x37: {  	[smem:$0x3FAC] =	sst s10  }
0x38: {  	s10 =	sld [smem:$0x3FAD]  }
0x39: {  	_ = 	snop;
	(pc) =	sbr.ind lr, $3  }
0x3a: {  	_ = 	snop  }
0x3b: {  	_ = 	snop  }
0x3c: {  	p2 =	seq.s32 s10, $0x1;
	s10 =	sld [smem:$0x3FAC]  }
0x3d: {  	_ =	shalt  }
0x3e: {  	_ =	shalt  }
0x3f: {  	_ =	shalt  }
0x40: {  	_ =	shalt  }
0x41: {  	_ =	shalt  }
0x42: {  	_ =	shalt  }
0x43: {  	_ =	shalt  }
0x44: {  	_ =	shalt  }
0x45: {  	_ =	shalt  }
0x46: {  	_ =	shalt  }
0x47: {  	_ =	shalt  }
0x48: {  	_ =	shalt  }
0x49: {  	_ =	shalt  }
0x4a: {  	_ =	shalt  }
0x4b: {  	_ =	shalt  }
0x4c: {  	_ =	shalt  }
0x4d: {  	_ =	shalt  }
0x4e: {  	_ =	shalt  }
0x4f: {  	_ =	shalt  }
0x50: {  	_ =	shalt  }
0x51: {  	_ =	shalt  }
0x52: {  	_ =	shalt  }
0x53: {  	_ =	shalt  }
0x54: {  	_ =	shalt  }
0x55: {  	_ =	shalt  }
0x56: {  	_ =	shalt  }
0x57: {  	_ =	shalt  }
0x58: {  	_ =	shalt  }
0x59: {  	_ =	shalt  }
0x5a: {  	_ =	shalt  }
0x5b: {  	_ =	shalt  }
0x5c: {  	_ =	shalt  }
0x5d: {  	_ =	shalt  }
0x5e: {  	_ =	shalt  }
0x5f: {  	_ =	shalt  }
0x60: {  	_ =	shalt  }
0x61: {  	_ =	shalt  }
0x62: {  	_ =	shalt  }
0x63: {  	_ =	shalt  }
0x64: {  	_ =	shalt  }
0x65: {  	_ =	shalt  }
0x66: {  	_ =	shalt  }
0x67: {  	_ =	shalt  }
0x68: {  	_ =	shalt  }
0x69: {  	_ =	shalt  }
0x6a: {  	_ =	shalt  }
0x6b: {  	_ =	shalt  }
0x6c: {  	_ =	shalt  }
0x6d: {  	_ =	shalt  }
0x6e: {  	_ =	shalt  }
0x6f: {  	_ =	shalt  }
0x70: {  	_ =	shalt  }
0x71: {  	_ =	shalt  }
0x72: {  	_ =	shalt  }
0x73: {  	_ =	shalt  }
0x74: {  	_ =	shalt  }
0x75: {  	_ =	shalt  }
0x76: {  	_ =	shalt  }
0x77: {  	_ =	shalt  }
0x78: {  	_ =	shalt  }
0x79: {  	_ =	shalt  }
0x7a: {  	_ =	shalt  }
0x7b: {  	_ =	shalt  }
0x7c: {  	_ =	shalt  }
0x7d: {  	_ =	shalt  }
0x7e: {  	_ =	shalt  }
0x7f: {  	_ =	shalt  }
0x80: {  	_ =	shalt  }
0x81: {  	_ =	shalt  }
0x82: {  	_ =	shalt  }
0x83: {  	_ =	shalt  }
0x84: {  	_ =	shalt  }
0x85: {  	_ =	shalt  }
0x86: {  	_ =	shalt  }
0x87: {  	_ =	shalt  }
.Lfunc_end0:
.L_simem_size_0:
called_computation.2_lowered:
.L_overlay_start_0:
0x88: {  	s2 =	sld [smem:$0x3FD9]  }
0x89: {  	s3 =	sld [smem:$0x3FFE];
	_ =	sdelay $0x1  }
0x8a: {  	s1 =	srdreg.scid  }
0x8b: {  	s0 =	sand.u32 $0x1, s1  }
0x8c: {  	s16 =	sshll.u32 s0, $0xA;
	s2 =	sadd.s32 s3, s2  }
0x8d: {  	s2 =	sadd.s32 s2, s16  }
0x8e: {  	[smem:$0x3FB8] =	sst s2  }
0x8f: {  	_ = 	snop  }
0x90: {  	(tm) =	ssettm $0x1  }
0x91: {  	s17 =	sld [smem:$0x3FFB];
	_ =	sdelay $0x3  }
0x92: {  	_ =	strace s17  }
0x93: {  	s2 =	sld [smem:$0x3FFC];
	_ =	sdelay $0x3  }
0x94: {  	_ =	strace s2  }
0x95: {  	s2 =	sld [smem:$0x3FFD];
	_ =	sdelay $0x3  }
0x96: {  	_ =	strace s2  }
0x97: {  	_ =	strace $0x8FFFFFFF  }
0x98: {  	s18 =	sld [smem:$0x3FDB];
	_ =	sdelay $0x1  }
0x99: {  	s19 =	simm.s32 $_scs_section_size  }
0x9a: {  	s4 =	simm.s32 $_size__tile_overlayer_lowered;
	s5 =	simm.s32 $_tile_overlayer_lowered  }
0x9b: {  	s22 =	simm.s32 $0x1BFF;
	s21 =	sshll.u32 s5, $0x1;
	s2 =	sadd.s32 s19, s18  }
0x9c: {  	s6 =	simm.s32 $0x0;
	s20 =	sshll.u32 s4, $0x1;
	s4 =	sadd.s32 s21, s2  }
0x9d: {  	[timem:s6], [sflag:s22] =	dma.local [hbm:s4], s20  }
0x9e: {  	_ =	swait.ge [sflag:s22], s20  }
0x9f: {  	s3 =	ssub.s32 $0x0, s20;
	[sflag:s22] =	ssyncset.done $0x0  }
0xa0: {  	[sflag:s22] =	ssyncadd.s32 s3;
	_ =	sdelay $0x1  }
0xa1: {  	s23 =	simm.s32 $0x1B8B  }
0xa2: {  	_ =	swait.ge [sflag:s23], $0x1  }
0xa3: {  	[sflag:s23] =	ssyncset.done $0x0  }
0xa4: {  	s25 =	simm.s32 $0x1B8E;
	s24 =	sld [smem:$0x3FFE];
	[sflag:s23] =	ssyncadd.s32 $0xFFFFFFFF  }
0xa5: {  	s26 =	simm.s32 $execute0_lowered;
	[smem:$0x3FD2] =	sst s25  }
0xa6: {  	s4 =	sshll.u32 s26, $0x1;
	_ =	strace $0x8000004C;
	[dreg:$0x1] =	wrdreg $0xFFFFFFFF  }
0xa7: {  	s28 =	simm.s32 $_size_execute0_lowered;
	s2 =	sadd.s32 s2, s4;
	[dreg:$0x0] =	wrdreg $0x0  }
0xa8: {  	s4 =	sshll.u32 s28, $0x1;
	[dreg:$0x2] =	wrdreg s2  }
0xa9: {  	[dreg:$0x3] =	wrdreg s4  }
0xaa: {  	[dreg:$0x4] =	wrdreg $0xC0  }
0xab: {  	_ =	task [dreg:s6], $0x5FFFF  }
0xac: {  	[dreg:$0x1] =	wrdreg $0xFFFFFFFF  }
0xad: {  	[dreg:$0x0] =	wrdreg $0x60  }
0xae: {  	[dreg:$0x2] =	wrdreg s24  }
0xaf: {  	[dreg:$0x3] =	wrdreg $0xAA200  }
0xb0: {  	[dreg:$0x4] =	wrdreg $0x146600  }
0xb1: {  	[dreg:$0x5] =	wrdreg $0x9  }
0xb2: {  	_ =	task.clear_ibuf [dreg:s6], $0x6FFFF;
	_ =	strace $0x9000004C  }
0xb3: {  	s29 =	simm.s32 $0x9;
	_ =	strace $0x8000004E  }
0xb4: {  	_ =	swait.ge [sflag:s29], $0x1  }
0xb5: {  	[sflag:s29] =	ssyncadd.s32 $0xFFFFFFFF  }
0xb6: {  	_ =	strace $0x9000004E  }
0xb7: {  	_ =	sfence  }
0xb8: {  	s30 =	sld [smem:$0x0];
	_ =	sdelay $0x2  }
0xb9: {  	s31 =	sshll.u32 s1, $0xD;
	s1 =	sshrl.u32 s1, $0x2  }
0xba: {  	s3 =	sand.u32 $0x4000, s31;
	s1 =	sadd.s32 s1, s30  }
0xbb: {  	s0 =	sor.u32 s3, s0;
	s1 =	sshll.u32 s1, $0x11  }
0xbc: {  	s0 =	sor.u32 s1, s0  }
0xbd: {  	s0 =	sadd.s32 $0x8F2B, s0  }
0xbe: {  	[sflag:s0] =	ssyncadd.remote.s32 $0x1  }
0xbf: {  	_ =	sfence.sel $0xFFFF  }
0xc0: {  	[dreg:$0x0] =	wrdreg $0xFFFFFFFF;
	(pc) =	sbr.abs _section_cstart, $3  }
0xc1: {  	[dreg:$0x1] =	wrdreg $0xFFFFFFFF  }
0xc2: {  	_ =	task.clear_ibuf [dreg:s6], $0x2FFFF;
	_ =	strace $0x9FFFFFFF  }
0xc3: {  	(tm) =	ssettm $0x7FFFFFFF  }
tec
execute0_lowered:
.L_overlay_start_1:
0x0: {  	(tag) =	ssettag $0x1  }
0x1: {  	s0 =	rddreg [dreg:$0x0]  }
0x2: {  	s1 =	rddreg [dreg:$0x1]  }
0x3: {  	s3 =	rddreg [dreg:$0x2]  }
0x4: {  	s4 =	simm.s32 $0x0;
	s2 =	srdreg.scid;
	s16 =	stileid.u32  }
0x5: {  	s28 =	simm.s32 $0x0;
	[smem:$0x7FF] =	sst s4;
	s2 =	sand.u32 $0x1, s2  }
0x6: {  	s9 =	smul.u32 $0x271, s16;
	s5 =	sadd.s32 $0x17800, s0;
	s6 =	sadd.s32 $0x3E00, s0  }
0x7: {  	s7 =	sadd.s32 $0x37000, s0;
	s8 =	sadd.s32 $0x2D200, s0;
	s13 =	smul.u32 $0x9C40, s16  }
0x8: {  	s17 =	sshll.u32 s16, $0x1;
	s31 =	smul.u32 $0x4E20, s16;
	_ =	strace $0x8000004D  }
0x9: {  	s11 =	smul.u32 $0x2710, s2;
	s10 =	ssub.s32 $0x2, s2;
	s2 =	sor.u32 s2, s17  }
0xa: {  	s12 =	sshrl.u32 s10, $0x1;
	s23 =	sadd.s32 s13, s1;
	s14 =	sadd.s32 $0x2000, s13  }
0xb: {  	s18 =	sadd.s32 s13, s3;
	s15 =	sadd.s32 $0x4000, s13;
	s22 =	sadd.s32 $0x6000, s13  }
0xc: {  	s2 =	smul.u32 $0x2710, s2;
	[dreg:$0x4] =	wrdreg s18;
	s19 =	sadd.s32 s14, s1  }
0xd: {  	s13 =	sadd.s32 $0x8000, s13;
	s20 =	sadd.s32 s14, s3;
	[dreg:$0x5] =	wrdreg s19  }
0xe: {  	s9 =	sadd.s32 s9, s11;
	s21 =	sadd.s32 s15, s1;
	[dreg:$0x6] =	wrdreg s20  }
0xf: {  	s12 =	ssub.s32 s10, s12;
	s24 =	sadd.s32 s15, s3;
	[dreg:$0x7] =	wrdreg s21  }
0x10: {  	s25 =	sadd.s32 s22, s1;
	s26 =	sadd.s32 s22, s3;
	[dreg:$0x8] =	wrdreg s24  }
0x11: {  	s10 =	sadd.s32 s13, s1;
	s15 =	sadd.s32 s13, s3;
	[dreg:$0x9] =	wrdreg s25  }
0x12: {  	s11 =	sadd.s32 s11, s31;
	s13 =	simm.s32 $0x200;
	[dreg:$0xa] =	wrdreg s26  }
0x13: {  	s14 =	simm.s32 $0x4200;
	s9 =	sshll.u32 s9, $0x3;
	[dreg:$0xb] =	wrdreg s10  }
0x14: {  	[dreg:$0xc] =	wrdreg s15;
	s2 =	sshrl.u32 s2, $0x3;
	s22 =	sadd.s32 $0x180, s11  }
0x15: {  	s26 =	smax.u32 s12, $0x1;
	s31 =	sadd.s32 $0x100, s11;
	s11 =	simm.s32 $0x100  }
0x16: {  	s12 =	simm.s32 $0x80;
	s15 =	simm.s32 $0x180;
	[dreg:$0x15] =	wrdreg s26  }
0x17: {  	s0 =	sadd.s32 s9, s0;
	s16 =	sadd.s32 s7, s2;
	[dreg:$0x16] =	wrdreg s31  }
0x18: {  	s17 =	sadd.s32 $0x10, s2;
	s18 =	sadd.s32 s8, s2;
	[dreg:$0xd] =	wrdreg s16  }
0x19: {  	s2 =	sadd.s32 $0x4E0, s2;
	s24 =	sshrl.u32 s22, $0x3;
	[dreg:$0xe] =	wrdreg s18  }
0x1a: {  	s19 =	sadd.s32 s7, s17;
	s20 =	sadd.s32 s8, s17;
	s21 =	sadd.s32 s7, s2  }
0x1b: {  	s2 =	sadd.s32 s8, s2;
	s25 =	sadd.s32 $0x40E00, s0;
	[dreg:$0xf] =	wrdreg s19  }
0x1c: {  	s0 =	sadd.s32 $0x68000, s0;
	s29 =	sadd.s32 s24, s8;
	[dreg:$0x10] =	wrdreg s20  }
.Ltmp0:
0x1d: {  	s30 =	sadd.s32 s24, s7;
	[dreg:$0x11] =	wrdreg s21;
	(pc) =	sbr.rel .LBB2_1-.Ltmp0, $4  }
0x1e: {  	s16 =	simm.s32 $0x2200;
	s17 =	simm.s32 $0x6200;
	[dreg:$0x12] =	wrdreg s2  }
0x1f: {  	s18 =	simm.s32 $0x1;
	s24 =	simm.s32 $0x10;
	[dreg:$0x13] =	wrdreg s25  }
0x20: {  	[dreg:$0x14] =	wrdreg s0;
	s0 =	simm.s32 $0x8A20;
	s2 =	simm.s32 $0x5  }
0x21: {  	v0 =	vimm.f32 $0.0e+00;
	s19 =	simm.s32 $0x3;
	s20 =	simm.s32 $0x2;
	s21 =	simm.s32 $0x4  }
.LBB2_6:
0x22: {  	s9 =	rddreg [dreg:$0x11];
	s22 =	simm.s32 $0x8200  }
0x23: {  	[tilespmem:s22], [sflag:$0x5] =	stream.linear.gather [hbm4b:s9+s4], $0x10, $0x38;
	[tilespmem:$0x1E2A0] =	vst v63  }
0x24: {  	_ =	swait.ge [sflag:s2], $0x10  }
0x25: {  	[sflag:s2] =	ssyncset.done $0x0  }
0x26: {  	s23 =	simm.s32 $0x8210;
	s26 =	rddreg [dreg:$0x12];
	[sflag:s2] =	ssyncadd.s32 $0xFFFFFFF0  }
0x27: {  	[tilespmem:s23], [sflag:$0x5] =	stream.linear.gather [hbm4b:s26+s4], $0x10, $0x38;
	[tilespmem:$0x1E2A0] =	vst v63  }
0x28: {  	_ =	swait.ge [sflag:s2], $0x10  }
0x29: {  	[sflag:s2] =	ssyncset.done $0x0  }
0x2a: {  	s31 =	simm.s32 $0x8220;
	[sflag:s2] =	ssyncadd.s32 $0xFFFFFFF0  }
0x2b: {  	[tilespmem:s31], [sflag:$0x1] =	stream.indirect.gather [hbm4b:s5+s24], $0x40, s22, s24, $0xb8;
	[tilespmem:$0x1E2A0] =	vst v63  }
0x2c: {  	s25 =	simm.s32 $0x8620  }
0x2d: {  	[tilespmem:s25], [sflag:$0x3] =	stream.indirect.gather [hbm4b:s6+s24], $0x40, s22, s24, $0xb8;
	[tilespmem:$0x1E2A0] =	vst v63  }
0x2e: {  	_ =	swait.ge [sflag:s18], $0x400  }
0x2f: {  	[sflag:s18] =	ssyncset.done $0x0  }
0x30: {  	[sflag:s18] =	ssyncadd.s32 $0xFFFFFC00  }
0x31: {  	_ =	swait.ge [sflag:s19], $0x400  }
0x32: {  	[sflag:s19] =	ssyncset.done $0x0  }
0x33: {  	[sflag:s19] =	ssyncadd.s32 $0xFFFFFC00  }
0x34: {  	[spmem:s1] =	stream.indirect.scatter.add.f32 [tilespmem:s31], [sflag:$0x5], $0x40, s23, s24, $0xb8;
	[tilespmem:$0x1E2A0] =	vst v63  }
0x35: {  	_ =	swait.ge [sflag:s2], $0x400  }
0x36: {  	[sflag:s2] =	ssyncset.done $0x0  }
0x37: {  	[sflag:s2] =	ssyncadd.s32 $0xFFFFFC00  }
0x38: {  	[spmem:s3] =	stream.indirect.scatter.add.f32 [tilespmem:s25], [sflag:$0x5], $0x40, s23, s24, $0xb8;
	[tilespmem:$0x1E2A0] =	vst v63  }
0x39: {  	_ =	swait.ge [sflag:s2], $0x400  }
0x3a: {  	[sflag:s2] =	ssyncset.done $0x0  }
0x3b: {  	s25 =	stileid.u32;
	[sflag:s2] =	ssyncadd.s32 $0xFFFFFC00  }
0x3c: {  	s9 =	sshll.u32 s25, $0x6;
	[bflag:$0x0] =	sbarrier.arrive $0xFFFF  }
0x3d: {  	s26 =	sshrl.u32 s10, $0x3;
	s9 =	sor.u32 $0x1C05, s9;
	s31 =	rddreg [dreg:$0x13]  }
0x3e: {  	[hbm:s31], [sflag:s9] =	dma.local [spmem:s26], $0x1388  }
0x3f: {  	_ =	swait.ge [sflag:s2], $0x1388  }
0x40: {  	[sflag:s2] =	ssyncset.done $0x0;
	s22 =	rddreg [dreg:$0x4]  }
0x41: {  	s26 =	rddreg [dreg:$0x14];
	[sflag:s2] =	ssyncadd.s32 $0xFFFFEC78;
	s25 =	sshrl.u32 s22, $0x3  }
0x42: {  	[hbm:s26], [sflag:s9] =	dma.local [spmem:s25], $0x1388  }
0x43: {  	_ =	swait.ge [sflag:s2], $0x1388  }
0x44: {  	s28 =	sadd.s32 $0x1, s28;
	s31 =	rddreg [dreg:$0x15]  }
0x45: {  	p0 =	sne.s32 s28, s31  }
.Ltmp1:
0x46: {  	_ = 	snop;
	(pc) =	sbr.rel @!p0 .LBB2_7-.Ltmp1, $3  }
0x47: {  	_ =	sdelay $0x1  }
0x48: {  	[sflag:s2] =	ssyncset.done $0x0  }
0x49: {  	s23 =	smov.u32 s10;
	[sflag:s2] =	ssyncadd.s32 $0xFFFFEC78  }
.LBB2_1:
0x4a: {  	s31 =	simm.s32 $0x100;
	s25 =	simm.s32 $0x0  }
.LBB2_2:
0x4b: {  	p0 =	sne.s32 s31, $0x7F00;
	[tilespmem:s25+$0x8A50] =	vst v0;
	s26 =	smov.u32 s31;
	s31 =	sadd.s32 $0x100, s31  }
.Ltmp2:
0x4c: {  	[tilespmem:s25+$0x8A40] =	vst v0;
	(pc) =	sbr.rel @p0 .LBB2_2-.Ltmp2, $3  }
0x4d: {  	[tilespmem:s25+$0x8A20] =	vst v0  }
0x4e: {  	[tilespmem:s25+$0x8A30] =	vst v0;
	_ =	sdelay $0x1  }
0x4f: {  	s25 =	sshra.s32 s26, $0x2  }
0x50: {  	[tilespmem:s25+$0x8A50] =	vst v0  }
0x51: {  	[tilespmem:s25+$0x8A40] =	vst v0  }
0x52: {  	[tilespmem:s25+$0x8A20] =	vst v0  }
0x53: {  	[tilespmem:s25+$0x8A30] =	vst v0  }
0x54: {  	[spmem:s23] =	stream.linear.scatter [tilespmem:s0], [sflag:$0x5], $0x2000, $0x38;
	[tilespmem:$0x1E2A0] =	vst v63  }
0x55: {  	_ =	swait.ge [sflag:s2], $0x2000  }
0x56: {  	[sflag:s2] =	ssyncset.done $0x0  }
0x57: {  	s9 =	rddreg [dreg:$0x4];
	[sflag:s2] =	ssyncadd.s32 $0xFFFFE000  }
0x58: {  	[spmem:s9] =	stream.linear.scatter [tilespmem:s0], [sflag:$0x5], $0x2000, $0x38;
	[tilespmem:$0x1E2A0] =	vst v63  }
0x59: {  	_ =	swait.ge [sflag:s2], $0x2000  }
0x5a: {  	[sflag:s2] =	ssyncset.done $0x0  }
0x5b: {  	s22 =	rddreg [dreg:$0x5];
	[sflag:s2] =	ssyncadd.s32 $0xFFFFE000  }
0x5c: {  	[spmem:s22] =	stream.linear.scatter [tilespmem:s0], [sflag:$0x5], $0x2000, $0x38;
	[tilespmem:$0x1E2A0] =	vst v63  }
0x5d: {  	_ =	swait.ge [sflag:s2], $0x2000  }
0x5e: {  	[sflag:s2] =	ssyncset.done $0x0  }
0x5f: {  	s10 =	smov.u32 s23;
	s23 =	rddreg [dreg:$0x6];
	[sflag:s2] =	ssyncadd.s32 $0xFFFFE000  }
0x60: {  	[spmem:s23] =	stream.linear.scatter [tilespmem:s0], [sflag:$0x5], $0x2000, $0x38;
	[tilespmem:$0x1E2A0] =	vst v63  }
0x61: {  	_ =	swait.ge [sflag:s2], $0x2000  }
0x62: {  	[sflag:s2] =	ssyncset.done $0x0  }
0x63: {  	s25 =	rddreg [dreg:$0x7];
	[sflag:s2] =	ssyncadd.s32 $0xFFFFE000  }
0x64: {  	[spmem:s25] =	stream.linear.scatter [tilespmem:s0], [sflag:$0x5], $0x2000, $0x38;
	[tilespmem:$0x1E2A0] =	vst v63  }
0x65: {  	_ =	swait.ge [sflag:s2], $0x2000  }
0x66: {  	[sflag:s2] =	ssyncset.done $0x0  }
0x67: {  	s26 =	rddreg [dreg:$0x8];
	[sflag:s2] =	ssyncadd.s32 $0xFFFFE000  }
0x68: {  	[spmem:s26] =	stream.linear.scatter [tilespmem:s0], [sflag:$0x5], $0x2000, $0x38;
	[tilespmem:$0x1E2A0] =	vst v63  }
0x69: {  	_ =	swait.ge [sflag:s2], $0x2000  }
0x6a: {  	[sflag:s2] =	ssyncset.done $0x0  }
0x6b: {  	s22 =	rddreg [dreg:$0x9];
	[sflag:s2] =	ssyncadd.s32 $0xFFFFE000  }
0x6c: {  	[spmem:s22] =	stream.linear.scatter [tilespmem:s0], [sflag:$0x5], $0x2000, $0x38;
	[tilespmem:$0x1E2A0] =	vst v63  }
0x6d: {  	_ =	swait.ge [sflag:s2], $0x2000  }
0x6e: {  	[sflag:s2] =	ssyncset.done $0x0  }
0x6f: {  	s23 =	rddreg [dreg:$0xa];
	[sflag:s2] =	ssyncadd.s32 $0xFFFFE000  }
0x70: {  	[spmem:s23] =	stream.linear.scatter [tilespmem:s0], [sflag:$0x5], $0x2000, $0x38;
	[tilespmem:$0x1E2A0] =	vst v63  }
0x71: {  	_ =	swait.ge [sflag:s2], $0x2000  }
0x72: {  	[sflag:s2] =	ssyncset.done $0x0  }
0x73: {  	s25 =	rddreg [dreg:$0xb];
	[sflag:s2] =	ssyncadd.s32 $0xFFFFE000  }
0x74: {  	[spmem:s25] =	stream.linear.scatter [tilespmem:s0], [sflag:$0x5], $0x1C40, $0x38;
	[tilespmem:$0x1E2A0] =	vst v63  }
0x75: {  	_ =	swait.ge [sflag:s2], $0x1C40  }
0x76: {  	[sflag:s2] =	ssyncset.done $0x0  }
0x77: {  	s26 =	rddreg [dreg:$0xc];
	[sflag:s2] =	ssyncadd.s32 $0xFFFFE3C0  }
0x78: {  	[spmem:s26] =	stream.linear.scatter [tilespmem:s0], [sflag:$0x5], $0x1C40, $0x38;
	[tilespmem:$0x1E2A0] =	vst v63  }
0x79: {  	_ =	swait.ge [sflag:s2], $0x1C40  }
0x7a: {  	[sflag:s2] =	ssyncset.done $0x0  }
0x7b: {  	[sflag:s2] =	ssyncadd.s32 $0xFFFFE3C0  }
0x7c: {  	[bflag:$0x0] =	sbarrier.arrive $0xFFFF  }
0x7d: {  	s31 =	simm.s32 $0x0;
	s22 =	rddreg [dreg:$0xd]  }
0x7e: {  	[tilespmem:s31], [sflag:$0x5] =	stream.linear.gather [hbm4b:s22+s31], $0x80, $0x38;
	[tilespmem:$0x1E2A0] =	vst v63  }
0x7f: {  	_ =	swait.ge [sflag:s2], $0x80  }
0x80: {  	[sflag:s2] =	ssyncset.done $0x0  }
0x81: {  	s23 =	rddreg [dreg:$0xe];
	[sflag:s2] =	ssyncadd.s32 $0xFFFFFF80  }
0x82: {  	[tilespmem:s11], [sflag:$0x5] =	stream.linear.gather [hbm4b:s23+s31], $0x80, $0x38;
	[tilespmem:$0x1E2A0] =	vst v63  }
0x83: {  	_ =	swait.ge [sflag:s2], $0x80  }
0x84: {  	[sflag:s2] =	ssyncset.done $0x0  }
0x85: {  	[sflag:s2] =	ssyncadd.s32 $0xFFFFFF80  }
0x86: {  	[tilespmem:s13], [sflag:$0x1] =	stream.indirect.gather [hbm4b:s5+s12], $0x40, s31, s12, $0xb8;
	[tilespmem:$0x1E2A0] =	vst v63  }
0x87: {  	_ = 	snop  }
0x88: {  	[tilespmem:s14], [sflag:$0x3] =	stream.indirect.gather [hbm4b:s6+s12], $0x40, s31, s12, $0xb8;
	[tilespmem:$0x1E2A0] =	vst v63  }
0x89: {  	s25 =	rddreg [dreg:$0xf]  }
0x8a: {  	[tilespmem:s12], [sflag:$0x5] =	stream.linear.gather [hbm4b:s25+s31], $0x80, $0x38;
	[tilespmem:$0x1E2A0] =	vst v63  }
0x8b: {  	_ =	swait.ge [sflag:s2], $0x80  }
0x8c: {  	[sflag:s2] =	ssyncset.done $0x0  }
0x8d: {  	s26 =	rddreg [dreg:$0x10];
	[sflag:s2] =	ssyncadd.s32 $0xFFFFFF80  }
0x8e: {  	[tilespmem:s15], [sflag:$0x5] =	stream.linear.gather [hbm4b:s26+s31], $0x80, $0x38;
	[tilespmem:$0x1E2A0] =	vst v63  }
0x8f: {  	_ =	swait.ge [sflag:s2], $0x80  }
0x90: {  	[sflag:s2] =	ssyncset.done $0x0  }
0x91: {  	[sflag:s2] =	ssyncadd.s32 $0xFFFFFF80  }
0x92: {  	[tilespmem:s16], [sflag:$0x2] =	stream.indirect.gather [hbm4b:s5+s12], $0x40, s12, s12, $0xb8;
	[tilespmem:$0x1E2A0] =	vst v63  }
0x93: {  	s25 =	rddreg [dreg:$0x16]  }
0x94: {  	[tilespmem:s17], [sflag:$0x4] =	stream.indirect.gather [hbm4b:s6+s12], $0x40, s12, s12, $0xb8;
	[tilespmem:$0x1E2A0] =	vst v63  }
.LBB2_4:
0x95: {  	_ =	swait.ge [sflag:s18], $0x2000  }
0x96: {  	[sflag:s18] =	ssyncset.done $0x0  }
0x97: {  	[sflag:s18] =	ssyncadd.s32 $0xFFFFE000  }
0x98: {  	_ =	swait.ge [sflag:s19], $0x2000  }
0x99: {  	[sflag:s19] =	ssyncset.done $0x0  }
0x9a: {  	[sflag:s19] =	ssyncadd.s32 $0xFFFFE000  }
0x9b: {  	[spmem:s1] =	stream.indirect.scatter.add.f32 [tilespmem:s13], [sflag:$0x5], $0x40, s11, s12, $0xb8;
	[tilespmem:$0x1E2A0] =	vst v63  }
0x9c: {  	_ =	swait.ge [sflag:s2], $0x2000  }
0x9d: {  	[sflag:s2] =	ssyncset.done $0x0  }
0x9e: {  	[sflag:s2] =	ssyncadd.s32 $0xFFFFE000  }
0x9f: {  	[spmem:s3] =	stream.indirect.scatter.add.f32 [tilespmem:s14], [sflag:$0x5], $0x40, s11, s12, $0xb8;
	[tilespmem:$0x1E2A0] =	vst v63  }
0xa0: {  	p0 =	seq.s32 s31, $0x4C0;
	_ =	swait.ge [sflag:s2], $0x2000  }
0xa1: {  	s26 =	sshrl.u32 @!p0 s25, $0x3;
	[sflag:s2] =	ssyncset.done $0x0  }
0xa2: {  	s23 =	simm.s32 @!p0 $0x0;
	s22 =	sadd.s32 @!p0 s7, s26;
	[sflag:s2] =	ssyncadd.s32 $0xFFFFE000  }
0xa3: {  	[tilespmem:s23], [sflag:$0x5] =	stream.linear.gather @!p0 [hbm4b:s22+s23], $0x80, $0x38;
	[tilespmem:$0x1E2A0] =	vst v63  }
0xa4: {  	s22 =	simm.s32 @!p0 $0x5  }
0xa5: {  	_ =	swait.ge @!p0 [sflag:s22], $0x80  }
0xa6: {  	[sflag:s22] =	ssyncset.done @!p0 $0x0  }
0xa7: {  	s9 =	simm.s32 @!p0 $0x100;
	s26 =	sadd.s32 @!p0 s8, s26;
	[sflag:s22] =	ssyncadd.s32 @!p0 $0xFFFFFF80  }
0xa8: {  	[tilespmem:s9], [sflag:$0x5] =	stream.linear.gather @!p0 [hbm4b:s26+s23], $0x80, $0x38;
	[tilespmem:$0x1E2A0] =	vst v63  }
0xa9: {  	_ =	swait.ge @!p0 [sflag:s22], $0x80  }
0xaa: {  	[sflag:s22] =	ssyncset.done @!p0 $0x0  }
0xab: {  	s9 =	simm.s32 @!p0 $0x80;
	[sflag:s22] =	ssyncadd.s32 @!p0 $0xFFFFFF80;
	s22 =	simm.s32 @!p0 $0x200  }
0xac: {  	[tilespmem:s22], [sflag:$0x1] =	stream.indirect.gather @!p0 [hbm4b:s5+s9], $0x40, s23, s9, $0xb8;
	[tilespmem:$0x1E2A0] =	vst v63  }
0xad: {  	s22 =	simm.s32 @!p0 $0x4200  }
0xae: {  	[tilespmem:s22], [sflag:$0x3] =	stream.indirect.gather @!p0 [hbm4b:s6+s9], $0x40, s23, s9, $0xb8;
	[tilespmem:$0x1E2A0] =	vst v63  }
0xaf: {  	_ =	swait.ge [sflag:s20], $0x2000  }
0xb0: {  	[sflag:s20] =	ssyncset.done $0x0  }
0xb1: {  	[sflag:s20] =	ssyncadd.s32 $0xFFFFE000  }
0xb2: {  	_ =	swait.ge [sflag:s21], $0x2000  }
0xb3: {  	[sflag:s21] =	ssyncset.done $0x0  }
0xb4: {  	[sflag:s21] =	ssyncadd.s32 $0xFFFFE000  }
0xb5: {  	[spmem:s1] =	stream.indirect.scatter.add.f32 [tilespmem:s16], [sflag:$0x5], $0x40, s15, s12, $0xb8;
	[tilespmem:$0x1E2A0] =	vst v63  }
0xb6: {  	_ =	swait.ge [sflag:s2], $0x2000  }
0xb7: {  	[sflag:s2] =	ssyncset.done $0x0  }
.Ltmp3:
0xb8: {  	[sflag:s2] =	ssyncadd.s32 $0xFFFFE000;
	(pc) =	sbr.rel @p0 .LBB2_6-.Ltmp3, $4  }
0xb9: {  	[spmem:s3] =	stream.indirect.scatter.add.f32 [tilespmem:s17], [sflag:$0x5], $0x40, s15, s12, $0xb8;
	[tilespmem:$0x1E2A0] =	vst v63  }
0xba: {  	_ =	swait.ge [sflag:s2], $0x2000  }
0xbb: {  	[sflag:s2] =	ssyncset.done $0x0  }
0xbc: {  	[sflag:s2] =	ssyncadd.s32 $0xFFFFE000  }
0xbd: {  	s9 =	sadd.s32 s31, s30  }
0xbe: {  	[tilespmem:s12], [sflag:$0x5] =	stream.linear.gather [hbm4b:s9+s4], $0x80, $0x38;
	[tilespmem:$0x1E2A0] =	vst v63  }
0xbf: {  	_ =	swait.ge [sflag:s2], $0x80  }
0xc0: {  	[sflag:s2] =	ssyncset.done $0x0  }
0xc1: {  	s26 =	sadd.s32 s31, s29;
	[sflag:s2] =	ssyncadd.s32 $0xFFFFFF80  }
0xc2: {  	[tilespmem:s15], [sflag:$0x5] =	stream.linear.gather [hbm4b:s26+s4], $0x80, $0x38;
	[tilespmem:$0x1E2A0] =	vst v63  }
0xc3: {  	_ =	swait.ge [sflag:s2], $0x80  }
.Ltmp4:
0xc4: {  	[sflag:s2] =	ssyncset.done $0x0;
	(pc) =	sbr.rel .LBB2_4-.Ltmp4, $4  }
0xc5: {  	[sflag:s2] =	ssyncadd.s32 $0xFFFFFF80  }
0xc6: {  	[tilespmem:s16], [sflag:$0x2] =	stream.indirect.gather [hbm4b:s5+s12], $0x40, s12, s12, $0xb8;
	[tilespmem:$0x1E2A0] =	vst v63  }
0xc7: {  	s31 =	sadd.s32 $0x20, s31;
	s25 =	sadd.s32 $0x100, s25  }
0xc8: {  	[tilespmem:s17], [sflag:$0x4] =	stream.indirect.gather [hbm4b:s6+s12], $0x40, s12, s12, $0xb8;
	[tilespmem:$0x1E2A0] =	vst v63  }
.LBB2_7:
0xc9: {  	_ =	sfence.sel $0x180000  }
0xca: {  	[bflag:$0x0] =	sbarrier.arrive $0xFFFF  }
0xcb: {  	_ =	strace $0x9000004D  }
0xcc: {  	s0 =	stileid.u32;
	[bflag:$0x2] =	sbarrier.arrive $0xFFFF  }
0xcd: {  	p0 =	sne.s32 s0, $0x0;
	s0 =	rddreg [dreg:$0x3]  }
0xce: {  	s0 =	sadd.s32 @!p0 $0x100000, s0  }
0xcf: {  	[sflag:s0] =	ssyncadd.tile.s32 @!p0 $0x1;
	_ =	shalt  }
.Lfunc_end2:
_tile_overlayer_lowered:
.L_overlay_start_2:
0xd0: {  	(tag) =	ssettag $0x2  }
0xd1: {  	s0 =	rddreg [dreg:$0x0];
	s2 =	stileid.u32  }
0xd2: {  	s1 =	rddreg [dreg:$0x1];
	p0 =	sne.s32 s2, $0x0  }
0xd3: {  	s3 =	rddreg [dreg:$0x2];
	[bflag:$0x3] =	sbarrier.arrive $0xFFFF;
	s2 =	simm.s32 @!p0 $0x1C05  }
0xd4: {  	[timem:s3], [sflag:s2] =	dma.local @!p0 [hbm:s0], s1  }
0xd5: {  	s0 =	simm.s32 @!p0 $0x5  }
0xd6: {  	_ =	swait.ge @!p0 [sflag:s0], s1  }
0xd7: {  	s1 =	ssub.s32 @!p0 $0x0, s1;
	[sflag:s0] =	ssyncset.done @!p0 $0x0  }
0xd8: {  	[sflag:s0] =	ssyncadd.s32 @!p0 s1  }
0xd9: {  	[bflag:$0x3] =	sbarrier.arrive $0xFFFF  }
0xda: {  	_ =	shalt  }

// kernel: kernel.8.cloned.1.call-start
scs
__scs_entry_jumppad:
0x0: {  	(pc) =	sbr.rel $0x88, $3  }
0x1: {  	(tag) =	ssettag $0x0;
	lr =	simm.s32 $0x1  }
0x2: {  	[smem:$0x3F91] =	sst lr;
	_ =	strace $0xD0000000  }
0x3: {  	_ = 	snop  }
0x4: {  	_ = 	snop  }
0x5: {  	_ = 	snop  }
0x6: {  	_ = 	snop  }
0x7: {  	_ = 	snop  }
__scs_overlays_trampoline_lowered:
0x8: {  	[smem:$0x3FA0] =	sst s0  }
0x9: {  	[smem:$0x3FA1] =	sst s1  }
0xa: {  	[smem:$0x3FA2] =	sst s2  }
0xb: {  	[smem:$0x3FA3] =	sst s3  }
0xc: {  	[smem:$0x3FA4] =	sst s4  }
0xd: {  	[smem:$0x3FA5] =	sst s5  }
0xe: {  	[smem:$0x3FA6] =	sst s6  }
0xf: {  	[smem:$0x3FA7] =	sst s7  }
0x10: {  	[smem:$0x3FA8] =	sst s8  }
0x11: {  	[smem:$0x3FA9] =	sst s9;
	s0 =	simm.s32 @!p0 $0x0  }
0x12: {  	s1 =	sld [smem:$0x3F8F];
	s0 =	simm.s32 @p0 $0x1  }
0x13: {  	[smem:$0x3FAA] =	sst s0;
	s0 =	simm.s32 @!p1 $0x0  }
0x14: {  	s2 =	sld [smem:$0x3F8E];
	s0 =	simm.s32 @p1 $0x1  }
0x15: {  	[smem:$0x3FAB] =	sst s0;
	s0 =	simm.s32 @!p2 $0x0  }
0x16: {  	s3 =	sld [smem:$0x3FDB];
	s0 =	simm.s32 @p2 $0x1  }
0x17: {  	s4 =	simm.s32 $0x1BF5;
	[smem:$0x3FAD] =	sst s0  }
0x18: {  	s0 =	sld [smem:$0x3F90];
	_ =	swait.ge [sflag:s4], $0x0  }
0x19: {  	s7 =	sld [smem:$0x3F91]  }
0x1a: {  	s8 =	sadd.s32 $0xFFFFE003, lr  }
0x1b: {  	s9 =	sadd.s32 $0xFFFFFEF7, lr;
	s5 =	simm.s32 $0xFFFFFFFF;
	p2 =	slt.u32 s8, $0xFFFFF086  }
0x1c: {  	p1 =	slt.u32 s9, $0xF7A;
	s5 =	simm.s32 @!p2 $0x0  }
0x1d: {  	s5 =	simm.s32 @p1 $0x1;
	p0 =	seq.s32 s7, s2  }
0x1e: {  	s7 =	smul.u32 @!p0 $0xF7A, s2;
	p2 =	seq.s32 @!p0 s5, $0x0  }
0x1f: {  	s9 =	smul.u32 $0xF7A, s1;
	s8 =	simm.s32 @!p0 $0x1BF5;
	p2 =	por !p2, p0  }
0x20: {  	[sflag:s8] =	ssyncset.s32 @!p0 $0xFFFFF086;
	s6 =	sadd.s32 @!p0 s3, s7;
	s7 =	simm.s32 @!p0 $0x108  }
0x21: {  	s3 =	sadd.s32 s3, s9;
	s6 =	sadd.s32 @!p0 $0x88, s6;
	s7 =	simm.s32 @p2 $0x1082  }
0x22: {  	[simem:s7], [sflag:s8] =	dma.local @!p0 [hbm:s6], $0xF7A  }
0x23: {  	s9 =	sor.u32 $0xD0000000, s2;
	s6 =	simm.s32 $0x108;
	_ =	swait.ge @!p0 [sflag:s8], $0x0  }
0x24: {  	s3 =	sadd.s32 $0x88, s3;
	s6 =	simm.s32 @!p1 $0x1082;
	[sflag:s4] =	ssyncset.s32 $0xFFFFF086  }
0x25: {  	[simem:s6], [sflag:s4] =	dma.local [hbm:s3], $0xF7A  }
0x26: {  	[smem:$0x3F91] =	sst s1;
	(tag) =	ssettag s2;
	_ =	strace s9  }
0x27: {  	s1 =	sld [smem:$0x3FA1]  }
0x28: {  	s2 =	sld [smem:$0x3FA2]  }
0x29: {  	s4 =	sld [smem:$0x3FA4]  }
0x2a: {  	p0 =	seq.s32 s5, $0x0;
	s5 =	sld [smem:$0x3FA5]  }
0x2b: {  	s6 =	sld [smem:$0x3FA6]  }
0x2c: {  	s7 =	sld [smem:$0x3FA7]  }
0x2d: {  	s3 =	simm.s32 $0x108;
	s8 =	sld [smem:$0x3FA8]  }
0x2e: {  	s3 =	simm.s32 @!p0 $0x1082;
	s9 =	sld [smem:$0x3FA9]  }
0x2f: {  	lr =	sadd.s32 s0, s3;
	s0 =	sld [smem:$0x3FA0]  }
0x30: {  	s3 =	sld [smem:$0x3FA3]  }
0x31: {  	[smem:$0x3FAC] =	sst s10  }
0x32: {  	s10 =	sld [smem:$0x3FAA];
	_ =	sdelay $0x3  }
0x33: {  	p0 =	seq.s32 s10, $0x1;
	s10 =	sld [smem:$0x3FAC];
	_ =	sdelay $0x3  }
0x34: {  	[smem:$0x3FAC] =	sst s10  }
0x35: {  	s10 =	sld [smem:$0x3FAB];
	_ =	sdelay $0x3  }
0x36: {  	p1 =	seq.s32 s10, $0x1;
	s10 =	sld [smem:$0x3FAC];
	_ =	sdelay $0x3  }
0x37: {  	[smem:$0x3FAC] =	sst s10  }
0x38: {  	s10 =	sld [smem:$0x3FAD]  }
0x39: {  	_ = 	snop;
	(pc) =	sbr.ind lr, $3  }
0x3a: {  	_ = 	snop  }
0x3b: {  	_ = 	snop  }
0x3c: {  	p2 =	seq.s32 s10, $0x1;
	s10 =	sld [smem:$0x3FAC]  }
0x3d: {  	_ =	shalt  }
0x3e: {  	_ =	shalt  }
0x3f: {  	_ =	shalt  }
0x40: {  	_ =	shalt  }
0x41: {  	_ =	shalt  }
0x42: {  	_ =	shalt  }
0x43: {  	_ =	shalt  }
0x44: {  	_ =	shalt  }
0x45: {  	_ =	shalt  }
0x46: {  	_ =	shalt  }
0x47: {  	_ =	shalt  }
0x48: {  	_ =	shalt  }
0x49: {  	_ =	shalt  }
0x4a: {  	_ =	shalt  }
0x4b: {  	_ =	shalt  }
0x4c: {  	_ =	shalt  }
0x4d: {  	_ =	shalt  }
0x4e: {  	_ =	shalt  }
0x4f: {  	_ =	shalt  }
0x50: {  	_ =	shalt  }
0x51: {  	_ =	shalt  }
0x52: {  	_ =	shalt  }
0x53: {  	_ =	shalt  }
0x54: {  	_ =	shalt  }
0x55: {  	_ =	shalt  }
0x56: {  	_ =	shalt  }
0x57: {  	_ =	shalt  }
0x58: {  	_ =	shalt  }
0x59: {  	_ =	shalt  }
0x5a: {  	_ =	shalt  }
0x5b: {  	_ =	shalt  }
0x5c: {  	_ =	shalt  }
0x5d: {  	_ =	shalt  }
0x5e: {  	_ =	shalt  }
0x5f: {  	_ =	shalt  }
0x60: {  	_ =	shalt  }
0x61: {  	_ =	shalt  }
0x62: {  	_ =	shalt  }
0x63: {  	_ =	shalt  }
0x64: {  	_ =	shalt  }
0x65: {  	_ =	shalt  }
0x66: {  	_ =	shalt  }
0x67: {  	_ =	shalt  }
0x68: {  	_ =	shalt  }
0x69: {  	_ =	shalt  }
0x6a: {  	_ =	shalt  }
0x6b: {  	_ =	shalt  }
0x6c: {  	_ =	shalt  }
0x6d: {  	_ =	shalt  }
0x6e: {  	_ =	shalt  }
0x6f: {  	_ =	shalt  }
0x70: {  	_ =	shalt  }
0x71: {  	_ =	shalt  }
0x72: {  	_ =	shalt  }
0x73: {  	_ =	shalt  }
0x74: {  	_ =	shalt  }
0x75: {  	_ =	shalt  }
0x76: {  	_ =	shalt  }
0x77: {  	_ =	shalt  }
0x78: {  	_ =	shalt  }
0x79: {  	_ =	shalt  }
0x7a: {  	_ =	shalt  }
0x7b: {  	_ =	shalt  }
0x7c: {  	_ =	shalt  }
0x7d: {  	_ =	shalt  }
0x7e: {  	_ =	shalt  }
0x7f: {  	_ =	shalt  }
0x80: {  	_ =	shalt  }
0x81: {  	_ =	shalt  }
0x82: {  	_ =	shalt  }
0x83: {  	_ =	shalt  }
0x84: {  	_ =	shalt  }
0x85: {  	_ =	shalt  }
0x86: {  	_ =	shalt  }
0x87: {  	_ =	shalt  }
.Lfunc_end0:
.L_simem_size_0:
called_computation_lowered:
.L_overlay_start_0:
0x88: {  	s2 =	sld [smem:$0x3FD9]  }
0x89: {  	s3 =	sld [smem:$0x3FFE];
	_ =	sdelay $0x1  }
0x8a: {  	s1 =	srdreg.scid  }
0x8b: {  	s0 =	sand.u32 $0x1, s1  }
0x8c: {  	s17 =	sshll.u32 s0, $0xA;
	s2 =	sadd.s32 s3, s2  }
0x8d: {  	s2 =	sadd.s32 s2, s17  }
0x8e: {  	[smem:$0x3FB8] =	sst s2  }
0x8f: {  	_ = 	snop  }
0x90: {  	s2 =	sld [smem:$0x3FC8];
	(tm) =	ssettm $0x1  }
0x91: {  	s18 =	sld [smem:$0x3FFB];
	_ =	sdelay $0x3  }
0x92: {  	_ =	strace s18  }
0x93: {  	s3 =	sld [smem:$0x3FFC];
	_ =	sdelay $0x3  }
0x94: {  	_ =	strace s3  }
0x95: {  	s3 =	sld [smem:$0x3FFD];
	_ =	sdelay $0x3  }
0x96: {  	_ =	strace s3  }
0x97: {  	_ =	strace $0x8FFFFFFF  }
0x98: {  	s19 =	sld [smem:$0x3FDB];
	_ =	sdelay $0x1  }
0x99: {  	s4 =	simm.s32 $_scs_section_size  }
0x9a: {  	s5 =	simm.s32 $_size__tile_overlayer_lowered;
	s6 =	simm.s32 $_tile_overlayer_lowered  }
0x9b: {  	s22 =	simm.s32 $0x1BFF;
	s21 =	sshll.u32 s6, $0x1;
	s3 =	sadd.s32 s4, s19  }
0x9c: {  	s7 =	simm.s32 $0x0;
	s20 =	sshll.u32 s5, $0x1;
	s5 =	sadd.s32 s21, s3  }
0x9d: {  	[timem:s7], [sflag:s22] =	dma.local [hbm:s5], s20  }
0x9e: {  	_ =	swait.ge [sflag:s22], s20  }
0x9f: {  	s4 =	ssub.s32 $0x0, s20;
	[sflag:s22] =	ssyncset.done $0x0  }
0xa0: {  	[sflag:s22] =	ssyncadd.s32 s4;
	_ =	sdelay $0x1  }
0xa1: {  	s23 =	simm.s32 $0x1B8B  }
0xa2: {  	_ =	swait.ge [sflag:s23], $0x1  }
0xa3: {  	[sflag:s23] =	ssyncset.done $0x0  }
0xa4: {  	s25 =	simm.s32 $0x1B8E;
	s24 =	sld [smem:$0x3FFE];
	[sflag:s23] =	ssyncadd.s32 $0xFFFFFFFF  }
0xa5: {  	s26 =	simm.s32 $execute0_lowered;
	[smem:$0x3FD2] =	sst s25  }
0xa6: {  	s5 =	sshll.u32 s26, $0x1;
	_ =	strace $0x80000046;
	[dreg:$0x1] =	wrdreg $0xFFFFFFFF  }
0xa7: {  	s28 =	simm.s32 $_size_execute0_lowered;
	s3 =	sadd.s32 s3, s5;
	[dreg:$0x0] =	wrdreg $0x0  }
0xa8: {  	s5 =	sshll.u32 s28, $0x1;
	[dreg:$0x2] =	wrdreg s3  }
0xa9: {  	[dreg:$0x3] =	wrdreg s5  }
0xaa: {  	[dreg:$0x4] =	wrdreg $0xC0  }
0xab: {  	_ =	task [dreg:s7], $0x5FFFF  }
0xac: {  	[dreg:$0x1] =	wrdreg $0xFFFFFFFF  }
0xad: {  	[dreg:$0x0] =	wrdreg $0x60  }
0xae: {  	[dreg:$0x2] =	wrdreg s24  }
0xaf: {  	[dreg:$0x3] =	wrdreg s2  }
0xb0: {  	[dreg:$0x4] =	wrdreg $0x9  }
0xb1: {  	_ =	task.clear_ibuf [dreg:s7], $0x5FFFF;
	_ =	strace $0x90000046  }
0xb2: {  	s29 =	simm.s32 $0x9;
	_ =	strace $0x80000048  }
0xb3: {  	_ =	swait.ge [sflag:s29], $0x1  }
0xb4: {  	[sflag:s29] =	ssyncadd.s32 $0xFFFFFFFF  }
0xb5: {  	_ =	strace $0x90000048  }
0xb6: {  	_ =	sfence  }
0xb7: {  	s30 =	sld [smem:$0x0];
	_ =	sdelay $0x2  }
0xb8: {  	s31 =	sshll.u32 s1, $0xD;
	s1 =	sshrl.u32 s1, $0x2  }
0xb9: {  	s3 =	sand.u32 $0x4000, s31;
	s1 =	sadd.s32 s1, s30  }
0xba: {  	s0 =	sor.u32 s3, s0;
	s1 =	sshll.u32 s1, $0x11  }
0xbb: {  	s0 =	sor.u32 s1, s0  }
0xbc: {  	s0 =	sadd.s32 $0x8F2B, s0  }
0xbd: {  	[sflag:s0] =	ssyncadd.remote.s32 $0x1  }
0xbe: {  	_ =	sfence.sel $0xFFFF  }
0xbf: {  	[dreg:$0x0] =	wrdreg $0xFFFFFFFF;
	(pc) =	sbr.abs _section_cstart, $3  }
0xc0: {  	[dreg:$0x1] =	wrdreg $0xFFFFFFFF  }
0xc1: {  	_ =	task.clear_ibuf [dreg:s7], $0x2FFFF;
	_ =	strace $0x9FFFFFFF  }
0xc2: {  	(tm) =	ssettm $0x7FFFFFFF  }
0xc3: {  	_ =	shalt  }
tec
execute0_lowered:
.L_overlay_start_1:
0x0: {  	(tag) =	ssettag $0x1  }
0x1: {  	s9 =	rddreg [dreg:$0x0]  }
0x2: {  	s10 =	rddreg [dreg:$0x1]  }
0x3: {  	s0 =	rddreg [dreg:$0x2]  }
0x4: {  	s2 =	srdreg.scid;
	s1 =	stileid.u32  }
0x5: {  	s3 =	simm.s32 $0x0;
	p1 =	por $0x0, $0x0;
	s2 =	sand.u32 $0x1, s2  }
0x6: {  	s4 =	sshll.u32 s1, $0x1;
	[smem:$0x7FF] =	sst s3;
	s29 =	ssub.s32 $0x2, s2  }
0x7: {  	s11 =	sadd.s32 $0x5E00, s9;
	s13 =	sor.u32 s2, s4;
	s5 =	sshrl.u32 s29, $0x1  }
0x8: {  	_ =	strace $0x80000047;
	s4 =	smul.u32 $0x140, s13;
	s3 =	ssub.s32 s29, s5  }
0x9: {  	s2 =	sadd.s32 $0x3E00, s9;
	s6 =	smul.u32 $0xA00, s13;
	s14 =	smax.u32 s3, $0x1  }
0xa: {  	p0 =	seq.s32 s13, $0x1F;
	s30 =	sshrl.u32 s4, $0x3;
	s24 =	sadd.s32 $0xFFFFFFFF, s14  }
0xb: {  	s6 =	sadd.s32 s11, s6;
	s31 =	sadd.s32 $0x80, s4;
	p2 =	sne.s32 s24, $0x0  }
.Ltmp0:
0xc: {  	s12 =	sadd.s32 $0x100, s4;
	s8 =	sadd.s32 s10, s30;
	(pc) =	sbr.rel @!p2 .LBB2_3-.Ltmp0, $4  }
0xd: {  	s7 =	sshrl.u32 s31, $0x3;
	s5 =	sshll.u32 s31, $0x3;
	s4 =	sshrl.u32 s12, $0x3  }
0xe: {  	s12 =	sshll.u32 s12, $0x3;
	s7 =	sadd.s32 s10, s7;
	s5 =	sadd.s32 s11, s5  }
0xf: {  	s4 =	sadd.s32 s10, s4;
	s3 =	sadd.s32 s11, s12;
	s12 =	sadd.s32 $0x4D8, s10  }
0x10: {  	s11 =	sadd.s32 $0x19400, s9;
	s10 =	sadd.s32 $0x4E0, s10;
	s9 =	sadd.s32 $0x19600, s9  }
0x11: {  	s13 =	simm.s32 @p0 $0x0;
	s14 =	simm.s32 @p0 $0x2  }
0x12: {  	[tilespmem:s13], [sflag:$0x2] =	stream.linear.gather @p0 [hbm4b:s12+s13], $0x40, $0x38;
	[tilespmem:$0x2080] =	vst v63  }
0x13: {  	_ =	swait.ge @p0 [sflag:s14], $0x40  }
0x14: {  	s15 =	simm.s32 @p0 $0x1;
	[sflag:s14] =	ssyncset.done @p0 $0x0  }
0x15: {  	s16 =	simm.s32 @p0 $0x40;
	s17 =	simm.s32 @p0 $0x80;
	[sflag:s14] =	ssyncadd.s32 @p0 $0xFFFFFFC0  }
0x16: {  	[tilespmem:s17], [sflag:$0x1] =	stream.indirect.gather @p0 [hbm4b:s2+s16], $0x40, s13, s16, $0xb8;
	[tilespmem:$0x2080] =	vst v63  }
0x17: {  	_ =	swait.ge @p0 [sflag:s15], $0x1000  }
0x18: {  	[sflag:s15] =	ssyncset.done @p0 $0x0  }
0x19: {  	[sflag:s15] =	ssyncadd.s32 @p0 $0xFFFFF000  }
0x1a: {  	[hbm4b:s11+s13] =	stream.linear.scatter @p0 [tilespmem:s17], [sflag:$0x2], $0x1000, $0x38;
	[tilespmem:$0x2080] =	vst v63  }
0x1b: {  	_ =	swait.ge @p0 [sflag:s14], $0x1000  }
0x1c: {  	[sflag:s14] =	ssyncset.done @p0 $0x0  }
0x1d: {  	[sflag:s14] =	ssyncadd.s32 @p0 $0xFFFFF000  }
0x1e: {  	[tilespmem:s13], [sflag:$0x2] =	stream.linear.gather @p0 [hbm4b:s10+s13], $0x10, $0x38;
	[tilespmem:$0x2080] =	vst v63  }
0x1f: {  	_ =	swait.ge @p0 [sflag:s14], $0x10  }
0x20: {  	[sflag:s14] =	ssyncset.done @p0 $0x0  }
0x21: {  	s18 =	simm.s32 @p0 $0x10;
	[sflag:s14] =	ssyncadd.s32 @p0 $0xFFFFFFF0  }
0x22: {  	[tilespmem:s17], [sflag:$0x1] =	stream.indirect.gather @p0 [hbm4b:s2+s18], $0x40, s13, s18, $0xb8;
	[tilespmem:$0x2080] =	vst v63  }
0x23: {  	_ =	swait.ge @p0 [sflag:s15], $0x400  }
0x24: {  	[sflag:s15] =	ssyncset.done @p0 $0x0  }
0x25: {  	[sflag:s15] =	ssyncadd.s32 @p0 $0xFFFFFC00  }
0x26: {  	[hbm4b:s9+s13] =	stream.linear.scatter @p0 [tilespmem:s17], [sflag:$0x2], $0x400, $0x38;
	[tilespmem:$0x2080] =	vst v63  }
0x27: {  	_ =	swait.ge @p0 [sflag:s14], $0x400  }
0x28: {  	[sflag:s14] =	ssyncset.done @p0 $0x0  }
0x29: {  	s20 =	simm.s32 @!p0 $0x0;
	s19 =	simm.s32 @!p0 $0x2;
	[sflag:s14] =	ssyncadd.s32 @p0 $0xFFFFFC00  }
0x2a: {  	[tilespmem:s20], [sflag:$0x2] =	stream.linear.gather @!p0 [hbm4b:s8+s20], $0x80, $0x38;
	[tilespmem:$0x2080] =	vst v63  }
0x2b: {  	_ =	swait.ge @!p0 [sflag:s19], $0x80  }
0x2c: {  	[sflag:s19] =	ssyncset.done @!p0 $0x0  }
0x2d: {  	s21 =	simm.s32 @!p0 $0x80;
	s22 =	simm.s32 @!p0 $0x1;
	[sflag:s19] =	ssyncadd.s32 @!p0 $0xFFFFFF80  }
0x2e: {  	[tilespmem:s21], [sflag:$0x1] =	stream.indirect.gather @!p0 [hbm4b:s2+s21], $0x40, s20, s21, $0xb8;
	[tilespmem:$0x2080] =	vst v63  }
0x2f: {  	_ =	swait.ge @!p0 [sflag:s22], $0x2000  }
0x30: {  	[sflag:s22] =	ssyncset.done @!p0 $0x0  }
0x31: {  	[sflag:s22] =	ssyncadd.s32 @!p0 $0xFFFFE000  }
0x32: {  	[hbm4b:s6+s20] =	stream.linear.scatter @!p0 [tilespmem:s21], [sflag:$0x2], $0x2000, $0x38;
	[tilespmem:$0x2080] =	vst v63  }
0x33: {  	_ =	swait.ge @!p0 [sflag:s19], $0x2000  }
0x34: {  	[sflag:s19] =	ssyncset.done @!p0 $0x0  }
0x35: {  	[sflag:s19] =	ssyncadd.s32 @!p0 $0xFFFFE000  }
0x36: {  	[tilespmem:s20], [sflag:$0x2] =	stream.linear.gather @!p0 [hbm4b:s7+s20], $0x80, $0x38;
	[tilespmem:$0x2080] =	vst v63  }
0x37: {  	_ =	swait.ge @!p0 [sflag:s19], $0x80  }
0x38: {  	[sflag:s19] =	ssyncset.done @!p0 $0x0  }
0x39: {  	[sflag:s19] =	ssyncadd.s32 @!p0 $0xFFFFFF80  }
0x3a: {  	[tilespmem:s21], [sflag:$0x1] =	stream.indirect.gather @!p0 [hbm4b:s2+s21], $0x40, s20, s21, $0xb8;
	[tilespmem:$0x2080] =	vst v63  }
0x3b: {  	_ =	swait.ge @!p0 [sflag:s22], $0x2000  }
0x3c: {  	[sflag:s22] =	ssyncset.done @!p0 $0x0  }
0x3d: {  	[sflag:s22] =	ssyncadd.s32 @!p0 $0xFFFFE000  }
0x3e: {  	[hbm4b:s5+s20] =	stream.linear.scatter @!p0 [tilespmem:s21], [sflag:$0x2], $0x2000, $0x38;
	[tilespmem:$0x2080] =	vst v63  }
0x3f: {  	_ =	swait.ge @!p0 [sflag:s19], $0x2000  }
0x40: {  	[sflag:s19] =	ssyncset.done @!p0 $0x0  }
0x41: {  	[sflag:s19] =	ssyncadd.s32 @!p0 $0xFFFFE000  }
0x42: {  	[tilespmem:s20], [sflag:$0x2] =	stream.linear.gather @!p0 [hbm4b:s4+s20], $0x40, $0x38;
	[tilespmem:$0x2080] =	vst v63  }
0x43: {  	_ =	swait.ge @!p0 [sflag:s19], $0x40  }
0x44: {  	[sflag:s19] =	ssyncset.done @!p0 $0x0  }
0x45: {  	s23 =	simm.s32 @!p0 $0x40;
	s24 =	sadd.s32 $0xFFFFFFFF, s24;
	[sflag:s19] =	ssyncadd.s32 @!p0 $0xFFFFFFC0  }
0x46: {  	[tilespmem:s21], [sflag:$0x1] =	stream.indirect.gather @!p0 [hbm4b:s2+s23], $0x40, s20, s23, $0xb8;
	[tilespmem:$0x2080] =	vst v63  }
0x47: {  	p2 =	sne.s32 s24, $0x0;
	_ =	swait.ge @!p0 [sflag:s22], $0x1000  }
.Ltmp1:
0x48: {  	[sflag:s22] =	ssyncset.done @!p0 $0x0;
	(pc) =	sbr.rel @!p2 .LBB2_3-.Ltmp1, $4  }
0x49: {  	[sflag:s22] =	ssyncadd.s32 @!p0 $0xFFFFF000  }
0x4a: {  	[hbm4b:s3+s20] =	stream.linear.scatter @!p0 [tilespmem:s21], [sflag:$0x2], $0x1000, $0x38;
	[tilespmem:$0x2080] =	vst v63  }
0x4b: {  	_ =	swait.ge @!p0 [sflag:s19], $0x1000  }
0x4c: {  	p1 =	por $0x1, $0x1;
	[sflag:s19] =	ssyncset.done @!p0 $0x0  }
.LBB2_2:
0x4d: {  	[sflag:s19] =	ssyncadd.s32 @!p0 $0xFFFFF000  }
0x4e: {  	[tilespmem:s13], [sflag:$0x2] =	stream.linear.gather @p0 [hbm4b:s12+s13], $0x40, $0x38;
	[tilespmem:$0x2080] =	vst v63  }
0x4f: {  	s24 =	sadd.s32 $0xFFFFFFFF, s24;
	_ =	swait.ge @p0 [sflag:s14], $0x40  }
0x50: {  	p2 =	sne.s32 s24, $0x0;
	[sflag:s14] =	ssyncset.done @p0 $0x0  }
0x51: {  	[sflag:s14] =	ssyncadd.s32 @p0 $0xFFFFFFC0  }
0x52: {  	[tilespmem:s17], [sflag:$0x1] =	stream.indirect.gather @p0 [hbm4b:s2+s16], $0x40, s13, s16, $0xb8;
	[tilespmem:$0x2080] =	vst v63  }
0x53: {  	_ =	swait.ge @p0 [sflag:s15], $0x1000  }
0x54: {  	[sflag:s15] =	ssyncset.done @p0 $0x0  }
0x55: {  	[sflag:s15] =	ssyncadd.s32 @p0 $0xFFFFF000  }
0x56: {  	[hbm4b:s11+s13] =	stream.linear.scatter @p0 [tilespmem:s17], [sflag:$0x2], $0x1000, $0x38;
	[tilespmem:$0x2080] =	vst v63  }
0x57: {  	_ =	swait.ge @p0 [sflag:s14], $0x1000  }
0x58: {  	[sflag:s14] =	ssyncset.done @p0 $0x0  }
0x59: {  	[sflag:s14] =	ssyncadd.s32 @p0 $0xFFFFF000  }
0x5a: {  	[tilespmem:s13], [sflag:$0x2] =	stream.linear.gather @p0 [hbm4b:s10+s13], $0x10, $0x38;
	[tilespmem:$0x2080] =	vst v63  }
0x5b: {  	_ =	swait.ge @p0 [sflag:s14], $0x10  }
0x5c: {  	[sflag:s14] =	ssyncset.done @p0 $0x0  }
0x5d: {  	[sflag:s14] =	ssyncadd.s32 @p0 $0xFFFFFFF0  }
0x5e: {  	[tilespmem:s17], [sflag:$0x1] =	stream.indirect.gather @p0 [hbm4b:s2+s18], $0x40, s13, s18, $0xb8;
	[tilespmem:$0x2080] =	vst v63  }
0x5f: {  	_ =	swait.ge @p0 [sflag:s15], $0x400  }
0x60: {  	[sflag:s15] =	ssyncset.done @p0 $0x0  }
0x61: {  	[sflag:s15] =	ssyncadd.s32 @p0 $0xFFFFFC00  }
0x62: {  	[hbm4b:s9+s13] =	stream.linear.scatter @p0 [tilespmem:s17], [sflag:$0x2], $0x400, $0x38;
	[tilespmem:$0x2080] =	vst v63  }
0x63: {  	_ =	swait.ge @p0 [sflag:s14], $0x400  }
0x64: {  	[sflag:s14] =	ssyncset.done @p0 $0x0  }
0x65: {  	[sflag:s14] =	ssyncadd.s32 @p0 $0xFFFFFC00  }
0x66: {  	[tilespmem:s20], [sflag:$0x2] =	stream.linear.gather @!p0 [hbm4b:s8+s20], $0x80, $0x38;
	[tilespmem:$0x2080] =	vst v63  }
0x67: {  	_ =	swait.ge @!p0 [sflag:s19], $0x80  }
0x68: {  	[sflag:s19] =	ssyncset.done @!p0 $0x0  }
0x69: {  	[sflag:s19] =	ssyncadd.s32 @!p0 $0xFFFFFF80  }
0x6a: {  	[tilespmem:s21], [sflag:$0x1] =	stream.indirect.gather @!p0 [hbm4b:s2+s21], $0x40, s20, s21, $0xb8;
	[tilespmem:$0x2080] =	vst v63  }
0x6b: {  	_ =	swait.ge @!p0 [sflag:s22], $0x2000  }
0x6c: {  	[sflag:s22] =	ssyncset.done @!p0 $0x0  }
0x6d: {  	[sflag:s22] =	ssyncadd.s32 @!p0 $0xFFFFE000  }
0x6e: {  	[hbm4b:s6+s20] =	stream.linear.scatter @!p0 [tilespmem:s21], [sflag:$0x2], $0x2000, $0x38;
	[tilespmem:$0x2080] =	vst v63  }
0x6f: {  	_ =	swait.ge @!p0 [sflag:s19], $0x2000  }
0x70: {  	[sflag:s19] =	ssyncset.done @!p0 $0x0  }
0x71: {  	[sflag:s19] =	ssyncadd.s32 @!p0 $0xFFFFE000  }
0x72: {  	[tilespmem:s20], [sflag:$0x2] =	stream.linear.gather @!p0 [hbm4b:s7+s20], $0x80, $0x38;
	[tilespmem:$0x2080] =	vst v63  }
0x73: {  	_ =	swait.ge @!p0 [sflag:s19], $0x80  }
0x74: {  	[sflag:s19] =	ssyncset.done @!p0 $0x0  }
0x75: {  	[sflag:s19] =	ssyncadd.s32 @!p0 $0xFFFFFF80  }
0x76: {  	[tilespmem:s21], [sflag:$0x1] =	stream.indirect.gather @!p0 [hbm4b:s2+s21], $0x40, s20, s21, $0xb8;
	[tilespmem:$0x2080] =	vst v63  }
0x77: {  	_ =	swait.ge @!p0 [sflag:s22], $0x2000  }
0x78: {  	[sflag:s22] =	ssyncset.done @!p0 $0x0  }
0x79: {  	[sflag:s22] =	ssyncadd.s32 @!p0 $0xFFFFE000  }
0x7a: {  	[hbm4b:s5+s20] =	stream.linear.scatter @!p0 [tilespmem:s21], [sflag:$0x2], $0x2000, $0x38;
	[tilespmem:$0x2080] =	vst v63  }
0x7b: {  	_ =	swait.ge @!p0 [sflag:s19], $0x2000  }
0x7c: {  	[sflag:s19] =	ssyncset.done @!p0 $0x0  }
0x7d: {  	[sflag:s19] =	ssyncadd.s32 @!p0 $0xFFFFE000  }
0x7e: {  	[tilespmem:s20], [sflag:$0x2] =	stream.linear.gather @!p0 [hbm4b:s4+s20], $0x40, $0x38;
	[tilespmem:$0x2080] =	vst v63  }
0x7f: {  	_ =	swait.ge @!p0 [sflag:s19], $0x40  }
0x80: {  	[sflag:s19] =	ssyncset.done @!p0 $0x0  }
0x81: {  	[sflag:s19] =	ssyncadd.s32 @!p0 $0xFFFFFFC0  }
0x82: {  	[tilespmem:s21], [sflag:$0x1] =	stream.indirect.gather @!p0 [hbm4b:s2+s23], $0x40, s20, s23, $0xb8;
	[tilespmem:$0x2080] =	vst v63  }
0x83: {  	_ =	swait.ge @!p0 [sflag:s22], $0x1000  }
.Ltmp2:
0x84: {  	[sflag:s22] =	ssyncset.done @!p0 $0x0;
	(pc) =	sbr.rel @p2 .LBB2_2-.Ltmp2, $4  }
0x85: {  	[sflag:s22] =	ssyncadd.s32 @!p0 $0xFFFFF000  }
0x86: {  	[hbm4b:s3+s20] =	stream.linear.scatter @!p0 [tilespmem:s21], [sflag:$0x2], $0x1000, $0x38;
	[tilespmem:$0x2080] =	vst v63  }
0x87: {  	_ =	swait.ge @!p0 [sflag:s19], $0x1000  }
0x88: {  	[sflag:s19] =	ssyncset.done @!p0 $0x0  }
.LBB2_3:
0x89: {  	p1 =	por p0, !p1  }
0x8a: {  	s13 =	simm.s32 @p0 $0x0;
	s14 =	simm.s32 @p0 $0x2;
	[sflag:s19] =	ssyncadd.s32 @!p1 $0xFFFFF000  }
0x8b: {  	[tilespmem:s13], [sflag:$0x2] =	stream.linear.gather @p0 [hbm4b:s12+s13], $0x40, $0x38;
	[tilespmem:$0x2080] =	vst v63  }
0x8c: {  	_ =	swait.ge @p0 [sflag:s14], $0x40  }
0x8d: {  	s15 =	simm.s32 @p0 $0x40;
	[sflag:s14] =	ssyncset.done @p0 $0x0  }
0x8e: {  	s16 =	simm.s32 @p0 $0x80;
	s12 =	simm.s32 @p0 $0x1;
	[sflag:s14] =	ssyncadd.s32 @p0 $0xFFFFFFC0  }
0x8f: {  	[tilespmem:s16], [sflag:$0x1] =	stream.indirect.gather @p0 [hbm4b:s2+s15], $0x40, s13, s15, $0xb8;
	[tilespmem:$0x2080] =	vst v63  }
0x90: {  	_ =	swait.ge @p0 [sflag:s12], $0x1000  }
0x91: {  	[sflag:s12] =	ssyncset.done @p0 $0x0  }
0x92: {  	[sflag:s12] =	ssyncadd.s32 @p0 $0xFFFFF000  }
0x93: {  	[hbm4b:s11+s13] =	stream.linear.scatter @p0 [tilespmem:s16], [sflag:$0x2], $0x1000, $0x38;
	[tilespmem:$0x2080] =	vst v63  }
0x94: {  	_ =	swait.ge @p0 [sflag:s14], $0x1000  }
0x95: {  	[sflag:s14] =	ssyncset.done @p0 $0x0  }
0x96: {  	[sflag:s14] =	ssyncadd.s32 @p0 $0xFFFFF000  }
0x97: {  	[tilespmem:s13], [sflag:$0x2] =	stream.linear.gather @p0 [hbm4b:s10+s13], $0x10, $0x38;
	[tilespmem:$0x2080] =	vst v63  }
0x98: {  	_ =	swait.ge @p0 [sflag:s14], $0x10  }
0x99: {  	[sflag:s14] =	ssyncset.done @p0 $0x0  }
0x9a: {  	s10 =	simm.s32 @p0 $0x10;
	[sflag:s14] =	ssyncadd.s32 @p0 $0xFFFFFFF0  }
0x9b: {  	[tilespmem:s16], [sflag:$0x1] =	stream.indirect.gather @p0 [hbm4b:s2+s10], $0x40, s13, s10, $0xb8;
	[tilespmem:$0x2080] =	vst v63  }
0x9c: {  	_ =	swait.ge @p0 [sflag:s12], $0x400  }
0x9d: {  	[sflag:s12] =	ssyncset.done @p0 $0x0  }
0x9e: {  	[sflag:s12] =	ssyncadd.s32 @p0 $0xFFFFFC00  }
0x9f: {  	[hbm4b:s9+s13] =	stream.linear.scatter @p0 [tilespmem:s16], [sflag:$0x2], $0x400, $0x38;
	[tilespmem:$0x2080] =	vst v63  }
0xa0: {  	_ =	swait.ge @p0 [sflag:s14], $0x400  }
0xa1: {  	[sflag:s14] =	ssyncset.done @p0 $0x0  }
0xa2: {  	s10 =	simm.s32 @!p0 $0x2;
	s9 =	simm.s32 @!p0 $0x0;
	[sflag:s14] =	ssyncadd.s32 @p0 $0xFFFFFC00  }
0xa3: {  	[tilespmem:s9], [sflag:$0x2] =	stream.linear.gather @!p0 [hbm4b:s8+s9], $0x80, $0x38;
	[tilespmem:$0x2080] =	vst v63  }
0xa4: {  	_ =	swait.ge @!p0 [sflag:s10], $0x80  }
0xa5: {  	[sflag:s10] =	ssyncset.done @!p0 $0x0  }
0xa6: {  	s11 =	simm.s32 @!p0 $0x1;
	s8 =	simm.s32 @!p0 $0x80;
	[sflag:s10] =	ssyncadd.s32 @!p0 $0xFFFFFF80  }
0xa7: {  	[tilespmem:s8], [sflag:$0x1] =	stream.indirect.gather @!p0 [hbm4b:s2+s8], $0x40, s9, s8, $0xb8;
	[tilespmem:$0x2080] =	vst v63  }
0xa8: {  	_ =	swait.ge @!p0 [sflag:s11], $0x2000  }
0xa9: {  	[sflag:s11] =	ssyncset.done @!p0 $0x0  }
0xaa: {  	[sflag:s11] =	ssyncadd.s32 @!p0 $0xFFFFE000  }
0xab: {  	[hbm4b:s6+s9] =	stream.linear.scatter @!p0 [tilespmem:s8], [sflag:$0x2], $0x2000, $0x38;
	[tilespmem:$0x2080] =	vst v63  }
0xac: {  	_ =	swait.ge @!p0 [sflag:s10], $0x2000  }
0xad: {  	[sflag:s10] =	ssyncset.done @!p0 $0x0  }
0xae: {  	[sflag:s10] =	ssyncadd.s32 @!p0 $0xFFFFE000  }
0xaf: {  	[tilespmem:s9], [sflag:$0x2] =	stream.linear.gather @!p0 [hbm4b:s7+s9], $0x80, $0x38;
	[tilespmem:$0x2080] =	vst v63  }
0xb0: {  	_ =	swait.ge @!p0 [sflag:s10], $0x80  }
0xb1: {  	[sflag:s10] =	ssyncset.done @!p0 $0x0  }
0xb2: {  	[sflag:s10] =	ssyncadd.s32 @!p0 $0xFFFFFF80  }
0xb3: {  	[tilespmem:s8], [sflag:$0x1] =	stream.indirect.gather @!p0 [hbm4b:s2+s8], $0x40, s9, s8, $0xb8;
	[tilespmem:$0x2080] =	vst v63  }
0xb4: {  	_ =	swait.ge @!p0 [sflag:s11], $0x2000  }
0xb5: {  	[sflag:s11] =	ssyncset.done @!p0 $0x0  }
0xb6: {  	[sflag:s11] =	ssyncadd.s32 @!p0 $0xFFFFE000  }
0xb7: {  	[hbm4b:s5+s9] =	stream.linear.scatter @!p0 [tilespmem:s8], [sflag:$0x2], $0x2000, $0x38;
	[tilespmem:$0x2080] =	vst v63  }
0xb8: {  	_ =	swait.ge @!p0 [sflag:s10], $0x2000  }
0xb9: {  	[sflag:s10] =	ssyncset.done @!p0 $0x0  }
0xba: {  	[sflag:s10] =	ssyncadd.s32 @!p0 $0xFFFFE000  }
0xbb: {  	[tilespmem:s9], [sflag:$0x2] =	stream.linear.gather @!p0 [hbm4b:s4+s9], $0x40, $0x38;
	[tilespmem:$0x2080] =	vst v63  }
0xbc: {  	_ =	swait.ge @!p0 [sflag:s10], $0x40  }
0xbd: {  	[sflag:s10] =	ssyncset.done @!p0 $0x0  }
0xbe: {  	s4 =	simm.s32 @!p0 $0x40;
	[sflag:s10] =	ssyncadd.s32 @!p0 $0xFFFFFFC0  }
0xbf: {  	[tilespmem:s8], [sflag:$0x1] =	stream.indirect.gather @!p0 [hbm4b:s2+s4], $0x40, s9, s4, $0xb8;
	[tilespmem:$0x2080] =	vst v63  }
0xc0: {  	_ =	swait.ge @!p0 [sflag:s11], $0x1000  }
0xc1: {  	[sflag:s11] =	ssyncset.done @!p0 $0x0  }
0xc2: {  	[sflag:s11] =	ssyncadd.s32 @!p0 $0xFFFFF000  }
0xc3: {  	[hbm4b:s3+s9] =	stream.linear.scatter @!p0 [tilespmem:s8], [sflag:$0x2], $0x1000, $0x38;
	[tilespmem:$0x2080] =	vst v63  }
0xc4: {  	_ =	swait.ge @!p0 [sflag:s10], $0x1000  }
0xc5: {  	[sflag:s10] =	ssyncset.done @!p0 $0x0  }
0xc6: {  	[sflag:s10] =	ssyncadd.s32 @!p0 $0xFFFFF000  }
0xc7: {  	_ =	sfence.sel $0x180000  }
0xc8: {  	[bflag:$0x0] =	sbarrier.arrive $0xFFFF  }
0xc9: {  	p0 =	sne.s32 s1, $0x0;
	_ =	strace $0x90000047  }
0xca: {  	s0 =	sadd.s32 @!p0 $0x100000, s0;
	[bflag:$0x2] =	sbarrier.arrive $0xFFFF  }
0xcb: {  	[sflag:s0] =	ssyncadd.tile.s32 @!p0 $0x1;
	_ =	shalt  }
.Lfunc_end2:
_tile_overlayer_lowered:
.L_overlay_start_2:
0xcc: {  	(tag) =	ssettag $0x2  }
0xcd: {  	s0 =	rddreg [dreg:$0x0];
	s2 =	stileid.u32  }
0xce: {  	s1 =	rddreg [dreg:$0x1];
	p0 =	sne.s32 s2, $0x0  }
0xcf: {  	s3 =	rddreg [dreg:$0x2];
	[bflag:$0x3] =	sbarrier.arrive $0xFFFF;
	s2 =	simm.s32 @!p0 $0x1C02  }
0xd0: {  	[timem:s3], [sflag:s2] =	dma.local @!p0 [hbm:s0], s1  }
0xd1: {  	s0 =	simm.s32 @!p0 $0x2  }
0xd2: {  	_ =	swait.ge @!p0 [sflag:s0], s1  }
0xd3: {  	s1 =	ssub.s32 @!p0 $0x0, s1;
	[sflag:s0] =	ssyncset.done @!p0 $0x0  }
0xd4: {  	[sflag:s0] =	ssyncadd.s32 @!p0 s1  }
0xd5: {  	[bflag:$0x3] =	sbarrier.arrive $0xFFFF  }
0xd6: {  	_ =	shalt  }

</sc_bundles>
